<compile_context>
chip_gen: v7x
topology: tpu7x:2x2x1
jax: 0.10.2.dev20260603
libtpu: 0.0.44.dev20260713+nightly
codegen_flags: <defaults>
</compile_context>

<pallas_src>
import functools

import jax
import jax.numpy as jnp
from jax import lax
from jax.experimental import pallas as pl
from jax.experimental.pallas import tpu as pltpu
from jax.experimental.pallas import tpu_sc as plsc

_B = 16384
_V = 10
_D = 32
_DP = 128

_cached = {}


def _make_kernel():
    if "k" in _cached:
        return _cached["k"]
    info = plsc.get_sparse_core_info()
    nc, ns, nl = info.num_cores, info.num_subcores, info.num_lanes
    nw = nc * ns
    b_per_w = _B // nw
    n_q = 4
    rows_q = b_per_w // n_q
    mesh = plsc.VectorSubcoreMesh(core_axis_name="c", subcore_axis_name="s")

    @functools.partial(
        pl.kernel,
        mesh=mesh,
        out_type=jax.ShapeDtypeStruct((_B, _D), jnp.float32),
        scratch_types=[
            pltpu.VMEM((b_per_w,), jnp.int32),
            pltpu.VMEM((_V, _D), jnp.float32),
            pltpu.VMEM((_V, _DP), jnp.float32),
            pltpu.VMEM_SHARED((_V, _DP), jnp.float32),
            pltpu.VMEM((2, rows_q, _DP), jnp.float32),
            pltpu.VMEM((b_per_w, _D), jnp.float32),
            pltpu.SemaphoreType.DMA,
            pltpu.SemaphoreType.DMA,
            pltpu.SemaphoreType.DMA,
            pltpu.SemaphoreType.DMA,
            pltpu.SemaphoreType.DMA,
        ],
        compiler_params=pltpu.CompilerParams(needs_layout_passes=False),
    )
    def k(t_hbm, table_hbm, out_hbm, idx_v, table_v, tpad_v, tpad_sh, rows_v,
          out_v, sem_i, sem_t, sem_g0, sem_g1, sem_o):
        sid = lax.axis_index("s")
        wid = sid * nc + lax.axis_index("c")
        base = wid * b_per_w
        cp_i = pltpu.async_copy(t_hbm.at[pl.ds(base, b_per_w)], idx_v, sem_i)

        @pl.when(sid == 0)
        def _stage_table():
            pltpu.sync_copy(table_hbm, table_v)
            for v in range(_V):
                tpad_v[v, pl.ds(0, nl)] = table_v[v, pl.ds(0, nl)]
                tpad_v[v, pl.ds(nl, nl)] = table_v[v, pl.ds(nl, nl)]
            pltpu.sync_copy(tpad_v, tpad_sh)

        plsc.subcore_barrier()
        cp_i.wait()

        g_sems = [sem_g0, sem_g1]

        def fire_gather(q):
            return pltpu.async_copy(
                tpad_sh.at[idx_v.at[pl.ds(q * rows_q, rows_q)]],
                rows_v.at[q % 2],
                g_sems[q % 2],
            )

        cps_g = {0: fire_gather(0)}
        outcps = []
        for q in range(n_q):
            if q + 1 < n_q:
                cps_g[q + 1] = fire_gather(q + 1)
            cps_g[q].wait()
            buf = q % 2

            def body(i, carry, buf=buf, q=q):
                r0 = i * nl
                for j in range(nl):
                    r = r0 + j
                    out_v[q * rows_q + r, pl.ds(0, nl)] = rows_v[buf, r, pl.ds(0, nl)]
                    out_v[q * rows_q + r, pl.ds(nl, nl)] = rows_v[buf, r, pl.ds(nl, nl)]
                return carry

            lax.fori_loop(0, rows_q // nl, body, 0)
            outcps.append(
                pltpu.async_copy(
                    out_v.at[pl.ds(q * rows_q, rows_q)],
                    out_hbm.at[pl.ds(base + q * rows_q, rows_q)],
                    sem_o,
                )
            )
        for cp in outcps:
            cp.wait()

    _cached["k"] = k
    return k


def kernel(t, table):
    k = _make_kernel()
    return k(t.astype(jnp.int32), table.astype(jnp.float32))

# --- scband reference (transcript-rebuilt; emitter-appended) ---
"""Pipeline reference for scband-time-embedding-34428457845158 (READ-ONLY COPY).

The authoritative reference and input builder live on the scoring server;
editing this copy changes nothing except your own understanding.
"""

import jax, jax.numpy as jnp
import numpy as np

def setup_inputs(seed: int = 0) -> dict:
    key = jax.random.key(seed)
    k1, k2 = jax.random.split(key)
    t = jax.random.randint(k1, (16384,), 0, 10, dtype=jnp.int64) if jax.config.jax_enable_x64 else jax.random.randint(k1, (16384,), 0, 10, dtype=jnp.int32)
    table = jax.random.normal(k2, (10, 32), dtype=jnp.float32)
    return {"t": t, "table": table}

def reference(t, table):
    # Faithful translation of nn.Embedding(10, embed_dim) forward: table[t]
    return jnp.take(table, t, axis=0)

if __name__ == "__main__":
    import jax
    _d = setup_inputs()
    print(jax.jit(kernel)(*tuple(_d.values())))

</pallas_src>

<mosaic_0001>
#map = affine_map<(d0, d1) -> (0)>
#map1 = affine_map<(d0, d1) -> (0, 0)>
module attributes {stable_mosaic.version = 14 : i64} {
  func.func @k(%arg0: i32, %arg1: i32, %arg2: memref<16384xi32, #tpu.memory_space<hbm>>, %arg3: memref<10x32xf32, #tpu.memory_space<hbm>>, %arg4: memref<16384x32xf32, #tpu.memory_space<hbm>>, %arg5: memref<512xi32, #tpu.memory_space<vmem>>, %arg6: memref<10x32xf32, #tpu.memory_space<vmem>>, %arg7: memref<10x128xf32, #tpu.memory_space<vmem>>, %arg8: memref<10x128xf32, #tpu.memory_space<vmem_shared>>, %arg9: memref<2x128x128xf32, #tpu.memory_space<vmem>>, %arg10: memref<512x32xf32, #tpu.memory_space<vmem>>, %arg11: memref<!tpu.dma_semaphore, #tpu.memory_space<semaphore_mem>>, %arg12: memref<!tpu.dma_semaphore, #tpu.memory_space<semaphore_mem>>, %arg13: memref<!tpu.dma_semaphore, #tpu.memory_space<semaphore_mem>>, %arg14: memref<!tpu.dma_semaphore, #tpu.memory_space<semaphore_mem>>, %arg15: memref<!tpu.dma_semaphore, #tpu.memory_space<semaphore_mem>>) attributes {dimension_semantics = [#tpu.dimension_semantics<core_parallel>, #tpu.dimension_semantics<subcore_parallel>], iteration_bounds = array<i64: 2, 16>, scalar_prefetch = 0 : i64, scratch_operands = 11 : i64, tpu.core_type = #tpu.core_type<sc_vector_subcore>, window_params = [{transform_indices = #map}, {transform_indices = #map1}, {transform_indices = #map1}]} {
    %mul3A = arith.constant 2 : i32
    %mul3A_0 = arith.muli %arg1, %mul3A : i32
    %add3A = arith.addi %mul3A_0, %arg0 : i32
    %mul3A_1 = arith.constant 512 : i32
    %mul3A_2 = arith.muli %add3A, %mul3A_1 : i32
    %dma_start3A = tpu.memref_slice %arg2[%mul3A_2] : memref<16384xi32, #tpu.memory_space<hbm>> -> memref<512xi32, #tpu.memory_space<hbm>>
    %dma_start3A_3 = tpu.memref_slice %arg2[%mul3A_2] : memref<16384xi32, #tpu.memory_space<hbm>> -> memref<512xi32, #tpu.memory_space<hbm>>
    tpu.enqueue_dma source(%dma_start3A_3 : memref<512xi32, #tpu.memory_space<hbm>>) target(%arg5 : memref<512xi32, #tpu.memory_space<vmem>>) target_semaphore(%arg11 : memref<!tpu.dma_semaphore, #tpu.memory_space<semaphore_mem>>)
    %eq3A = arith.constant 0 : i32
    %eq3A_4 = arith.cmpi eq, %arg1, %eq3A : i32
    %convert_element_type3A = arith.extui %eq3A_4 : i1 to i32
    %cond3A = arith.constant 0 : i32
    %cond3A_5 = arith.cmpi ne, %convert_element_type3A, %cond3A : i32
    scf.if %cond3A_5 {
      "tpu.region"() ({
        %run_scoped3A = tpu.sem_alloc : memref<!tpu.dma_semaphore, #tpu.memory_space<semaphore_mem>>
        tpu.enqueue_dma source(%arg3 : memref<10x32xf32, #tpu.memory_space<hbm>>) target(%arg6 : memref<10x32xf32, #tpu.memory_space<vmem>>) target_semaphore(%run_scoped3A : memref<!tpu.dma_semaphore, #tpu.memory_space<semaphore_mem>>)
        tpu.wait_dma2 semaphore(%run_scoped3A : memref<!tpu.dma_semaphore, #tpu.memory_space<semaphore_mem>>) src(%arg3 : memref<10x32xf32, #tpu.memory_space<hbm>>) dst(%arg6 : memref<10x32xf32, #tpu.memory_space<vmem>>)
        tpu.yield
      }) : () -> ()
      %get3A = arith.constant 0 : i32
      %get3A_198 = arith.index_cast %get3A : i32 to index
      %get3A_199 = arith.constant 0 : index
      %get3A_200 = tpu.vector_load %arg6[%get3A_198, %get3A_199] {strides = array<i32>} : memref<10x32xf32, #tpu.memory_space<vmem>>, vector<16xf32>,
      %swap3A = arith.constant 0 : i32
      %swap3A_201 = arith.index_cast %swap3A : i32 to index
      %swap3A_202 = arith.constant 0 : index
      %swap3A_203 = tpu.vector_load %arg7[%swap3A_201, %swap3A_202] {strides = array<i32>} : memref<10x128xf32, #tpu.memory_space<vmem>>, vector<16xf32>,
      tpu.vector_store %arg7[%swap3A_201, %swap3A_202], %get3A_200 {strides = array<i32>} : memref<10x128xf32, #tpu.memory_space<vmem>>, vector<16xf32>,
      %get3A_204 = arith.constant 0 : i32
      %get3A_205 = arith.index_cast %get3A_204 : i32 to index
      %get3A_206 = arith.constant 16 : index
      %get3A_207 = tpu.vector_load %arg6[%get3A_205, %get3A_206] {strides = array<i32>} : memref<10x32xf32, #tpu.memory_space<vmem>>, vector<16xf32>,
      %swap3A_208 = arith.constant 0 : i32
      %swap3A_209 = arith.index_cast %swap3A_208 : i32 to index
      %swap3A_210 = arith.constant 16 : index
      %swap3A_211 = tpu.vector_load %arg7[%swap3A_209, %swap3A_210] {strides = array<i32>} : memref<10x128xf32, #tpu.memory_space<vmem>>, vector<16xf32>,
      tpu.vector_store %arg7[%swap3A_209, %swap3A_210], %get3A_207 {strides = array<i32>} : memref<10x128xf32, #tpu.memory_space<vmem>>, vector<16xf32>,
      %get3A_212 = arith.constant 1 : i32
      %get3A_213 = arith.index_cast %get3A_212 : i32 to index
      %get3A_214 = arith.constant 0 : index
      %get3A_215 = tpu.vector_load %arg6[%get3A_213, %get3A_214] {strides = array<i32>} : memref<10x32xf32, #tpu.memory_space<vmem>>, vector<16xf32>,
      %swap3A_216 = arith.constant 1 : i32
      %swap3A_217 = arith.index_cast %swap3A_216 : i32 to index
      %swap3A_218 = arith.constant 0 : index
      %swap3A_219 = tpu.vector_load %arg7[%swap3A_217, %swap3A_218] {strides = array<i32>} : memref<10x128xf32, #tpu.memory_space<vmem>>, vector<16xf32>,
      tpu.vector_store %arg7[%swap3A_217, %swap3A_218], %get3A_215 {strides = array<i32>} : memref<10x128xf32, #tpu.memory_space<vmem>>, vector<16xf32>,
      %get3A_220 = arith.constant 1 : i32
      %get3A_221 = arith.index_cast %get3A_220 : i32 to index
      %get3A_222 = arith.constant 16 : index
      %get3A_223 = tpu.vector_load %arg6[%get3A_221, %get3A_222] {strides = array<i32>} : memref<10x32xf32, #tpu.memory_space<vmem>>, vector<16xf32>,
      %swap3A_224 = arith.constant 1 : i32
      %swap3A_225 = arith.index_cast %swap3A_224 : i32 to index
      %swap3A_226 = arith.constant 16 : index
      %swap3A_227 = tpu.vector_load %arg7[%swap3A_225, %swap3A_226] {strides = array<i32>} : memref<10x128xf32, #tpu.memory_space<vmem>>, vector<16xf32>,
      tpu.vector_store %arg7[%swap3A_225, %swap3A_226], %get3A_223 {strides = array<i32>} : memref<10x128xf32, #tpu.memory_space<vmem>>, vector<16xf32>,
      %get3A_228 = arith.constant 2 : i32
      %get3A_229 = arith.index_cast %get3A_228 : i32 to index
      %get3A_230 = arith.constant 0 : index
      %get3A_231 = tpu.vector_load %arg6[%get3A_229, %get3A_230] {strides = array<i32>} : memref<10x32xf32, #tpu.memory_space<vmem>>, vector<16xf32>,
      %swap3A_232 = arith.constant 2 : i32
      %swap3A_233 = arith.index_cast %swap3A_232 : i32 to index
      %swap3A_234 = arith.constant 0 : index
      %swap3A_235 = tpu.vector_load %arg7[%swap3A_233, %swap3A_234] {strides = array<i32>} : memref<10x128xf32, #tpu.memory_space<vmem>>, vector<16xf32>,
      tpu.vector_store %arg7[%swap3A_233, %swap3A_234], %get3A_231 {strides = array<i32>} : memref<10x128xf32, #tpu.memory_space<vmem>>, vector<16xf32>,
      %get3A_236 = arith.constant 2 : i32
      %get3A_237 = arith.index_cast %get3A_236 : i32 to index
      %get3A_238 = arith.constant 16 : index
      %get3A_239 = tpu.vector_load %arg6[%get3A_237, %get3A_238] {strides = array<i32>} : memref<10x32xf32, #tpu.memory_space<vmem>>, vector<16xf32>,
      %swap3A_240 = arith.constant 2 : i32
      %swap3A_241 = arith.index_cast %swap3A_240 : i32 to index
      %swap3A_242 = arith.constant 16 : index
      %swap3A_243 = tpu.vector_load %arg7[%swap3A_241, %swap3A_242] {strides = array<i32>} : memref<10x128xf32, #tpu.memory_space<vmem>>, vector<16xf32>,
      tpu.vector_store %arg7[%swap3A_241, %swap3A_242], %get3A_239 {strides = array<i32>} : memref<10x128xf32, #tpu.memory_space<vmem>>, vector<16xf32>,
      %get3A_244 = arith.constant 3 : i32
      %get3A_245 = arith.index_cast %get3A_244 : i32 to index
      %get3A_246 = arith.constant 0 : index
      %get3A_247 = tpu.vector_load %arg6[%get3A_245, %get3A_246] {strides = array<i32>} : memref<10x32xf32, #tpu.memory_space<vmem>>, vector<16xf32>,
      %swap3A_248 = arith.constant 3 : i32
      %swap3A_249 = arith.index_cast %swap3A_248 : i32 to index
      %swap3A_250 = arith.constant 0 : index
      %swap3A_251 = tpu.vector_load %arg7[%swap3A_249, %swap3A_250] {strides = array<i32>} : memref<10x128xf32, #tpu.memory_space<vmem>>, vector<16xf32>,
      tpu.vector_store %arg7[%swap3A_249, %swap3A_250], %get3A_247 {strides = array<i32>} : memref<10x128xf32, #tpu.memory_space<vmem>>, vector<16xf32>,
      %get3A_252 = arith.constant 3 : i32
      %get3A_253 = arith.index_cast %get3A_252 : i32 to index
      %get3A_254 = arith.constant 16 : index
      %get3A_255 = tpu.vector_load %arg6[%get3A_253, %get3A_254] {strides = array<i32>} : memref<10x32xf32, #tpu.memory_space<vmem>>, vector<16xf32>,
      %swap3A_256 = arith.constant 3 : i32
      %swap3A_257 = arith.index_cast %swap3A_256 : i32 to index
      %swap3A_258 = arith.constant 16 : index
      %swap3A_259 = tpu.vector_load %arg7[%swap3A_257, %swap3A_258] {strides = array<i32>} : memref<10x128xf32, #tpu.memory_space<vmem>>, vector<16xf32>,
      tpu.vector_store %arg7[%swap3A_257, %swap3A_258], %get3A_255 {strides = array<i32>} : memref<10x128xf32, #tpu.memory_space<vmem>>, vector<16xf32>,
      %get3A_260 = arith.constant 4 : i32
      %get3A_261 = arith.index_cast %get3A_260 : i32 to index
      %get3A_262 = arith.constant 0 : index
      %get3A_263 = tpu.vector_load %arg6[%get3A_261, %get3A_262] {strides = array<i32>} : memref<10x32xf32, #tpu.memory_space<vmem>>, vector<16xf32>,
      %swap3A_264 = arith.constant 4 : i32
      %swap3A_265 = arith.index_cast %swap3A_264 : i32 to index
      %swap3A_266 = arith.constant 0 : index
      %swap3A_267 = tpu.vector_load %arg7[%swap3A_265, %swap3A_266] {strides = array<i32>} : memref<10x128xf32, #tpu.memory_space<vmem>>, vector<16xf32>,
      tpu.vector_store %arg7[%swap3A_265, %swap3A_266], %get3A_263 {strides = array<i32>} : memref<10x128xf32, #tpu.memory_space<vmem>>, vector<16xf32>,
      %get3A_268 = arith.constant 4 : i32
      %get3A_269 = arith.index_cast %get3A_268 : i32 to index
      %get3A_270 = arith.constant 16 : index
      %get3A_271 = tpu.vector_load %arg6[%get3A_269, %get3A_270] {strides = array<i32>} : memref<10x32xf32, #tpu.memory_space<vmem>>, vector<16xf32>,
      %swap3A_272 = arith.constant 4 : i32
      %swap3A_273 = arith.index_cast %swap3A_272 : i32 to index
      %swap3A_274 = arith.constant 16 : index
      %swap3A_275 = tpu.vector_load %arg7[%swap3A_273, %swap3A_274] {strides = array<i32>} : memref<10x128xf32, #tpu.memory_space<vmem>>, vector<16xf32>,
      tpu.vector_store %arg7[%swap3A_273, %swap3A_274], %get3A_271 {strides = array<i32>} : memref<10x128xf32, #tpu.memory_space<vmem>>, vector<16xf32>,
      %get3A_276 = arith.constant 5 : i32
      %get3A_277 = arith.index_cast %get3A_276 : i32 to index
      %get3A_278 = arith.constant 0 : index
      %get3A_279 = tpu.vector_load %arg6[%get3A_277, %get3A_278] {strides = array<i32>} : memref<10x32xf32, #tpu.memory_space<vmem>>, vector<16xf32>,
      %swap3A_280 = arith.constant 5 : i32
      %swap3A_281 = arith.index_cast %swap3A_280 : i32 to index
      %swap3A_282 = arith.constant 0 : index
      %swap3A_283 = tpu.vector_load %arg7[%swap3A_281, %swap3A_282] {strides = array<i32>} : memref<10x128xf32, #tpu.memory_space<vmem>>, vector<16xf32>,
      tpu.vector_store %arg7[%swap3A_281, %swap3A_282], %get3A_279 {strides = array<i32>} : memref<10x128xf32, #tpu.memory_space<vmem>>, vector<16xf32>,
      %get3A_284 = arith.constant 5 : i32
      %get3A_285 = arith.index_cast %get3A_284 : i32 to index
      %get3A_286 = arith.constant 16 : index
      %get3A_287 = tpu.vector_load %arg6[%get3A_285, %get3A_286] {strides = array<i32>} : memref<10x32xf32, #tpu.memory_space<vmem>>, vector<16xf32>,
      %swap3A_288 = arith.constant 5 : i32
      %swap3A_289 = arith.index_cast %swap3A_288 : i32 to index
      %swap3A_290 = arith.constant 16 : index
      %swap3A_291 = tpu.vector_load %arg7[%swap3A_289, %swap3A_290] {strides = array<i32>} : memref<10x128xf32, #tpu.memory_space<vmem>>, vector<16xf32>,
      tpu.vector_store %arg7[%swap3A_289, %swap3A_290], %get3A_287 {strides = array<i32>} : memref<10x128xf32, #tpu.memory_space<vmem>>, vector<16xf32>,
      %get3A_292 = arith.constant 6 : i32
      %get3A_293 = arith.index_cast %get3A_292 : i32 to index
      %get3A_294 = arith.constant 0 : index
      %get3A_295 = tpu.vector_load %arg6[%get3A_293, %get3A_294] {strides = array<i32>} : memref<10x32xf32, #tpu.memory_space<vmem>>, vector<16xf32>,
      %swap3A_296 = arith.constant 6 : i32
      %swap3A_297 = arith.index_cast %swap3A_296 : i32 to index
      %swap3A_298 = arith.constant 0 : index
      %swap3A_299 = tpu.vector_load %arg7[%swap3A_297, %swap3A_298] {strides = array<i32>} : memref<10x128xf32, #tpu.memory_space<vmem>>, vector<16xf32>,
      tpu.vector_store %arg7[%swap3A_297, %swap3A_298], %get3A_295 {strides = array<i32>} : memref<10x128xf32, #tpu.memory_space<vmem>>, vector<16xf32>,
      %get3A_300 = arith.constant 6 : i32
      %get3A_301 = arith.index_cast %get3A_300 : i32 to index
      %get3A_302 = arith.constant 16 : index
      %get3A_303 = tpu.vector_load %arg6[%get3A_301, %get3A_302] {strides = array<i32>} : memref<10x32xf32, #tpu.memory_space<vmem>>, vector<16xf32>,
      %swap3A_304 = arith.constant 6 : i32
      %swap3A_305 = arith.index_cast %swap3A_304 : i32 to index
      %swap3A_306 = arith.constant 16 : index
      %swap3A_307 = tpu.vector_load %arg7[%swap3A_305, %swap3A_306] {strides = array<i32>} : memref<10x128xf32, #tpu.memory_space<vmem>>, vector<16xf32>,
      tpu.vector_store %arg7[%swap3A_305, %swap3A_306], %get3A_303 {strides = array<i32>} : memref<10x128xf32, #tpu.memory_space<vmem>>, vector<16xf32>,
      %get3A_308 = arith.constant 7 : i32
      %get3A_309 = arith.index_cast %get3A_308 : i32 to index
      %get3A_310 = arith.constant 0 : index
      %get3A_311 = tpu.vector_load %arg6[%get3A_309, %get3A_310] {strides = array<i32>} : memref<10x32xf32, #tpu.memory_space<vmem>>, vector<16xf32>,
      %swap3A_312 = arith.constant 7 : i32
      %swap3A_313 = arith.index_cast %swap3A_312 : i32 to index
      %swap3A_314 = arith.constant 0 : index
      %swap3A_315 = tpu.vector_load %arg7[%swap3A_313, %swap3A_314] {strides = array<i32>} : memref<10x128xf32, #tpu.memory_space<vmem>>, vector<16xf32>,
      tpu.vector_store %arg7[%swap3A_313, %swap3A_314], %get3A_311 {strides = array<i32>} : memref<10x128xf32, #tpu.memory_space<vmem>>, vector<16xf32>,
      %get3A_316 = arith.constant 7 : i32
      %get3A_317 = arith.index_cast %get3A_316 : i32 to index
      %get3A_318 = arith.constant 16 : index
      %get3A_319 = tpu.vector_load %arg6[%get3A_317, %get3A_318] {strides = array<i32>} : memref<10x32xf32, #tpu.memory_space<vmem>>, vector<16xf32>,
      %swap3A_320 = arith.constant 7 : i32
      %swap3A_321 = arith.index_cast %swap3A_320 : i32 to index
      %swap3A_322 = arith.constant 16 : index
      %swap3A_323 = tpu.vector_load %arg7[%swap3A_321, %swap3A_322] {strides = array<i32>} : memref<10x128xf32, #tpu.memory_space<vmem>>, vector<16xf32>,
      tpu.vector_store %arg7[%swap3A_321, %swap3A_322], %get3A_319 {strides = array<i32>} : memref<10x128xf32, #tpu.memory_space<vmem>>, vector<16xf32>,
      %get3A_324 = arith.constant 8 : i32
      %get3A_325 = arith.index_cast %get3A_324 : i32 to index
      %get3A_326 = arith.constant 0 : index
      %get3A_327 = tpu.vector_load %arg6[%get3A_325, %get3A_326] {strides = array<i32>} : memref<10x32xf32, #tpu.memory_space<vmem>>, vector<16xf32>,
      %swap3A_328 = arith.constant 8 : i32
      %swap3A_329 = arith.index_cast %swap3A_328 : i32 to index
      %swap3A_330 = arith.constant 0 : index
      %swap3A_331 = tpu.vector_load %arg7[%swap3A_329, %swap3A_330] {strides = array<i32>} : memref<10x128xf32, #tpu.memory_space<vmem>>, vector<16xf32>,
      tpu.vector_store %arg7[%swap3A_329, %swap3A_330], %get3A_327 {strides = array<i32>} : memref<10x128xf32, #tpu.memory_space<vmem>>, vector<16xf32>,
      %get3A_332 = arith.constant 8 : i32
      %get3A_333 = arith.index_cast %get3A_332 : i32 to index
      %get3A_334 = arith.constant 16 : index
      %get3A_335 = tpu.vector_load %arg6[%get3A_333, %get3A_334] {strides = array<i32>} : memref<10x32xf32, #tpu.memory_space<vmem>>, vector<16xf32>,
      %swap3A_336 = arith.constant 8 : i32
      %swap3A_337 = arith.index_cast %swap3A_336 : i32 to index
      %swap3A_338 = arith.constant 16 : index
      %swap3A_339 = tpu.vector_load %arg7[%swap3A_337, %swap3A_338] {strides = array<i32>} : memref<10x128xf32, #tpu.memory_space<vmem>>, vector<16xf32>,
      tpu.vector_store %arg7[%swap3A_337, %swap3A_338], %get3A_335 {strides = array<i32>} : memref<10x128xf32, #tpu.memory_space<vmem>>, vector<16xf32>,
      %get3A_340 = arith.constant 9 : i32
      %get3A_341 = arith.index_cast %get3A_340 : i32 to index
      %get3A_342 = arith.constant 0 : index
      %get3A_343 = tpu.vector_load %arg6[%get3A_341, %get3A_342] {strides = array<i32>} : memref<10x32xf32, #tpu.memory_space<vmem>>, vector<16xf32>,
      %swap3A_344 = arith.constant 9 : i32
      %swap3A_345 = arith.index_cast %swap3A_344 : i32 to index
      %swap3A_346 = arith.constant 0 : index
      %swap3A_347 = tpu.vector_load %arg7[%swap3A_345, %swap3A_346] {strides = array<i32>} : memref<10x128xf32, #tpu.memory_space<vmem>>, vector<16xf32>,
      tpu.vector_store %arg7[%swap3A_345, %swap3A_346], %get3A_343 {strides = array<i32>} : memref<10x128xf32, #tpu.memory_space<vmem>>, vector<16xf32>,
      %get3A_348 = arith.constant 9 : i32
      %get3A_349 = arith.index_cast %get3A_348 : i32 to index
      %get3A_350 = arith.constant 16 : index
      %get3A_351 = tpu.vector_load %arg6[%get3A_349, %get3A_350] {strides = array<i32>} : memref<10x32xf32, #tpu.memory_space<vmem>>, vector<16xf32>,
      %swap3A_352 = arith.constant 9 : i32
      %swap3A_353 = arith.index_cast %swap3A_352 : i32 to index
      %swap3A_354 = arith.constant 16 : index
      %swap3A_355 = tpu.vector_load %arg7[%swap3A_353, %swap3A_354] {strides = array<i32>} : memref<10x128xf32, #tpu.memory_space<vmem>>, vector<16xf32>,
      tpu.vector_store %arg7[%swap3A_353, %swap3A_354], %get3A_351 {strides = array<i32>} : memref<10x128xf32, #tpu.memory_space<vmem>>, vector<16xf32>,
      "tpu.region"() ({
        %run_scoped3A = tpu.sem_alloc : memref<!tpu.dma_semaphore, #tpu.memory_space<semaphore_mem>>
        tpu.enqueue_dma source(%arg7 : memref<10x128xf32, #tpu.memory_space<vmem>>) target(%arg8 : memref<10x128xf32, #tpu.memory_space<vmem_shared>>) target_semaphore(%run_scoped3A : memref<!tpu.dma_semaphore, #tpu.memory_space<semaphore_mem>>)
        tpu.wait_dma2 semaphore(%run_scoped3A : memref<!tpu.dma_semaphore, #tpu.memory_space<semaphore_mem>>) src(%arg7 : memref<10x128xf32, #tpu.memory_space<vmem>>) dst(%arg8 : memref<10x128xf32, #tpu.memory_space<vmem_shared>>)
        tpu.yield
      }) : () -> ()
    } else {
    }
    %barrier3A = arith.constant 0 : index
    tpu.barrier barrier_id(%barrier3A)
    %dma_wait3A = tpu.memref_slice %arg2[%mul3A_2] : memref<16384xi32, #tpu.memory_space<hbm>> -> memref<512xi32, #tpu.memory_space<hbm>>
    %dma_wait3A_6 = tpu.memref_slice %arg2[%mul3A_2] : memref<16384xi32, #tpu.memory_space<hbm>> -> memref<512xi32, #tpu.memory_space<hbm>>
    tpu.wait_dma2 semaphore(%arg11 : memref<!tpu.dma_semaphore, #tpu.memory_space<semaphore_mem>>) src(%dma_wait3A_6 : memref<512xi32, #tpu.memory_space<hbm>>) dst(%arg5 : memref<512xi32, #tpu.memory_space<vmem>>)
    %dma_start3A_7 = arith.constant 0 : i32
    %dma_start3A_8 = arith.constant 0 : i32
    %dma_start3A_9 = arith.constant 0 : i32
    %dma_start3A_10 = tpu.memref_slice %arg9[%dma_start3A_7, %dma_start3A_8, %dma_start3A_9] : memref<2x128x128xf32, #tpu.memory_space<vmem>> -> memref<1x128x128xf32, #tpu.memory_space<vmem>>
    %dma_start3A_11 = tpu.memref_squeeze %dma_start3A_10 : memref<1x128x128xf32, #tpu.memory_space<vmem>> -> memref<128x128xf32, #tpu.memory_space<vmem>>
    %dma_start3A_12 = arith.constant 0 : i32
    %dma_start3A_13 = tpu.memref_slice %arg5[%dma_start3A_12] : memref<512xi32, #tpu.memory_space<vmem>> -> memref<128xi32, #tpu.memory_space<vmem>>
    %dma_start3A_14 = arith.constant 0 : i32
    %dma_start3A_15 = arith.constant 0 : i32
    %dma_start3A_16 = tpu.memref_slice %arg8[%dma_start3A_14, %dma_start3A_15] : memref<10x128xf32, #tpu.memory_space<vmem_shared>> -> memref<10x128xf32, #tpu.memory_space<vmem_shared>>
    tpu.enqueue_indirect_dma source(%dma_start3A_16 : memref<10x128xf32, #tpu.memory_space<vmem_shared>>) target(%dma_start3A_11 : memref<128x128xf32, #tpu.memory_space<vmem>>) offsets(%dma_start3A_13 : memref<128xi32, #tpu.memory_space<vmem>>) semaphore(%arg13 : memref<!tpu.dma_semaphore, #tpu.memory_space<semaphore_mem>>)
    %dma_start3A_17 = arith.constant 1 : i32
    %dma_start3A_18 = arith.constant 0 : i32
    %dma_start3A_19 = arith.constant 0 : i32
    %dma_start3A_20 = tpu.memref_slice %arg9[%dma_start3A_17, %dma_start3A_18, %dma_start3A_19] : memref<2x128x128xf32, #tpu.memory_space<vmem>> -> memref<1x128x128xf32, #tpu.memory_space<vmem>>
    %dma_start3A_21 = tpu.memref_squeeze %dma_start3A_20 : memref<1x128x128xf32, #tpu.memory_space<vmem>> -> memref<128x128xf32, #tpu.memory_space<vmem>>
    %dma_start3A_22 = arith.constant 128 : i32
    %dma_start3A_23 = tpu.memref_slice %arg5[%dma_start3A_22] : memref<512xi32, #tpu.memory_space<vmem>> -> memref<128xi32, #tpu.memory_space<vmem>>
    %dma_start3A_24 = arith.constant 0 : i32
    %dma_start3A_25 = arith.constant 0 : i32
    %dma_start3A_26 = tpu.memref_slice %arg8[%dma_start3A_24, %dma_start3A_25] : memref<10x128xf32, #tpu.memory_space<vmem_shared>> -> memref<10x128xf32, #tpu.memory_space<vmem_shared>>
    tpu.enqueue_indirect_dma source(%dma_start3A_26 : memref<10x128xf32, #tpu.memory_space<vmem_shared>>) target(%dma_start3A_21 : memref<128x128xf32, #tpu.memory_space<vmem>>) offsets(%dma_start3A_23 : memref<128xi32, #tpu.memory_space<vmem>>) semaphore(%arg14 : memref<!tpu.dma_semaphore, #tpu.memory_space<semaphore_mem>>)
    %dma_wait3A_27 = arith.constant 0 : i32
    %dma_wait3A_28 = arith.constant 0 : i32
    %dma_wait3A_29 = arith.constant 0 : i32
    %dma_wait3A_30 = tpu.memref_slice %arg9[%dma_wait3A_27, %dma_wait3A_28, %dma_wait3A_29] : memref<2x128x128xf32, #tpu.memory_space<vmem>> -> memref<1x128x128xf32, #tpu.memory_space<vmem>>
    %dma_wait3A_31 = tpu.memref_squeeze %dma_wait3A_30 : memref<1x128x128xf32, #tpu.memory_space<vmem>> -> memref<128x128xf32, #tpu.memory_space<vmem>>
    %dma_wait3A_32 = arith.constant 0 : i32
    %dma_wait3A_33 = tpu.memref_slice %arg5[%dma_wait3A_32] : memref<512xi32, #tpu.memory_space<vmem>> -> memref<128xi32, #tpu.memory_space<vmem>>
    %dma_wait3A_34 = arith.constant 0 : i32
    %dma_wait3A_35 = arith.constant 0 : i32
    %dma_wait3A_36 = tpu.memref_slice %arg8[%dma_wait3A_34, %dma_wait3A_35] : memref<10x128xf32, #tpu.memory_space<vmem_shared>> -> memref<10x128xf32, #tpu.memory_space<vmem_shared>>
    tpu.wait_indirect_dma semaphore(%arg13 : memref<!tpu.dma_semaphore, #tpu.memory_space<semaphore_mem>>) src(%dma_wait3A_36 : memref<10x128xf32, #tpu.memory_space<vmem_shared>>) dst(%dma_wait3A_31 : memref<128x128xf32, #tpu.memory_space<vmem>>)
    %scan3A = arith.constant 0 : i32
    %scan3A_37 = arith.constant 0 : i32
    %scan3A_38 = arith.constant 8 : i32
    %scan3A_39 = arith.addi %scan3A_37, %scan3A_38 : i32
    %scan3A_40 = arith.constant 1 : i32
    scf.for %scan3A_198 = %scan3A_37 to %scan3A_39 step %scan3A_40  : i32 {
      %mul3A_199 = arith.constant 16 : i32
      %mul3A_200 = arith.muli %scan3A_198, %mul3A_199 : i32
      %add3A_201 = arith.constant 0 : i32
      %add3A_202 = arith.addi %mul3A_200, %add3A_201 : i32
      %get3A = arith.constant 0 : i32
      %get3A_203 = arith.index_cast %get3A : i32 to index
      %get3A_204 = arith.index_cast %add3A_202 : i32 to index
      %get3A_205 = arith.constant 0 : index
      %get3A_206 = tpu.vector_load %arg9[%get3A_203, %get3A_204, %get3A_205] {strides = array<i32>} : memref<2x128x128xf32, #tpu.memory_space<vmem>>, vector<16xf32>,
      %add3A_207 = arith.constant 0 : i32
      %add3A_208 = arith.addi %add3A_207, %add3A_202 : i32
      %swap3A = arith.index_cast %add3A_208 : i32 to index
      %swap3A_209 = arith.constant 0 : index
      %swap3A_210 = tpu.vector_load %arg10[%swap3A, %swap3A_209] {strides = array<i32>} : memref<512x32xf32, #tpu.memory_space<vmem>>, vector<16xf32>,
      tpu.vector_store %arg10[%swap3A, %swap3A_209], %get3A_206 {strides = array<i32>} : memref<512x32xf32, #tpu.memory_space<vmem>>, vector<16xf32>,
      %get3A_211 = arith.constant 0 : i32
      %get3A_212 = arith.index_cast %get3A_211 : i32 to index
      %get3A_213 = arith.index_cast %add3A_202 : i32 to index
      %get3A_214 = arith.constant 16 : index
      %get3A_215 = tpu.vector_load %arg9[%get3A_212, %get3A_213, %get3A_214] {strides = array<i32>} : memref<2x128x128xf32, #tpu.memory_space<vmem>>, vector<16xf32>,
      %add3A_216 = arith.constant 0 : i32
      %add3A_217 = arith.addi %add3A_216, %add3A_202 : i32
      %swap3A_218 = arith.index_cast %add3A_217 : i32 to index
      %swap3A_219 = arith.constant 16 : index
      %swap3A_220 = tpu.vector_load %arg10[%swap3A_218, %swap3A_219] {strides = array<i32>} : memref<512x32xf32, #tpu.memory_space<vmem>>, vector<16xf32>,
      tpu.vector_store %arg10[%swap3A_218, %swap3A_219], %get3A_215 {strides = array<i32>} : memref<512x32xf32, #tpu.memory_space<vmem>>, vector<16xf32>,
      %add3A_221 = arith.constant 1 : i32
      %add3A_222 = arith.addi %mul3A_200, %add3A_221 : i32
      %get3A_223 = arith.constant 0 : i32
      %get3A_224 = arith.index_cast %get3A_223 : i32 to index
      %get3A_225 = arith.index_cast %add3A_222 : i32 to index
      %get3A_226 = arith.constant 0 : index
      %get3A_227 = tpu.vector_load %arg9[%get3A_224, %get3A_225, %get3A_226] {strides = array<i32>} : memref<2x128x128xf32, #tpu.memory_space<vmem>>, vector<16xf32>,
      %add3A_228 = arith.constant 0 : i32
      %add3A_229 = arith.addi %add3A_228, %add3A_222 : i32
      %swap3A_230 = arith.index_cast %add3A_229 : i32 to index
      %swap3A_231 = arith.constant 0 : index
      %swap3A_232 = tpu.vector_load %arg10[%swap3A_230, %swap3A_231] {strides = array<i32>} : memref<512x32xf32, #tpu.memory_space<vmem>>, vector<16xf32>,
      tpu.vector_store %arg10[%swap3A_230, %swap3A_231], %get3A_227 {strides = array<i32>} : memref<512x32xf32, #tpu.memory_space<vmem>>, vector<16xf32>,
      %get3A_233 = arith.constant 0 : i32
      %get3A_234 = arith.index_cast %get3A_233 : i32 to index
      %get3A_235 = arith.index_cast %add3A_222 : i32 to index
      %get3A_236 = arith.constant 16 : index
      %get3A_237 = tpu.vector_load %arg9[%get3A_234, %get3A_235, %get3A_236] {strides = array<i32>} : memref<2x128x128xf32, #tpu.memory_space<vmem>>, vector<16xf32>,
      %add3A_238 = arith.constant 0 : i32
      %add3A_239 = arith.addi %add3A_238, %add3A_222 : i32
      %swap3A_240 = arith.index_cast %add3A_239 : i32 to index
      %swap3A_241 = arith.constant 16 : index
      %swap3A_242 = tpu.vector_load %arg10[%swap3A_240, %swap3A_241] {strides = array<i32>} : memref<512x32xf32, #tpu.memory_space<vmem>>, vector<16xf32>,
      tpu.vector_store %arg10[%swap3A_240, %swap3A_241], %get3A_237 {strides = array<i32>} : memref<512x32xf32, #tpu.memory_space<vmem>>, vector<16xf32>,
      %add3A_243 = arith.constant 2 : i32
      %add3A_244 = arith.addi %mul3A_200, %add3A_243 : i32
      %get3A_245 = arith.constant 0 : i32
      %get3A_246 = arith.index_cast %get3A_245 : i32 to index
      %get3A_247 = arith.index_cast %add3A_244 : i32 to index
      %get3A_248 = arith.constant 0 : index
      %get3A_249 = tpu.vector_load %arg9[%get3A_246, %get3A_247, %get3A_248] {strides = array<i32>} : memref<2x128x128xf32, #tpu.memory_space<vmem>>, vector<16xf32>,
      %add3A_250 = arith.constant 0 : i32
      %add3A_251 = arith.addi %add3A_250, %add3A_244 : i32
      %swap3A_252 = arith.index_cast %add3A_251 : i32 to index
      %swap3A_253 = arith.constant 0 : index
      %swap3A_254 = tpu.vector_load %arg10[%swap3A_252, %swap3A_253] {strides = array<i32>} : memref<512x32xf32, #tpu.memory_space<vmem>>, vector<16xf32>,
      tpu.vector_store %arg10[%swap3A_252, %swap3A_253], %get3A_249 {strides = array<i32>} : memref<512x32xf32, #tpu.memory_space<vmem>>, vector<16xf32>,
      %get3A_255 = arith.constant 0 : i32
      %get3A_256 = arith.index_cast %get3A_255 : i32 to index
      %get3A_257 = arith.index_cast %add3A_244 : i32 to index
      %get3A_258 = arith.constant 16 : index
      %get3A_259 = tpu.vector_load %arg9[%get3A_256, %get3A_257, %get3A_258] {strides = array<i32>} : memref<2x128x128xf32, #tpu.memory_space<vmem>>, vector<16xf32>,
      %add3A_260 = arith.constant 0 : i32
      %add3A_261 = arith.addi %add3A_260, %add3A_244 : i32
      %swap3A_262 = arith.index_cast %add3A_261 : i32 to index
      %swap3A_263 = arith.constant 16 : index
      %swap3A_264 = tpu.vector_load %arg10[%swap3A_262, %swap3A_263] {strides = array<i32>} : memref<512x32xf32, #tpu.memory_space<vmem>>, vector<16xf32>,
      tpu.vector_store %arg10[%swap3A_262, %swap3A_263], %get3A_259 {strides = array<i32>} : memref<512x32xf32, #tpu.memory_space<vmem>>, vector<16xf32>,
      %add3A_265 = arith.constant 3 : i32
      %add3A_266 = arith.addi %mul3A_200, %add3A_265 : i32
      %get3A_267 = arith.constant 0 : i32
      %get3A_268 = arith.index_cast %get3A_267 : i32 to index
      %get3A_269 = arith.index_cast %add3A_266 : i32 to index
      %get3A_270 = arith.constant 0 : index
      %get3A_271 = tpu.vector_load %arg9[%get3A_268, %get3A_269, %get3A_270] {strides = array<i32>} : memref<2x128x128xf32, #tpu.memory_space<vmem>>, vector<16xf32>,
      %add3A_272 = arith.constant 0 : i32
      %add3A_273 = arith.addi %add3A_272, %add3A_266 : i32
      %swap3A_274 = arith.index_cast %add3A_273 : i32 to index
      %swap3A_275 = arith.constant 0 : index
      %swap3A_276 = tpu.vector_load %arg10[%swap3A_274, %swap3A_275] {strides = array<i32>} : memref<512x32xf32, #tpu.memory_space<vmem>>, vector<16xf32>,
      tpu.vector_store %arg10[%swap3A_274, %swap3A_275], %get3A_271 {strides = array<i32>} : memref<512x32xf32, #tpu.memory_space<vmem>>, vector<16xf32>,
      %get3A_277 = arith.constant 0 : i32
      %get3A_278 = arith.index_cast %get3A_277 : i32 to index
      %get3A_279 = arith.index_cast %add3A_266 : i32 to index
      %get3A_280 = arith.constant 16 : index
      %get3A_281 = tpu.vector_load %arg9[%get3A_278, %get3A_279, %get3A_280] {strides = array<i32>} : memref<2x128x128xf32, #tpu.memory_space<vmem>>, vector<16xf32>,
      %add3A_282 = arith.constant 0 : i32
      %add3A_283 = arith.addi %add3A_282, %add3A_266 : i32
      %swap3A_284 = arith.index_cast %add3A_283 : i32 to index
      %swap3A_285 = arith.constant 16 : index
      %swap3A_286 = tpu.vector_load %arg10[%swap3A_284, %swap3A_285] {strides = array<i32>} : memref<512x32xf32, #tpu.memory_space<vmem>>, vector<16xf32>,
      tpu.vector_store %arg10[%swap3A_284, %swap3A_285], %get3A_281 {strides = array<i32>} : memref<512x32xf32, #tpu.memory_space<vmem>>, vector<16xf32>,
      %add3A_287 = arith.constant 4 : i32
      %add3A_288 = arith.addi %mul3A_200, %add3A_287 : i32
      %get3A_289 = arith.constant 0 : i32
      %get3A_290 = arith.index_cast %get3A_289 : i32 to index
      %get3A_291 = arith.index_cast %add3A_288 : i32 to index
      %get3A_292 = arith.constant 0 : index
      %get3A_293 = tpu.vector_load %arg9[%get3A_290, %get3A_291, %get3A_292] {strides = array<i32>} : memref<2x128x128xf32, #tpu.memory_space<vmem>>, vector<16xf32>,
      %add3A_294 = arith.constant 0 : i32
      %add3A_295 = arith.addi %add3A_294, %add3A_288 : i32
      %swap3A_296 = arith.index_cast %add3A_295 : i32 to index
      %swap3A_297 = arith.constant 0 : index
      %swap3A_298 = tpu.vector_load %arg10[%swap3A_296, %swap3A_297] {strides = array<i32>} : memref<512x32xf32, #tpu.memory_space<vmem>>, vector<16xf32>,
      tpu.vector_store %arg10[%swap3A_296, %swap3A_297], %get3A_293 {strides = array<i32>} : memref<512x32xf32, #tpu.memory_space<vmem>>, vector<16xf32>,
      %get3A_299 = arith.constant 0 : i32
      %get3A_300 = arith.index_cast %get3A_299 : i32 to index
      %get3A_301 = arith.index_cast %add3A_288 : i32 to index
      %get3A_302 = arith.constant 16 : index
      %get3A_303 = tpu.vector_load %arg9[%get3A_300, %get3A_301, %get3A_302] {strides = array<i32>} : memref<2x128x128xf32, #tpu.memory_space<vmem>>, vector<16xf32>,
      %add3A_304 = arith.constant 0 : i32
      %add3A_305 = arith.addi %add3A_304, %add3A_288 : i32
      %swap3A_306 = arith.index_cast %add3A_305 : i32 to index
      %swap3A_307 = arith.constant 16 : index
      %swap3A_308 = tpu.vector_load %arg10[%swap3A_306, %swap3A_307] {strides = array<i32>} : memref<512x32xf32, #tpu.memory_space<vmem>>, vector<16xf32>,
      tpu.vector_store %arg10[%swap3A_306, %swap3A_307], %get3A_303 {strides = array<i32>} : memref<512x32xf32, #tpu.memory_space<vmem>>, vector<16xf32>,
      %add3A_309 = arith.constant 5 : i32
      %add3A_310 = arith.addi %mul3A_200, %add3A_309 : i32
      %get3A_311 = arith.constant 0 : i32
      %get3A_312 = arith.index_cast %get3A_311 : i32 to index
      %get3A_313 = arith.index_cast %add3A_310 : i32 to index
      %get3A_314 = arith.constant 0 : index
      %get3A_315 = tpu.vector_load %arg9[%get3A_312, %get3A_313, %get3A_314] {strides = array<i32>} : memref<2x128x128xf32, #tpu.memory_space<vmem>>, vector<16xf32>,
      %add3A_316 = arith.constant 0 : i32
      %add3A_317 = arith.addi %add3A_316, %add3A_310 : i32
      %swap3A_318 = arith.index_cast %add3A_317 : i32 to index
      %swap3A_319 = arith.constant 0 : index
      %swap3A_320 = tpu.vector_load %arg10[%swap3A_318, %swap3A_319] {strides = array<i32>} : memref<512x32xf32, #tpu.memory_space<vmem>>, vector<16xf32>,
      tpu.vector_store %arg10[%swap3A_318, %swap3A_319], %get3A_315 {strides = array<i32>} : memref<512x32xf32, #tpu.memory_space<vmem>>, vector<16xf32>,
      %get3A_321 = arith.constant 0 : i32
      %get3A_322 = arith.index_cast %get3A_321 : i32 to index
      %get3A_323 = arith.index_cast %add3A_310 : i32 to index
      %get3A_324 = arith.constant 16 : index
      %get3A_325 = tpu.vector_load %arg9[%get3A_322, %get3A_323, %get3A_324] {strides = array<i32>} : memref<2x128x128xf32, #tpu.memory_space<vmem>>, vector<16xf32>,
      %add3A_326 = arith.constant 0 : i32
      %add3A_327 = arith.addi %add3A_326, %add3A_310 : i32
      %swap3A_328 = arith.index_cast %add3A_327 : i32 to index
      %swap3A_329 = arith.constant 16 : index
      %swap3A_330 = tpu.vector_load %arg10[%swap3A_328, %swap3A_329] {strides = array<i32>} : memref<512x32xf32, #tpu.memory_space<vmem>>, vector<16xf32>,
      tpu.vector_store %arg10[%swap3A_328, %swap3A_329], %get3A_325 {strides = array<i32>} : memref<512x32xf32, #tpu.memory_space<vmem>>, vector<16xf32>,
      %add3A_331 = arith.constant 6 : i32
      %add3A_332 = arith.addi %mul3A_200, %add3A_331 : i32
      %get3A_333 = arith.constant 0 : i32
      %get3A_334 = arith.index_cast %get3A_333 : i32 to index
      %get3A_335 = arith.index_cast %add3A_332 : i32 to index
      %get3A_336 = arith.constant 0 : index
      %get3A_337 = tpu.vector_load %arg9[%get3A_334, %get3A_335, %get3A_336] {strides = array<i32>} : memref<2x128x128xf32, #tpu.memory_space<vmem>>, vector<16xf32>,
      %add3A_338 = arith.constant 0 : i32
      %add3A_339 = arith.addi %add3A_338, %add3A_332 : i32
      %swap3A_340 = arith.index_cast %add3A_339 : i32 to index
      %swap3A_341 = arith.constant 0 : index
      %swap3A_342 = tpu.vector_load %arg10[%swap3A_340, %swap3A_341] {strides = array<i32>} : memref<512x32xf32, #tpu.memory_space<vmem>>, vector<16xf32>,
      tpu.vector_store %arg10[%swap3A_340, %swap3A_341], %get3A_337 {strides = array<i32>} : memref<512x32xf32, #tpu.memory_space<vmem>>, vector<16xf32>,
      %get3A_343 = arith.constant 0 : i32
      %get3A_344 = arith.index_cast %get3A_343 : i32 to index
      %get3A_345 = arith.index_cast %add3A_332 : i32 to index
      %get3A_346 = arith.constant 16 : index
      %get3A_347 = tpu.vector_load %arg9[%get3A_344, %get3A_345, %get3A_346] {strides = array<i32>} : memref<2x128x128xf32, #tpu.memory_space<vmem>>, vector<16xf32>,
      %add3A_348 = arith.constant 0 : i32
      %add3A_349 = arith.addi %add3A_348, %add3A_332 : i32
      %swap3A_350 = arith.index_cast %add3A_349 : i32 to index
      %swap3A_351 = arith.constant 16 : index
      %swap3A_352 = tpu.vector_load %arg10[%swap3A_350, %swap3A_351] {strides = array<i32>} : memref<512x32xf32, #tpu.memory_space<vmem>>, vector<16xf32>,
      tpu.vector_store %arg10[%swap3A_350, %swap3A_351], %get3A_347 {strides = array<i32>} : memref<512x32xf32, #tpu.memory_space<vmem>>, vector<16xf32>,
      %add3A_353 = arith.constant 7 : i32
      %add3A_354 = arith.addi %mul3A_200, %add3A_353 : i32
      %get3A_355 = arith.constant 0 : i32
      %get3A_356 = arith.index_cast %get3A_355 : i32 to index
      %get3A_357 = arith.index_cast %add3A_354 : i32 to index
      %get3A_358 = arith.constant 0 : index
      %get3A_359 = tpu.vector_load %arg9[%get3A_356, %get3A_357, %get3A_358] {strides = array<i32>} : memref<2x128x128xf32, #tpu.memory_space<vmem>>, vector<16xf32>,
      %add3A_360 = arith.constant 0 : i32
      %add3A_361 = arith.addi %add3A_360, %add3A_354 : i32
      %swap3A_362 = arith.index_cast %add3A_361 : i32 to index
      %swap3A_363 = arith.constant 0 : index
      %swap3A_364 = tpu.vector_load %arg10[%swap3A_362, %swap3A_363] {strides = array<i32>} : memref<512x32xf32, #tpu.memory_space<vmem>>, vector<16xf32>,
      tpu.vector_store %arg10[%swap3A_362, %swap3A_363], %get3A_359 {strides = array<i32>} : memref<512x32xf32, #tpu.memory_space<vmem>>, vector<16xf32>,
      %get3A_365 = arith.constant 0 : i32
      %get3A_366 = arith.index_cast %get3A_365 : i32 to index
      %get3A_367 = arith.index_cast %add3A_354 : i32 to index
      %get3A_368 = arith.constant 16 : index
      %get3A_369 = tpu.vector_load %arg9[%get3A_366, %get3A_367, %get3A_368] {strides = array<i32>} : memref<2x128x128xf32, #tpu.memory_space<vmem>>, vector<16xf32>,
      %add3A_370 = arith.constant 0 : i32
      %add3A_371 = arith.addi %add3A_370, %add3A_354 : i32
      %swap3A_372 = arith.index_cast %add3A_371 : i32 to index
      %swap3A_373 = arith.constant 16 : index
      %swap3A_374 = tpu.vector_load %arg10[%swap3A_372, %swap3A_373] {strides = array<i32>} : memref<512x32xf32, #tpu.memory_space<vmem>>, vector<16xf32>,
      tpu.vector_store %arg10[%swap3A_372, %swap3A_373], %get3A_369 {strides = array<i32>} : memref<512x32xf32, #tpu.memory_space<vmem>>, vector<16xf32>,
      %add3A_375 = arith.constant 8 : i32
      %add3A_376 = arith.addi %mul3A_200, %add3A_375 : i32
      %get3A_377 = arith.constant 0 : i32
      %get3A_378 = arith.index_cast %get3A_377 : i32 to index
      %get3A_379 = arith.index_cast %add3A_376 : i32 to index
      %get3A_380 = arith.constant 0 : index
      %get3A_381 = tpu.vector_load %arg9[%get3A_378, %get3A_379, %get3A_380] {strides = array<i32>} : memref<2x128x128xf32, #tpu.memory_space<vmem>>, vector<16xf32>,
      %add3A_382 = arith.constant 0 : i32
      %add3A_383 = arith.addi %add3A_382, %add3A_376 : i32
      %swap3A_384 = arith.index_cast %add3A_383 : i32 to index
      %swap3A_385 = arith.constant 0 : index
      %swap3A_386 = tpu.vector_load %arg10[%swap3A_384, %swap3A_385] {strides = array<i32>} : memref<512x32xf32, #tpu.memory_space<vmem>>, vector<16xf32>,
      tpu.vector_store %arg10[%swap3A_384, %swap3A_385], %get3A_381 {strides = array<i32>} : memref<512x32xf32, #tpu.memory_space<vmem>>, vector<16xf32>,
      %get3A_387 = arith.constant 0 : i32
      %get3A_388 = arith.index_cast %get3A_387 : i32 to index
      %get3A_389 = arith.index_cast %add3A_376 : i32 to index
      %get3A_390 = arith.constant 16 : index
      %get3A_391 = tpu.vector_load %arg9[%get3A_388, %get3A_389, %get3A_390] {strides = array<i32>} : memref<2x128x128xf32, #tpu.memory_space<vmem>>, vector<16xf32>,
      %add3A_392 = arith.constant 0 : i32
      %add3A_393 = arith.addi %add3A_392, %add3A_376 : i32
      %swap3A_394 = arith.index_cast %add3A_393 : i32 to index
      %swap3A_395 = arith.constant 16 : index
      %swap3A_396 = tpu.vector_load %arg10[%swap3A_394, %swap3A_395] {strides = array<i32>} : memref<512x32xf32, #tpu.memory_space<vmem>>, vector<16xf32>,
      tpu.vector_store %arg10[%swap3A_394, %swap3A_395], %get3A_391 {strides = array<i32>} : memref<512x32xf32, #tpu.memory_space<vmem>>, vector<16xf32>,
      %add3A_397 = arith.constant 9 : i32
      %add3A_398 = arith.addi %mul3A_200, %add3A_397 : i32
      %get3A_399 = arith.constant 0 : i32
      %get3A_400 = arith.index_cast %get3A_399 : i32 to index
      %get3A_401 = arith.index_cast %add3A_398 : i32 to index
      %get3A_402 = arith.constant 0 : index
      %get3A_403 = tpu.vector_load %arg9[%get3A_400, %get3A_401, %get3A_402] {strides = array<i32>} : memref<2x128x128xf32, #tpu.memory_space<vmem>>, vector<16xf32>,
      %add3A_404 = arith.constant 0 : i32
      %add3A_405 = arith.addi %add3A_404, %add3A_398 : i32
      %swap3A_406 = arith.index_cast %add3A_405 : i32 to index
      %swap3A_407 = arith.constant 0 : index
      %swap3A_408 = tpu.vector_load %arg10[%swap3A_406, %swap3A_407] {strides = array<i32>} : memref<512x32xf32, #tpu.memory_space<vmem>>, vector<16xf32>,
      tpu.vector_store %arg10[%swap3A_406, %swap3A_407], %get3A_403 {strides = array<i32>} : memref<512x32xf32, #tpu.memory_space<vmem>>, vector<16xf32>,
      %get3A_409 = arith.constant 0 : i32
      %get3A_410 = arith.index_cast %get3A_409 : i32 to index
      %get3A_411 = arith.index_cast %add3A_398 : i32 to index
      %get3A_412 = arith.constant 16 : index
      %get3A_413 = tpu.vector_load %arg9[%get3A_410, %get3A_411, %get3A_412] {strides = array<i32>} : memref<2x128x128xf32, #tpu.memory_space<vmem>>, vector<16xf32>,
      %add3A_414 = arith.constant 0 : i32
      %add3A_415 = arith.addi %add3A_414, %add3A_398 : i32
      %swap3A_416 = arith.index_cast %add3A_415 : i32 to index
      %swap3A_417 = arith.constant 16 : index
      %swap3A_418 = tpu.vector_load %arg10[%swap3A_416, %swap3A_417] {strides = array<i32>} : memref<512x32xf32, #tpu.memory_space<vmem>>, vector<16xf32>,
      tpu.vector_store %arg10[%swap3A_416, %swap3A_417], %get3A_413 {strides = array<i32>} : memref<512x32xf32, #tpu.memory_space<vmem>>, vector<16xf32>,
      %add3A_419 = arith.constant 10 : i32
      %add3A_420 = arith.addi %mul3A_200, %add3A_419 : i32
      %get3A_421 = arith.constant 0 : i32
      %get3A_422 = arith.index_cast %get3A_421 : i32 to index
      %get3A_423 = arith.index_cast %add3A_420 : i32 to index
      %get3A_424 = arith.constant 0 : index
      %get3A_425 = tpu.vector_load %arg9[%get3A_422, %get3A_423, %get3A_424] {strides = array<i32>} : memref<2x128x128xf32, #tpu.memory_space<vmem>>, vector<16xf32>,
      %add3A_426 = arith.constant 0 : i32
      %add3A_427 = arith.addi %add3A_426, %add3A_420 : i32
      %swap3A_428 = arith.index_cast %add3A_427 : i32 to index
      %swap3A_429 = arith.constant 0 : index
      %swap3A_430 = tpu.vector_load %arg10[%swap3A_428, %swap3A_429] {strides = array<i32>} : memref<512x32xf32, #tpu.memory_space<vmem>>, vector<16xf32>,
      tpu.vector_store %arg10[%swap3A_428, %swap3A_429], %get3A_425 {strides = array<i32>} : memref<512x32xf32, #tpu.memory_space<vmem>>, vector<16xf32>,
      %get3A_431 = arith.constant 0 : i32
      %get3A_432 = arith.index_cast %get3A_431 : i32 to index
      %get3A_433 = arith.index_cast %add3A_420 : i32 to index
      %get3A_434 = arith.constant 16 : index
      %get3A_435 = tpu.vector_load %arg9[%get3A_432, %get3A_433, %get3A_434] {strides = array<i32>} : memref<2x128x128xf32, #tpu.memory_space<vmem>>, vector<16xf32>,
      %add3A_436 = arith.constant 0 : i32
      %add3A_437 = arith.addi %add3A_436, %add3A_420 : i32
      %swap3A_438 = arith.index_cast %add3A_437 : i32 to index
      %swap3A_439 = arith.constant 16 : index
      %swap3A_440 = tpu.vector_load %arg10[%swap3A_438, %swap3A_439] {strides = array<i32>} : memref<512x32xf32, #tpu.memory_space<vmem>>, vector<16xf32>,
      tpu.vector_store %arg10[%swap3A_438, %swap3A_439], %get3A_435 {strides = array<i32>} : memref<512x32xf32, #tpu.memory_space<vmem>>, vector<16xf32>,
      %add3A_441 = arith.constant 11 : i32
      %add3A_442 = arith.addi %mul3A_200, %add3A_441 : i32
      %get3A_443 = arith.constant 0 : i32
      %get3A_444 = arith.index_cast %get3A_443 : i32 to index
      %get3A_445 = arith.index_cast %add3A_442 : i32 to index
      %get3A_446 = arith.constant 0 : index
      %get3A_447 = tpu.vector_load %arg9[%get3A_444, %get3A_445, %get3A_446] {strides = array<i32>} : memref<2x128x128xf32, #tpu.memory_space<vmem>>, vector<16xf32>,
      %add3A_448 = arith.constant 0 : i32
      %add3A_449 = arith.addi %add3A_448, %add3A_442 : i32
      %swap3A_450 = arith.index_cast %add3A_449 : i32 to index
      %swap3A_451 = arith.constant 0 : index
      %swap3A_452 = tpu.vector_load %arg10[%swap3A_450, %swap3A_451] {strides = array<i32>} : memref<512x32xf32, #tpu.memory_space<vmem>>, vector<16xf32>,
      tpu.vector_store %arg10[%swap3A_450, %swap3A_451], %get3A_447 {strides = array<i32>} : memref<512x32xf32, #tpu.memory_space<vmem>>, vector<16xf32>,
      %get3A_453 = arith.constant 0 : i32
      %get3A_454 = arith.index_cast %get3A_453 : i32 to index
      %get3A_455 = arith.index_cast %add3A_442 : i32 to index
      %get3A_456 = arith.constant 16 : index
      %get3A_457 = tpu.vector_load %arg9[%get3A_454, %get3A_455, %get3A_456] {strides = array<i32>} : memref<2x128x128xf32, #tpu.memory_space<vmem>>, vector<16xf32>,
      %add3A_458 = arith.constant 0 : i32
      %add3A_459 = arith.addi %add3A_458, %add3A_442 : i32
      %swap3A_460 = arith.index_cast %add3A_459 : i32 to index
      %swap3A_461 = arith.constant 16 : index
      %swap3A_462 = tpu.vector_load %arg10[%swap3A_460, %swap3A_461] {strides = array<i32>} : memref<512x32xf32, #tpu.memory_space<vmem>>, vector<16xf32>,
      tpu.vector_store %arg10[%swap3A_460, %swap3A_461], %get3A_457 {strides = array<i32>} : memref<512x32xf32, #tpu.memory_space<vmem>>, vector<16xf32>,
      %add3A_463 = arith.constant 12 : i32
      %add3A_464 = arith.addi %mul3A_200, %add3A_463 : i32
      %get3A_465 = arith.constant 0 : i32
      %get3A_466 = arith.index_cast %get3A_465 : i32 to index
      %get3A_467 = arith.index_cast %add3A_464 : i32 to index
      %get3A_468 = arith.constant 0 : index
      %get3A_469 = tpu.vector_load %arg9[%get3A_466, %get3A_467, %get3A_468] {strides = array<i32>} : memref<2x128x128xf32, #tpu.memory_space<vmem>>, vector<16xf32>,
      %add3A_470 = arith.constant 0 : i32
      %add3A_471 = arith.addi %add3A_470, %add3A_464 : i32
      %swap3A_472 = arith.index_cast %add3A_471 : i32 to index
      %swap3A_473 = arith.constant 0 : index
      %swap3A_474 = tpu.vector_load %arg10[%swap3A_472, %swap3A_473] {strides = array<i32>} : memref<512x32xf32, #tpu.memory_space<vmem>>, vector<16xf32>,
      tpu.vector_store %arg10[%swap3A_472, %swap3A_473], %get3A_469 {strides = array<i32>} : memref<512x32xf32, #tpu.memory_space<vmem>>, vector<16xf32>,
      %get3A_475 = arith.constant 0 : i32
      %get3A_476 = arith.index_cast %get3A_475 : i32 to index
      %get3A_477 = arith.index_cast %add3A_464 : i32 to index
      %get3A_478 = arith.constant 16 : index
      %get3A_479 = tpu.vector_load %arg9[%get3A_476, %get3A_477, %get3A_478] {strides = array<i32>} : memref<2x128x128xf32, #tpu.memory_space<vmem>>, vector<16xf32>,
      %add3A_480 = arith.constant 0 : i32
      %add3A_481 = arith.addi %add3A_480, %add3A_464 : i32
      %swap3A_482 = arith.index_cast %add3A_481 : i32 to index
      %swap3A_483 = arith.constant 16 : index
      %swap3A_484 = tpu.vector_load %arg10[%swap3A_482, %swap3A_483] {strides = array<i32>} : memref<512x32xf32, #tpu.memory_space<vmem>>, vector<16xf32>,
      tpu.vector_store %arg10[%swap3A_482, %swap3A_483], %get3A_479 {strides = array<i32>} : memref<512x32xf32, #tpu.memory_space<vmem>>, vector<16xf32>,
      %add3A_485 = arith.constant 13 : i32
      %add3A_486 = arith.addi %mul3A_200, %add3A_485 : i32
      %get3A_487 = arith.constant 0 : i32
      %get3A_488 = arith.index_cast %get3A_487 : i32 to index
      %get3A_489 = arith.index_cast %add3A_486 : i32 to index
      %get3A_490 = arith.constant 0 : index
      %get3A_491 = tpu.vector_load %arg9[%get3A_488, %get3A_489, %get3A_490] {strides = array<i32>} : memref<2x128x128xf32, #tpu.memory_space<vmem>>, vector<16xf32>,
      %add3A_492 = arith.constant 0 : i32
      %add3A_493 = arith.addi %add3A_492, %add3A_486 : i32
      %swap3A_494 = arith.index_cast %add3A_493 : i32 to index
      %swap3A_495 = arith.constant 0 : index
      %swap3A_496 = tpu.vector_load %arg10[%swap3A_494, %swap3A_495] {strides = array<i32>} : memref<512x32xf32, #tpu.memory_space<vmem>>, vector<16xf32>,
      tpu.vector_store %arg10[%swap3A_494, %swap3A_495], %get3A_491 {strides = array<i32>} : memref<512x32xf32, #tpu.memory_space<vmem>>, vector<16xf32>,
      %get3A_497 = arith.constant 0 : i32
      %get3A_498 = arith.index_cast %get3A_497 : i32 to index
      %get3A_499 = arith.index_cast %add3A_486 : i32 to index
      %get3A_500 = arith.constant 16 : index
      %get3A_501 = tpu.vector_load %arg9[%get3A_498, %get3A_499, %get3A_500] {strides = array<i32>} : memref<2x128x128xf32, #tpu.memory_space<vmem>>, vector<16xf32>,
      %add3A_502 = arith.constant 0 : i32
      %add3A_503 = arith.addi %add3A_502, %add3A_486 : i32
      %swap3A_504 = arith.index_cast %add3A_503 : i32 to index
      %swap3A_505 = arith.constant 16 : index
      %swap3A_506 = tpu.vector_load %arg10[%swap3A_504, %swap3A_505] {strides = array<i32>} : memref<512x32xf32, #tpu.memory_space<vmem>>, vector<16xf32>,
      tpu.vector_store %arg10[%swap3A_504, %swap3A_505], %get3A_501 {strides = array<i32>} : memref<512x32xf32, #tpu.memory_space<vmem>>, vector<16xf32>,
      %add3A_507 = arith.constant 14 : i32
      %add3A_508 = arith.addi %mul3A_200, %add3A_507 : i32
      %get3A_509 = arith.constant 0 : i32
      %get3A_510 = arith.index_cast %get3A_509 : i32 to index
      %get3A_511 = arith.index_cast %add3A_508 : i32 to index
      %get3A_512 = arith.constant 0 : index
      %get3A_513 = tpu.vector_load %arg9[%get3A_510, %get3A_511, %get3A_512] {strides = array<i32>} : memref<2x128x128xf32, #tpu.memory_space<vmem>>, vector<16xf32>,
      %add3A_514 = arith.constant 0 : i32
      %add3A_515 = arith.addi %add3A_514, %add3A_508 : i32
      %swap3A_516 = arith.index_cast %add3A_515 : i32 to index
      %swap3A_517 = arith.constant 0 : index
      %swap3A_518 = tpu.vector_load %arg10[%swap3A_516, %swap3A_517] {strides = array<i32>} : memref<512x32xf32, #tpu.memory_space<vmem>>, vector<16xf32>,
      tpu.vector_store %arg10[%swap3A_516, %swap3A_517], %get3A_513 {strides = array<i32>} : memref<512x32xf32, #tpu.memory_space<vmem>>, vector<16xf32>,
      %get3A_519 = arith.constant 0 : i32
      %get3A_520 = arith.index_cast %get3A_519 : i32 to index
      %get3A_521 = arith.index_cast %add3A_508 : i32 to index
      %get3A_522 = arith.constant 16 : index
      %get3A_523 = tpu.vector_load %arg9[%get3A_520, %get3A_521, %get3A_522] {strides = array<i32>} : memref<2x128x128xf32, #tpu.memory_space<vmem>>, vector<16xf32>,
      %add3A_524 = arith.constant 0 : i32
      %add3A_525 = arith.addi %add3A_524, %add3A_508 : i32
      %swap3A_526 = arith.index_cast %add3A_525 : i32 to index
      %swap3A_527 = arith.constant 16 : index
      %swap3A_528 = tpu.vector_load %arg10[%swap3A_526, %swap3A_527] {strides = array<i32>} : memref<512x32xf32, #tpu.memory_space<vmem>>, vector<16xf32>,
      tpu.vector_store %arg10[%swap3A_526, %swap3A_527], %get3A_523 {strides = array<i32>} : memref<512x32xf32, #tpu.memory_space<vmem>>, vector<16xf32>,
      %add3A_529 = arith.constant 15 : i32
      %add3A_530 = arith.addi %mul3A_200, %add3A_529 : i32
      %get3A_531 = arith.constant 0 : i32
      %get3A_532 = arith.index_cast %get3A_531 : i32 to index
      %get3A_533 = arith.index_cast %add3A_530 : i32 to index
      %get3A_534 = arith.constant 0 : index
      %get3A_535 = tpu.vector_load %arg9[%get3A_532, %get3A_533, %get3A_534] {strides = array<i32>} : memref<2x128x128xf32, #tpu.memory_space<vmem>>, vector<16xf32>,
      %add3A_536 = arith.constant 0 : i32
      %add3A_537 = arith.addi %add3A_536, %add3A_530 : i32
      %swap3A_538 = arith.index_cast %add3A_537 : i32 to index
      %swap3A_539 = arith.constant 0 : index
      %swap3A_540 = tpu.vector_load %arg10[%swap3A_538, %swap3A_539] {strides = array<i32>} : memref<512x32xf32, #tpu.memory_space<vmem>>, vector<16xf32>,
      tpu.vector_store %arg10[%swap3A_538, %swap3A_539], %get3A_535 {strides = array<i32>} : memref<512x32xf32, #tpu.memory_space<vmem>>, vector<16xf32>,
      %get3A_541 = arith.constant 0 : i32
      %get3A_542 = arith.index_cast %get3A_541 : i32 to index
      %get3A_543 = arith.index_cast %add3A_530 : i32 to index
      %get3A_544 = arith.constant 16 : index
      %get3A_545 = tpu.vector_load %arg9[%get3A_542, %get3A_543, %get3A_544] {strides = array<i32>} : memref<2x128x128xf32, #tpu.memory_space<vmem>>, vector<16xf32>,
      %add3A_546 = arith.constant 0 : i32
      %add3A_547 = arith.addi %add3A_546, %add3A_530 : i32
      %swap3A_548 = arith.index_cast %add3A_547 : i32 to index
      %swap3A_549 = arith.constant 16 : index
      %swap3A_550 = tpu.vector_load %arg10[%swap3A_548, %swap3A_549] {strides = array<i32>} : memref<512x32xf32, #tpu.memory_space<vmem>>, vector<16xf32>,
      tpu.vector_store %arg10[%swap3A_548, %swap3A_549], %get3A_545 {strides = array<i32>} : memref<512x32xf32, #tpu.memory_space<vmem>>, vector<16xf32>,
    }
    %scan3A_41 = arith.constant 8 : i32
    %add3A_42 = arith.constant 0 : i32
    %add3A_43 = arith.addi %mul3A_2, %add3A_42 : i32
    %dma_start3A_44 = arith.constant 0 : i32
    %dma_start3A_45 = arith.constant 0 : i32
    %dma_start3A_46 = tpu.memref_slice %arg10[%dma_start3A_44, %dma_start3A_45] : memref<512x32xf32, #tpu.memory_space<vmem>> -> memref<128x32xf32, #tpu.memory_space<vmem>>
    %dma_start3A_47 = arith.constant 0 : i32
    %dma_start3A_48 = tpu.memref_slice %arg4[%add3A_43, %dma_start3A_47] : memref<16384x32xf32, #tpu.memory_space<hbm>> -> memref<128x32xf32, #tpu.memory_space<hbm>>
    %dma_start3A_49 = arith.constant 0 : i32
    %dma_start3A_50 = tpu.memref_slice %arg4[%add3A_43, %dma_start3A_49] : memref<16384x32xf32, #tpu.memory_space<hbm>> -> memref<128x32xf32, #tpu.memory_space<hbm>>
    %dma_start3A_51 = arith.constant 0 : i32
    %dma_start3A_52 = arith.constant 0 : i32
    %dma_start3A_53 = tpu.memref_slice %arg10[%dma_start3A_51, %dma_start3A_52] : memref<512x32xf32, #tpu.memory_space<vmem>> -> memref<128x32xf32, #tpu.memory_space<vmem>>
    tpu.enqueue_dma source(%dma_start3A_53 : memref<128x32xf32, #tpu.memory_space<vmem>>) target(%dma_start3A_50 : memref<128x32xf32, #tpu.memory_space<hbm>>) target_semaphore(%arg15 : memref<!tpu.dma_semaphore, #tpu.memory_space<semaphore_mem>>)
    %dma_start3A_54 = arith.constant 0 : i32
    %dma_start3A_55 = arith.constant 0 : i32
    %dma_start3A_56 = arith.constant 0 : i32
    %dma_start3A_57 = tpu.memref_slice %arg9[%dma_start3A_54, %dma_start3A_55, %dma_start3A_56] : memref<2x128x128xf32, #tpu.memory_space<vmem>> -> memref<1x128x128xf32, #tpu.memory_space<vmem>>
    %dma_start3A_58 = tpu.memref_squeeze %dma_start3A_57 : memref<1x128x128xf32, #tpu.memory_space<vmem>> -> memref<128x128xf32, #tpu.memory_space<vmem>>
    %dma_start3A_59 = arith.constant 256 : i32
    %dma_start3A_60 = tpu.memref_slice %arg5[%dma_start3A_59] : memref<512xi32, #tpu.memory_space<vmem>> -> memref<128xi32, #tpu.memory_space<vmem>>
    %dma_start3A_61 = arith.constant 0 : i32
    %dma_start3A_62 = arith.constant 0 : i32
    %dma_start3A_63 = tpu.memref_slice %arg8[%dma_start3A_61, %dma_start3A_62] : memref<10x128xf32, #tpu.memory_space<vmem_shared>> -> memref<10x128xf32, #tpu.memory_space<vmem_shared>>
    tpu.enqueue_indirect_dma source(%dma_start3A_63 : memref<10x128xf32, #tpu.memory_space<vmem_shared>>) target(%dma_start3A_58 : memref<128x128xf32, #tpu.memory_space<vmem>>) offsets(%dma_start3A_60 : memref<128xi32, #tpu.memory_space<vmem>>) semaphore(%arg13 : memref<!tpu.dma_semaphore, #tpu.memory_space<semaphore_mem>>)
    %dma_wait3A_64 = arith.constant 1 : i32
    %dma_wait3A_65 = arith.constant 0 : i32
    %dma_wait3A_66 = arith.constant 0 : i32
    %dma_wait3A_67 = tpu.memref_slice %arg9[%dma_wait3A_64, %dma_wait3A_65, %dma_wait3A_66] : memref<2x128x128xf32, #tpu.memory_space<vmem>> -> memref<1x128x128xf32, #tpu.memory_space<vmem>>
    %dma_wait3A_68 = tpu.memref_squeeze %dma_wait3A_67 : memref<1x128x128xf32, #tpu.memory_space<vmem>> -> memref<128x128xf32, #tpu.memory_space<vmem>>
    %dma_wait3A_69 = arith.constant 128 : i32
    %dma_wait3A_70 = tpu.memref_slice %arg5[%dma_wait3A_69] : memref<512xi32, #tpu.memory_space<vmem>> -> memref<128xi32, #tpu.memory_space<vmem>>
    %dma_wait3A_71 = arith.constant 0 : i32
    %dma_wait3A_72 = arith.constant 0 : i32
    %dma_wait3A_73 = tpu.memref_slice %arg8[%dma_wait3A_71, %dma_wait3A_72] : memref<10x128xf32, #tpu.memory_space<vmem_shared>> -> memref<10x128xf32, #tpu.memory_space<vmem_shared>>
    tpu.wait_indirect_dma semaphore(%arg14 : memref<!tpu.dma_semaphore, #tpu.memory_space<semaphore_mem>>) src(%dma_wait3A_73 : memref<10x128xf32, #tpu.memory_space<vmem_shared>>) dst(%dma_wait3A_68 : memref<128x128xf32, #tpu.memory_space<vmem>>)
    %scan3A_74 = arith.constant 0 : i32
    %scan3A_75 = arith.constant 0 : i32
    %scan3A_76 = arith.constant 8 : i32
    %scan3A_77 = arith.addi %scan3A_75, %scan3A_76 : i32
    %scan3A_78 = arith.constant 1 : i32
    scf.for %scan3A_198 = %scan3A_75 to %scan3A_77 step %scan3A_78  : i32 {
      %mul3A_199 = arith.constant 16 : i32
      %mul3A_200 = arith.muli %scan3A_198, %mul3A_199 : i32
      %add3A_201 = arith.constant 0 : i32
      %add3A_202 = arith.addi %mul3A_200, %add3A_201 : i32
      %get3A = arith.constant 1 : i32
      %get3A_203 = arith.index_cast %get3A : i32 to index
      %get3A_204 = arith.index_cast %add3A_202 : i32 to index
      %get3A_205 = arith.constant 0 : index
      %get3A_206 = tpu.vector_load %arg9[%get3A_203, %get3A_204, %get3A_205] {strides = array<i32>} : memref<2x128x128xf32, #tpu.memory_space<vmem>>, vector<16xf32>,
      %add3A_207 = arith.constant 128 : i32
      %add3A_208 = arith.addi %add3A_207, %add3A_202 : i32
      %swap3A = arith.index_cast %add3A_208 : i32 to index
      %swap3A_209 = arith.constant 0 : index
      %swap3A_210 = tpu.vector_load %arg10[%swap3A, %swap3A_209] {strides = array<i32>} : memref<512x32xf32, #tpu.memory_space<vmem>>, vector<16xf32>,
      tpu.vector_store %arg10[%swap3A, %swap3A_209], %get3A_206 {strides = array<i32>} : memref<512x32xf32, #tpu.memory_space<vmem>>, vector<16xf32>,
      %get3A_211 = arith.constant 1 : i32
      %get3A_212 = arith.index_cast %get3A_211 : i32 to index
      %get3A_213 = arith.index_cast %add3A_202 : i32 to index
      %get3A_214 = arith.constant 16 : index
      %get3A_215 = tpu.vector_load %arg9[%get3A_212, %get3A_213, %get3A_214] {strides = array<i32>} : memref<2x128x128xf32, #tpu.memory_space<vmem>>, vector<16xf32>,
      %add3A_216 = arith.constant 128 : i32
      %add3A_217 = arith.addi %add3A_216, %add3A_202 : i32
      %swap3A_218 = arith.index_cast %add3A_217 : i32 to index
      %swap3A_219 = arith.constant 16 : index
      %swap3A_220 = tpu.vector_load %arg10[%swap3A_218, %swap3A_219] {strides = array<i32>} : memref<512x32xf32, #tpu.memory_space<vmem>>, vector<16xf32>,
      tpu.vector_store %arg10[%swap3A_218, %swap3A_219], %get3A_215 {strides = array<i32>} : memref<512x32xf32, #tpu.memory_space<vmem>>, vector<16xf32>,
      %add3A_221 = arith.constant 1 : i32
      %add3A_222 = arith.addi %mul3A_200, %add3A_221 : i32
      %get3A_223 = arith.constant 1 : i32
      %get3A_224 = arith.index_cast %get3A_223 : i32 to index
      %get3A_225 = arith.index_cast %add3A_222 : i32 to index
      %get3A_226 = arith.constant 0 : index
      %get3A_227 = tpu.vector_load %arg9[%get3A_224, %get3A_225, %get3A_226] {strides = array<i32>} : memref<2x128x128xf32, #tpu.memory_space<vmem>>, vector<16xf32>,
      %add3A_228 = arith.constant 128 : i32
      %add3A_229 = arith.addi %add3A_228, %add3A_222 : i32
      %swap3A_230 = arith.index_cast %add3A_229 : i32 to index
      %swap3A_231 = arith.constant 0 : index
      %swap3A_232 = tpu.vector_load %arg10[%swap3A_230, %swap3A_231] {strides = array<i32>} : memref<512x32xf32, #tpu.memory_space<vmem>>, vector<16xf32>,
      tpu.vector_store %arg10[%swap3A_230, %swap3A_231], %get3A_227 {strides = array<i32>} : memref<512x32xf32, #tpu.memory_space<vmem>>, vector<16xf32>,
      %get3A_233 = arith.constant 1 : i32
      %get3A_234 = arith.index_cast %get3A_233 : i32 to index
      %get3A_235 = arith.index_cast %add3A_222 : i32 to index
      %get3A_236 = arith.constant 16 : index
      %get3A_237 = tpu.vector_load %arg9[%get3A_234, %get3A_235, %get3A_236] {strides = array<i32>} : memref<2x128x128xf32, #tpu.memory_space<vmem>>, vector<16xf32>,
      %add3A_238 = arith.constant 128 : i32
      %add3A_239 = arith.addi %add3A_238, %add3A_222 : i32
      %swap3A_240 = arith.index_cast %add3A_239 : i32 to index
      %swap3A_241 = arith.constant 16 : index
      %swap3A_242 = tpu.vector_load %arg10[%swap3A_240, %swap3A_241] {strides = array<i32>} : memref<512x32xf32, #tpu.memory_space<vmem>>, vector<16xf32>,
      tpu.vector_store %arg10[%swap3A_240, %swap3A_241], %get3A_237 {strides = array<i32>} : memref<512x32xf32, #tpu.memory_space<vmem>>, vector<16xf32>,
      %add3A_243 = arith.constant 2 : i32
      %add3A_244 = arith.addi %mul3A_200, %add3A_243 : i32
      %get3A_245 = arith.constant 1 : i32
      %get3A_246 = arith.index_cast %get3A_245 : i32 to index
      %get3A_247 = arith.index_cast %add3A_244 : i32 to index
      %get3A_248 = arith.constant 0 : index
      %get3A_249 = tpu.vector_load %arg9[%get3A_246, %get3A_247, %get3A_248] {strides = array<i32>} : memref<2x128x128xf32, #tpu.memory_space<vmem>>, vector<16xf32>,
      %add3A_250 = arith.constant 128 : i32
      %add3A_251 = arith.addi %add3A_250, %add3A_244 : i32
      %swap3A_252 = arith.index_cast %add3A_251 : i32 to index
      %swap3A_253 = arith.constant 0 : index
      %swap3A_254 = tpu.vector_load %arg10[%swap3A_252, %swap3A_253] {strides = array<i32>} : memref<512x32xf32, #tpu.memory_space<vmem>>, vector<16xf32>,
      tpu.vector_store %arg10[%swap3A_252, %swap3A_253], %get3A_249 {strides = array<i32>} : memref<512x32xf32, #tpu.memory_space<vmem>>, vector<16xf32>,
      %get3A_255 = arith.constant 1 : i32
      %get3A_256 = arith.index_cast %get3A_255 : i32 to index
      %get3A_257 = arith.index_cast %add3A_244 : i32 to index
      %get3A_258 = arith.constant 16 : index
      %get3A_259 = tpu.vector_load %arg9[%get3A_256, %get3A_257, %get3A_258] {strides = array<i32>} : memref<2x128x128xf32, #tpu.memory_space<vmem>>, vector<16xf32>,
      %add3A_260 = arith.constant 128 : i32
      %add3A_261 = arith.addi %add3A_260, %add3A_244 : i32
      %swap3A_262 = arith.index_cast %add3A_261 : i32 to index
      %swap3A_263 = arith.constant 16 : index
      %swap3A_264 = tpu.vector_load %arg10[%swap3A_262, %swap3A_263] {strides = array<i32>} : memref<512x32xf32, #tpu.memory_space<vmem>>, vector<16xf32>,
      tpu.vector_store %arg10[%swap3A_262, %swap3A_263], %get3A_259 {strides = array<i32>} : memref<512x32xf32, #tpu.memory_space<vmem>>, vector<16xf32>,
      %add3A_265 = arith.constant 3 : i32
      %add3A_266 = arith.addi %mul3A_200, %add3A_265 : i32
      %get3A_267 = arith.constant 1 : i32
      %get3A_268 = arith.index_cast %get3A_267 : i32 to index
      %get3A_269 = arith.index_cast %add3A_266 : i32 to index
      %get3A_270 = arith.constant 0 : index
      %get3A_271 = tpu.vector_load %arg9[%get3A_268, %get3A_269, %get3A_270] {strides = array<i32>} : memref<2x128x128xf32, #tpu.memory_space<vmem>>, vector<16xf32>,
      %add3A_272 = arith.constant 128 : i32
      %add3A_273 = arith.addi %add3A_272, %add3A_266 : i32
      %swap3A_274 = arith.index_cast %add3A_273 : i32 to index
      %swap3A_275 = arith.constant 0 : index
      %swap3A_276 = tpu.vector_load %arg10[%swap3A_274, %swap3A_275] {strides = array<i32>} : memref<512x32xf32, #tpu.memory_space<vmem>>, vector<16xf32>,
      tpu.vector_store %arg10[%swap3A_274, %swap3A_275], %get3A_271 {strides = array<i32>} : memref<512x32xf32, #tpu.memory_space<vmem>>, vector<16xf32>,
      %get3A_277 = arith.constant 1 : i32
      %get3A_278 = arith.index_cast %get3A_277 : i32 to index
      %get3A_279 = arith.index_cast %add3A_266 : i32 to index
      %get3A_280 = arith.constant 16 : index
      %get3A_281 = tpu.vector_load %arg9[%get3A_278, %get3A_279, %get3A_280] {strides = array<i32>} : memref<2x128x128xf32, #tpu.memory_space<vmem>>, vector<16xf32>,
      %add3A_282 = arith.constant 128 : i32
      %add3A_283 = arith.addi %add3A_282, %add3A_266 : i32
      %swap3A_284 = arith.index_cast %add3A_283 : i32 to index
      %swap3A_285 = arith.constant 16 : index
      %swap3A_286 = tpu.vector_load %arg10[%swap3A_284, %swap3A_285] {strides = array<i32>} : memref<512x32xf32, #tpu.memory_space<vmem>>, vector<16xf32>,
      tpu.vector_store %arg10[%swap3A_284, %swap3A_285], %get3A_281 {strides = array<i32>} : memref<512x32xf32, #tpu.memory_space<vmem>>, vector<16xf32>,
      %add3A_287 = arith.constant 4 : i32
      %add3A_288 = arith.addi %mul3A_200, %add3A_287 : i32
      %get3A_289 = arith.constant 1 : i32
      %get3A_290 = arith.index_cast %get3A_289 : i32 to index
      %get3A_291 = arith.index_cast %add3A_288 : i32 to index
      %get3A_292 = arith.constant 0 : index
      %get3A_293 = tpu.vector_load %arg9[%get3A_290, %get3A_291, %get3A_292] {strides = array<i32>} : memref<2x128x128xf32, #tpu.memory_space<vmem>>, vector<16xf32>,
      %add3A_294 = arith.constant 128 : i32
      %add3A_295 = arith.addi %add3A_294, %add3A_288 : i32
      %swap3A_296 = arith.index_cast %add3A_295 : i32 to index
      %swap3A_297 = arith.constant 0 : index
      %swap3A_298 = tpu.vector_load %arg10[%swap3A_296, %swap3A_297] {strides = array<i32>} : memref<512x32xf32, #tpu.memory_space<vmem>>, vector<16xf32>,
      tpu.vector_store %arg10[%swap3A_296, %swap3A_297], %get3A_293 {strides = array<i32>} : memref<512x32xf32, #tpu.memory_space<vmem>>, vector<16xf32>,
      %get3A_299 = arith.constant 1 : i32
      %get3A_300 = arith.index_cast %get3A_299 : i32 to index
      %get3A_301 = arith.index_cast %add3A_288 : i32 to index
      %get3A_302 = arith.constant 16 : index
      %get3A_303 = tpu.vector_load %arg9[%get3A_300, %get3A_301, %get3A_302] {strides = array<i32>} : memref<2x128x128xf32, #tpu.memory_space<vmem>>, vector<16xf32>,
      %add3A_304 = arith.constant 128 : i32
      %add3A_305 = arith.addi %add3A_304, %add3A_288 : i32
      %swap3A_306 = arith.index_cast %add3A_305 : i32 to index
      %swap3A_307 = arith.constant 16 : index
      %swap3A_308 = tpu.vector_load %arg10[%swap3A_306, %swap3A_307] {strides = array<i32>} : memref<512x32xf32, #tpu.memory_space<vmem>>, vector<16xf32>,
      tpu.vector_store %arg10[%swap3A_306, %swap3A_307], %get3A_303 {strides = array<i32>} : memref<512x32xf32, #tpu.memory_space<vmem>>, vector<16xf32>,
      %add3A_309 = arith.constant 5 : i32
      %add3A_310 = arith.addi %mul3A_200, %add3A_309 : i32
      %get3A_311 = arith.constant 1 : i32
      %get3A_312 = arith.index_cast %get3A_311 : i32 to index
      %get3A_313 = arith.index_cast %add3A_310 : i32 to index
      %get3A_314 = arith.constant 0 : index
      %get3A_315 = tpu.vector_load %arg9[%get3A_312, %get3A_313, %get3A_314] {strides = array<i32>} : memref<2x128x128xf32, #tpu.memory_space<vmem>>, vector<16xf32>,
      %add3A_316 = arith.constant 128 : i32
      %add3A_317 = arith.addi %add3A_316, %add3A_310 : i32
      %swap3A_318 = arith.index_cast %add3A_317 : i32 to index
      %swap3A_319 = arith.constant 0 : index
      %swap3A_320 = tpu.vector_load %arg10[%swap3A_318, %swap3A_319] {strides = array<i32>} : memref<512x32xf32, #tpu.memory_space<vmem>>, vector<16xf32>,
      tpu.vector_store %arg10[%swap3A_318, %swap3A_319], %get3A_315 {strides = array<i32>} : memref<512x32xf32, #tpu.memory_space<vmem>>, vector<16xf32>,
      %get3A_321 = arith.constant 1 : i32
      %get3A_322 = arith.index_cast %get3A_321 : i32 to index
      %get3A_323 = arith.index_cast %add3A_310 : i32 to index
      %get3A_324 = arith.constant 16 : index
      %get3A_325 = tpu.vector_load %arg9[%get3A_322, %get3A_323, %get3A_324] {strides = array<i32>} : memref<2x128x128xf32, #tpu.memory_space<vmem>>, vector<16xf32>,
      %add3A_326 = arith.constant 128 : i32
      %add3A_327 = arith.addi %add3A_326, %add3A_310 : i32
      %swap3A_328 = arith.index_cast %add3A_327 : i32 to index
      %swap3A_329 = arith.constant 16 : index
      %swap3A_330 = tpu.vector_load %arg10[%swap3A_328, %swap3A_329] {strides = array<i32>} : memref<512x32xf32, #tpu.memory_space<vmem>>, vector<16xf32>,
      tpu.vector_store %arg10[%swap3A_328, %swap3A_329], %get3A_325 {strides = array<i32>} : memref<512x32xf32, #tpu.memory_space<vmem>>, vector<16xf32>,
      %add3A_331 = arith.constant 6 : i32
      %add3A_332 = arith.addi %mul3A_200, %add3A_331 : i32
      %get3A_333 = arith.constant 1 : i32
      %get3A_334 = arith.index_cast %get3A_333 : i32 to index
      %get3A_335 = arith.index_cast %add3A_332 : i32 to index
      %get3A_336 = arith.constant 0 : index
      %get3A_337 = tpu.vector_load %arg9[%get3A_334, %get3A_335, %get3A_336] {strides = array<i32>} : memref<2x128x128xf32, #tpu.memory_space<vmem>>, vector<16xf32>,
      %add3A_338 = arith.constant 128 : i32
      %add3A_339 = arith.addi %add3A_338, %add3A_332 : i32
      %swap3A_340 = arith.index_cast %add3A_339 : i32 to index
      %swap3A_341 = arith.constant 0 : index
      %swap3A_342 = tpu.vector_load %arg10[%swap3A_340, %swap3A_341] {strides = array<i32>} : memref<512x32xf32, #tpu.memory_space<vmem>>, vector<16xf32>,
      tpu.vector_store %arg10[%swap3A_340, %swap3A_341], %get3A_337 {strides = array<i32>} : memref<512x32xf32, #tpu.memory_space<vmem>>, vector<16xf32>,
      %get3A_343 = arith.constant 1 : i32
      %get3A_344 = arith.index_cast %get3A_343 : i32 to index
      %get3A_345 = arith.index_cast %add3A_332 : i32 to index
      %get3A_346 = arith.constant 16 : index
      %get3A_347 = tpu.vector_load %arg9[%get3A_344, %get3A_345, %get3A_346] {strides = array<i32>} : memref<2x128x128xf32, #tpu.memory_space<vmem>>, vector<16xf32>,
      %add3A_348 = arith.constant 128 : i32
      %add3A_349 = arith.addi %add3A_348, %add3A_332 : i32
      %swap3A_350 = arith.index_cast %add3A_349 : i32 to index
      %swap3A_351 = arith.constant 16 : index
      %swap3A_352 = tpu.vector_load %arg10[%swap3A_350, %swap3A_351] {strides = array<i32>} : memref<512x32xf32, #tpu.memory_space<vmem>>, vector<16xf32>,
      tpu.vector_store %arg10[%swap3A_350, %swap3A_351], %get3A_347 {strides = array<i32>} : memref<512x32xf32, #tpu.memory_space<vmem>>, vector<16xf32>,
      %add3A_353 = arith.constant 7 : i32
      %add3A_354 = arith.addi %mul3A_200, %add3A_353 : i32
      %get3A_355 = arith.constant 1 : i32
      %get3A_356 = arith.index_cast %get3A_355 : i32 to index
      %get3A_357 = arith.index_cast %add3A_354 : i32 to index
      %get3A_358 = arith.constant 0 : index
      %get3A_359 = tpu.vector_load %arg9[%get3A_356, %get3A_357, %get3A_358] {strides = array<i32>} : memref<2x128x128xf32, #tpu.memory_space<vmem>>, vector<16xf32>,
      %add3A_360 = arith.constant 128 : i32
      %add3A_361 = arith.addi %add3A_360, %add3A_354 : i32
      %swap3A_362 = arith.index_cast %add3A_361 : i32 to index
      %swap3A_363 = arith.constant 0 : index
      %swap3A_364 = tpu.vector_load %arg10[%swap3A_362, %swap3A_363] {strides = array<i32>} : memref<512x32xf32, #tpu.memory_space<vmem>>, vector<16xf32>,
      tpu.vector_store %arg10[%swap3A_362, %swap3A_363], %get3A_359 {strides = array<i32>} : memref<512x32xf32, #tpu.memory_space<vmem>>, vector<16xf32>,
      %get3A_365 = arith.constant 1 : i32
      %get3A_366 = arith.index_cast %get3A_365 : i32 to index
      %get3A_367 = arith.index_cast %add3A_354 : i32 to index
      %get3A_368 = arith.constant 16 : index
      %get3A_369 = tpu.vector_load %arg9[%get3A_366, %get3A_367, %get3A_368] {strides = array<i32>} : memref<2x128x128xf32, #tpu.memory_space<vmem>>, vector<16xf32>,
      %add3A_370 = arith.constant 128 : i32
      %add3A_371 = arith.addi %add3A_370, %add3A_354 : i32
      %swap3A_372 = arith.index_cast %add3A_371 : i32 to index
      %swap3A_373 = arith.constant 16 : index
      %swap3A_374 = tpu.vector_load %arg10[%swap3A_372, %swap3A_373] {strides = array<i32>} : memref<512x32xf32, #tpu.memory_space<vmem>>, vector<16xf32>,
      tpu.vector_store %arg10[%swap3A_372, %swap3A_373], %get3A_369 {strides = array<i32>} : memref<512x32xf32, #tpu.memory_space<vmem>>, vector<16xf32>,
      %add3A_375 = arith.constant 8 : i32
      %add3A_376 = arith.addi %mul3A_200, %add3A_375 : i32
      %get3A_377 = arith.constant 1 : i32
      %get3A_378 = arith.index_cast %get3A_377 : i32 to index
      %get3A_379 = arith.index_cast %add3A_376 : i32 to index
      %get3A_380 = arith.constant 0 : index
      %get3A_381 = tpu.vector_load %arg9[%get3A_378, %get3A_379, %get3A_380] {strides = array<i32>} : memref<2x128x128xf32, #tpu.memory_space<vmem>>, vector<16xf32>,
      %add3A_382 = arith.constant 128 : i32
      %add3A_383 = arith.addi %add3A_382, %add3A_376 : i32
      %swap3A_384 = arith.index_cast %add3A_383 : i32 to index
      %swap3A_385 = arith.constant 0 : index
      %swap3A_386 = tpu.vector_load %arg10[%swap3A_384, %swap3A_385] {strides = array<i32>} : memref<512x32xf32, #tpu.memory_space<vmem>>, vector<16xf32>,
      tpu.vector_store %arg10[%swap3A_384, %swap3A_385], %get3A_381 {strides = array<i32>} : memref<512x32xf32, #tpu.memory_space<vmem>>, vector<16xf32>,
      %get3A_387 = arith.constant 1 : i32
      %get3A_388 = arith.index_cast %get3A_387 : i32 to index
      %get3A_389 = arith.index_cast %add3A_376 : i32 to index
      %get3A_390 = arith.constant 16 : index
      %get3A_391 = tpu.vector_load %arg9[%get3A_388, %get3A_389, %get3A_390] {strides = array<i32>} : memref<2x128x128xf32, #tpu.memory_space<vmem>>, vector<16xf32>,
      %add3A_392 = arith.constant 128 : i32
      %add3A_393 = arith.addi %add3A_392, %add3A_376 : i32
      %swap3A_394 = arith.index_cast %add3A_393 : i32 to index
      %swap3A_395 = arith.constant 16 : index
      %swap3A_396 = tpu.vector_load %arg10[%swap3A_394, %swap3A_395] {strides = array<i32>} : memref<512x32xf32, #tpu.memory_space<vmem>>, vector<16xf32>,
      tpu.vector_store %arg10[%swap3A_394, %swap3A_395], %get3A_391 {strides = array<i32>} : memref<512x32xf32, #tpu.memory_space<vmem>>, vector<16xf32>,
      %add3A_397 = arith.constant 9 : i32
      %add3A_398 = arith.addi %mul3A_200, %add3A_397 : i32
      %get3A_399 = arith.constant 1 : i32
      %get3A_400 = arith.index_cast %get3A_399 : i32 to index
      %get3A_401 = arith.index_cast %add3A_398 : i32 to index
      %get3A_402 = arith.constant 0 : index
      %get3A_403 = tpu.vector_load %arg9[%get3A_400, %get3A_401, %get3A_402] {strides = array<i32>} : memref<2x128x128xf32, #tpu.memory_space<vmem>>, vector<16xf32>,
      %add3A_404 = arith.constant 128 : i32
      %add3A_405 = arith.addi %add3A_404, %add3A_398 : i32
      %swap3A_406 = arith.index_cast %add3A_405 : i32 to index
      %swap3A_407 = arith.constant 0 : index
      %swap3A_408 = tpu.vector_load %arg10[%swap3A_406, %swap3A_407] {strides = array<i32>} : memref<512x32xf32, #tpu.memory_space<vmem>>, vector<16xf32>,
      tpu.vector_store %arg10[%swap3A_406, %swap3A_407], %get3A_403 {strides = array<i32>} : memref<512x32xf32, #tpu.memory_space<vmem>>, vector<16xf32>,
      %get3A_409 = arith.constant 1 : i32
      %get3A_410 = arith.index_cast %get3A_409 : i32 to index
      %get3A_411 = arith.index_cast %add3A_398 : i32 to index
      %get3A_412 = arith.constant 16 : index
      %get3A_413 = tpu.vector_load %arg9[%get3A_410, %get3A_411, %get3A_412] {strides = array<i32>} : memref<2x128x128xf32, #tpu.memory_space<vmem>>, vector<16xf32>,
      %add3A_414 = arith.constant 128 : i32
      %add3A_415 = arith.addi %add3A_414, %add3A_398 : i32
      %swap3A_416 = arith.index_cast %add3A_415 : i32 to index
      %swap3A_417 = arith.constant 16 : index
      %swap3A_418 = tpu.vector_load %arg10[%swap3A_416, %swap3A_417] {strides = array<i32>} : memref<512x32xf32, #tpu.memory_space<vmem>>, vector<16xf32>,
      tpu.vector_store %arg10[%swap3A_416, %swap3A_417], %get3A_413 {strides = array<i32>} : memref<512x32xf32, #tpu.memory_space<vmem>>, vector<16xf32>,
      %add3A_419 = arith.constant 10 : i32
      %add3A_420 = arith.addi %mul3A_200, %add3A_419 : i32
      %get3A_421 = arith.constant 1 : i32
      %get3A_422 = arith.index_cast %get3A_421 : i32 to index
      %get3A_423 = arith.index_cast %add3A_420 : i32 to index
      %get3A_424 = arith.constant 0 : index
      %get3A_425 = tpu.vector_load %arg9[%get3A_422, %get3A_423, %get3A_424] {strides = array<i32>} : memref<2x128x128xf32, #tpu.memory_space<vmem>>, vector<16xf32>,
      %add3A_426 = arith.constant 128 : i32
      %add3A_427 = arith.addi %add3A_426, %add3A_420 : i32
      %swap3A_428 = arith.index_cast %add3A_427 : i32 to index
      %swap3A_429 = arith.constant 0 : index
      %swap3A_430 = tpu.vector_load %arg10[%swap3A_428, %swap3A_429] {strides = array<i32>} : memref<512x32xf32, #tpu.memory_space<vmem>>, vector<16xf32>,
      tpu.vector_store %arg10[%swap3A_428, %swap3A_429], %get3A_425 {strides = array<i32>} : memref<512x32xf32, #tpu.memory_space<vmem>>, vector<16xf32>,
      %get3A_431 = arith.constant 1 : i32
      %get3A_432 = arith.index_cast %get3A_431 : i32 to index
      %get3A_433 = arith.index_cast %add3A_420 : i32 to index
      %get3A_434 = arith.constant 16 : index
      %get3A_435 = tpu.vector_load %arg9[%get3A_432, %get3A_433, %get3A_434] {strides = array<i32>} : memref<2x128x128xf32, #tpu.memory_space<vmem>>, vector<16xf32>,
      %add3A_436 = arith.constant 128 : i32
      %add3A_437 = arith.addi %add3A_436, %add3A_420 : i32
      %swap3A_438 = arith.index_cast %add3A_437 : i32 to index
      %swap3A_439 = arith.constant 16 : index
      %swap3A_440 = tpu.vector_load %arg10[%swap3A_438, %swap3A_439] {strides = array<i32>} : memref<512x32xf32, #tpu.memory_space<vmem>>, vector<16xf32>,
      tpu.vector_store %arg10[%swap3A_438, %swap3A_439], %get3A_435 {strides = array<i32>} : memref<512x32xf32, #tpu.memory_space<vmem>>, vector<16xf32>,
      %add3A_441 = arith.constant 11 : i32
      %add3A_442 = arith.addi %mul3A_200, %add3A_441 : i32
      %get3A_443 = arith.constant 1 : i32
      %get3A_444 = arith.index_cast %get3A_443 : i32 to index
      %get3A_445 = arith.index_cast %add3A_442 : i32 to index
      %get3A_446 = arith.constant 0 : index
      %get3A_447 = tpu.vector_load %arg9[%get3A_444, %get3A_445, %get3A_446] {strides = array<i32>} : memref<2x128x128xf32, #tpu.memory_space<vmem>>, vector<16xf32>,
      %add3A_448 = arith.constant 128 : i32
      %add3A_449 = arith.addi %add3A_448, %add3A_442 : i32
      %swap3A_450 = arith.index_cast %add3A_449 : i32 to index
      %swap3A_451 = arith.constant 0 : index
      %swap3A_452 = tpu.vector_load %arg10[%swap3A_450, %swap3A_451] {strides = array<i32>} : memref<512x32xf32, #tpu.memory_space<vmem>>, vector<16xf32>,
      tpu.vector_store %arg10[%swap3A_450, %swap3A_451], %get3A_447 {strides = array<i32>} : memref<512x32xf32, #tpu.memory_space<vmem>>, vector<16xf32>,
      %get3A_453 = arith.constant 1 : i32
      %get3A_454 = arith.index_cast %get3A_453 : i32 to index
      %get3A_455 = arith.index_cast %add3A_442 : i32 to index
      %get3A_456 = arith.constant 16 : index
      %get3A_457 = tpu.vector_load %arg9[%get3A_454, %get3A_455, %get3A_456] {strides = array<i32>} : memref<2x128x128xf32, #tpu.memory_space<vmem>>, vector<16xf32>,
      %add3A_458 = arith.constant 128 : i32
      %add3A_459 = arith.addi %add3A_458, %add3A_442 : i32
      %swap3A_460 = arith.index_cast %add3A_459 : i32 to index
      %swap3A_461 = arith.constant 16 : index
      %swap3A_462 = tpu.vector_load %arg10[%swap3A_460, %swap3A_461] {strides = array<i32>} : memref<512x32xf32, #tpu.memory_space<vmem>>, vector<16xf32>,
      tpu.vector_store %arg10[%swap3A_460, %swap3A_461], %get3A_457 {strides = array<i32>} : memref<512x32xf32, #tpu.memory_space<vmem>>, vector<16xf32>,
      %add3A_463 = arith.constant 12 : i32
      %add3A_464 = arith.addi %mul3A_200, %add3A_463 : i32
      %get3A_465 = arith.constant 1 : i32
      %get3A_466 = arith.index_cast %get3A_465 : i32 to index
      %get3A_467 = arith.index_cast %add3A_464 : i32 to index
      %get3A_468 = arith.constant 0 : index
      %get3A_469 = tpu.vector_load %arg9[%get3A_466, %get3A_467, %get3A_468] {strides = array<i32>} : memref<2x128x128xf32, #tpu.memory_space<vmem>>, vector<16xf32>,
      %add3A_470 = arith.constant 128 : i32
      %add3A_471 = arith.addi %add3A_470, %add3A_464 : i32
      %swap3A_472 = arith.index_cast %add3A_471 : i32 to index
      %swap3A_473 = arith.constant 0 : index
      %swap3A_474 = tpu.vector_load %arg10[%swap3A_472, %swap3A_473] {strides = array<i32>} : memref<512x32xf32, #tpu.memory_space<vmem>>, vector<16xf32>,
      tpu.vector_store %arg10[%swap3A_472, %swap3A_473], %get3A_469 {strides = array<i32>} : memref<512x32xf32, #tpu.memory_space<vmem>>, vector<16xf32>,
      %get3A_475 = arith.constant 1 : i32
      %get3A_476 = arith.index_cast %get3A_475 : i32 to index
      %get3A_477 = arith.index_cast %add3A_464 : i32 to index
      %get3A_478 = arith.constant 16 : index
      %get3A_479 = tpu.vector_load %arg9[%get3A_476, %get3A_477, %get3A_478] {strides = array<i32>} : memref<2x128x128xf32, #tpu.memory_space<vmem>>, vector<16xf32>,
      %add3A_480 = arith.constant 128 : i32
      %add3A_481 = arith.addi %add3A_480, %add3A_464 : i32
      %swap3A_482 = arith.index_cast %add3A_481 : i32 to index
      %swap3A_483 = arith.constant 16 : index
      %swap3A_484 = tpu.vector_load %arg10[%swap3A_482, %swap3A_483] {strides = array<i32>} : memref<512x32xf32, #tpu.memory_space<vmem>>, vector<16xf32>,
      tpu.vector_store %arg10[%swap3A_482, %swap3A_483], %get3A_479 {strides = array<i32>} : memref<512x32xf32, #tpu.memory_space<vmem>>, vector<16xf32>,
      %add3A_485 = arith.constant 13 : i32
      %add3A_486 = arith.addi %mul3A_200, %add3A_485 : i32
      %get3A_487 = arith.constant 1 : i32
      %get3A_488 = arith.index_cast %get3A_487 : i32 to index
      %get3A_489 = arith.index_cast %add3A_486 : i32 to index
      %get3A_490 = arith.constant 0 : index
      %get3A_491 = tpu.vector_load %arg9[%get3A_488, %get3A_489, %get3A_490] {strides = array<i32>} : memref<2x128x128xf32, #tpu.memory_space<vmem>>, vector<16xf32>,
      %add3A_492 = arith.constant 128 : i32
      %add3A_493 = arith.addi %add3A_492, %add3A_486 : i32
      %swap3A_494 = arith.index_cast %add3A_493 : i32 to index
      %swap3A_495 = arith.constant 0 : index
      %swap3A_496 = tpu.vector_load %arg10[%swap3A_494, %swap3A_495] {strides = array<i32>} : memref<512x32xf32, #tpu.memory_space<vmem>>, vector<16xf32>,
      tpu.vector_store %arg10[%swap3A_494, %swap3A_495], %get3A_491 {strides = array<i32>} : memref<512x32xf32, #tpu.memory_space<vmem>>, vector<16xf32>,
      %get3A_497 = arith.constant 1 : i32
      %get3A_498 = arith.index_cast %get3A_497 : i32 to index
      %get3A_499 = arith.index_cast %add3A_486 : i32 to index
      %get3A_500 = arith.constant 16 : index
      %get3A_501 = tpu.vector_load %arg9[%get3A_498, %get3A_499, %get3A_500] {strides = array<i32>} : memref<2x128x128xf32, #tpu.memory_space<vmem>>, vector<16xf32>,
      %add3A_502 = arith.constant 128 : i32
      %add3A_503 = arith.addi %add3A_502, %add3A_486 : i32
      %swap3A_504 = arith.index_cast %add3A_503 : i32 to index
      %swap3A_505 = arith.constant 16 : index
      %swap3A_506 = tpu.vector_load %arg10[%swap3A_504, %swap3A_505] {strides = array<i32>} : memref<512x32xf32, #tpu.memory_space<vmem>>, vector<16xf32>,
      tpu.vector_store %arg10[%swap3A_504, %swap3A_505], %get3A_501 {strides = array<i32>} : memref<512x32xf32, #tpu.memory_space<vmem>>, vector<16xf32>,
      %add3A_507 = arith.constant 14 : i32
      %add3A_508 = arith.addi %mul3A_200, %add3A_507 : i32
      %get3A_509 = arith.constant 1 : i32
      %get3A_510 = arith.index_cast %get3A_509 : i32 to index
      %get3A_511 = arith.index_cast %add3A_508 : i32 to index
      %get3A_512 = arith.constant 0 : index
      %get3A_513 = tpu.vector_load %arg9[%get3A_510, %get3A_511, %get3A_512] {strides = array<i32>} : memref<2x128x128xf32, #tpu.memory_space<vmem>>, vector<16xf32>,
      %add3A_514 = arith.constant 128 : i32
      %add3A_515 = arith.addi %add3A_514, %add3A_508 : i32
      %swap3A_516 = arith.index_cast %add3A_515 : i32 to index
      %swap3A_517 = arith.constant 0 : index
      %swap3A_518 = tpu.vector_load %arg10[%swap3A_516, %swap3A_517] {strides = array<i32>} : memref<512x32xf32, #tpu.memory_space<vmem>>, vector<16xf32>,
      tpu.vector_store %arg10[%swap3A_516, %swap3A_517], %get3A_513 {strides = array<i32>} : memref<512x32xf32, #tpu.memory_space<vmem>>, vector<16xf32>,
      %get3A_519 = arith.constant 1 : i32
      %get3A_520 = arith.index_cast %get3A_519 : i32 to index
      %get3A_521 = arith.index_cast %add3A_508 : i32 to index
      %get3A_522 = arith.constant 16 : index
      %get3A_523 = tpu.vector_load %arg9[%get3A_520, %get3A_521, %get3A_522] {strides = array<i32>} : memref<2x128x128xf32, #tpu.memory_space<vmem>>, vector<16xf32>,
      %add3A_524 = arith.constant 128 : i32
      %add3A_525 = arith.addi %add3A_524, %add3A_508 : i32
      %swap3A_526 = arith.index_cast %add3A_525 : i32 to index
      %swap3A_527 = arith.constant 16 : index
      %swap3A_528 = tpu.vector_load %arg10[%swap3A_526, %swap3A_527] {strides = array<i32>} : memref<512x32xf32, #tpu.memory_space<vmem>>, vector<16xf32>,
      tpu.vector_store %arg10[%swap3A_526, %swap3A_527], %get3A_523 {strides = array<i32>} : memref<512x32xf32, #tpu.memory_space<vmem>>, vector<16xf32>,
      %add3A_529 = arith.constant 15 : i32
      %add3A_530 = arith.addi %mul3A_200, %add3A_529 : i32
      %get3A_531 = arith.constant 1 : i32
      %get3A_532 = arith.index_cast %get3A_531 : i32 to index
      %get3A_533 = arith.index_cast %add3A_530 : i32 to index
      %get3A_534 = arith.constant 0 : index
      %get3A_535 = tpu.vector_load %arg9[%get3A_532, %get3A_533, %get3A_534] {strides = array<i32>} : memref<2x128x128xf32, #tpu.memory_space<vmem>>, vector<16xf32>,
      %add3A_536 = arith.constant 128 : i32
      %add3A_537 = arith.addi %add3A_536, %add3A_530 : i32
      %swap3A_538 = arith.index_cast %add3A_537 : i32 to index
      %swap3A_539 = arith.constant 0 : index
      %swap3A_540 = tpu.vector_load %arg10[%swap3A_538, %swap3A_539] {strides = array<i32>} : memref<512x32xf32, #tpu.memory_space<vmem>>, vector<16xf32>,
      tpu.vector_store %arg10[%swap3A_538, %swap3A_539], %get3A_535 {strides = array<i32>} : memref<512x32xf32, #tpu.memory_space<vmem>>, vector<16xf32>,
      %get3A_541 = arith.constant 1 : i32
      %get3A_542 = arith.index_cast %get3A_541 : i32 to index
      %get3A_543 = arith.index_cast %add3A_530 : i32 to index
      %get3A_544 = arith.constant 16 : index
      %get3A_545 = tpu.vector_load %arg9[%get3A_542, %get3A_543, %get3A_544] {strides = array<i32>} : memref<2x128x128xf32, #tpu.memory_space<vmem>>, vector<16xf32>,
      %add3A_546 = arith.constant 128 : i32
      %add3A_547 = arith.addi %add3A_546, %add3A_530 : i32
      %swap3A_548 = arith.index_cast %add3A_547 : i32 to index
      %swap3A_549 = arith.constant 16 : index
      %swap3A_550 = tpu.vector_load %arg10[%swap3A_548, %swap3A_549] {strides = array<i32>} : memref<512x32xf32, #tpu.memory_space<vmem>>, vector<16xf32>,
      tpu.vector_store %arg10[%swap3A_548, %swap3A_549], %get3A_545 {strides = array<i32>} : memref<512x32xf32, #tpu.memory_space<vmem>>, vector<16xf32>,
    }
    %scan3A_79 = arith.constant 8 : i32
    %add3A_80 = arith.constant 128 : i32
    %add3A_81 = arith.addi %mul3A_2, %add3A_80 : i32
    %dma_start3A_82 = arith.constant 128 : i32
    %dma_start3A_83 = arith.constant 0 : i32
    %dma_start3A_84 = tpu.memref_slice %arg10[%dma_start3A_82, %dma_start3A_83] : memref<512x32xf32, #tpu.memory_space<vmem>> -> memref<128x32xf32, #tpu.memory_space<vmem>>
    %dma_start3A_85 = arith.constant 0 : i32
    %dma_start3A_86 = tpu.memref_slice %arg4[%add3A_81, %dma_start3A_85] : memref<16384x32xf32, #tpu.memory_space<hbm>> -> memref<128x32xf32, #tpu.memory_space<hbm>>
    %dma_start3A_87 = arith.constant 0 : i32
    %dma_start3A_88 = tpu.memref_slice %arg4[%add3A_81, %dma_start3A_87] : memref<16384x32xf32, #tpu.memory_space<hbm>> -> memref<128x32xf32, #tpu.memory_space<hbm>>
    %dma_start3A_89 = arith.constant 128 : i32
    %dma_start3A_90 = arith.constant 0 : i32
    %dma_start3A_91 = tpu.memref_slice %arg10[%dma_start3A_89, %dma_start3A_90] : memref<512x32xf32, #tpu.memory_space<vmem>> -> memref<128x32xf32, #tpu.memory_space<vmem>>
    tpu.enqueue_dma source(%dma_start3A_91 : memref<128x32xf32, #tpu.memory_space<vmem>>) target(%dma_start3A_88 : memref<128x32xf32, #tpu.memory_space<hbm>>) target_semaphore(%arg15 : memref<!tpu.dma_semaphore, #tpu.memory_space<semaphore_mem>>)
    %dma_start3A_92 = arith.constant 1 : i32
    %dma_start3A_93 = arith.constant 0 : i32
    %dma_start3A_94 = arith.constant 0 : i32
    %dma_start3A_95 = tpu.memref_slice %arg9[%dma_start3A_92, %dma_start3A_93, %dma_start3A_94] : memref<2x128x128xf32, #tpu.memory_space<vmem>> -> memref<1x128x128xf32, #tpu.memory_space<vmem>>
    %dma_start3A_96 = tpu.memref_squeeze %dma_start3A_95 : memref<1x128x128xf32, #tpu.memory_space<vmem>> -> memref<128x128xf32, #tpu.memory_space<vmem>>
    %dma_start3A_97 = arith.constant 384 : i32
    %dma_start3A_98 = tpu.memref_slice %arg5[%dma_start3A_97] : memref<512xi32, #tpu.memory_space<vmem>> -> memref<128xi32, #tpu.memory_space<vmem>>
    %dma_start3A_99 = arith.constant 0 : i32
    %dma_start3A_100 = arith.constant 0 : i32
    %dma_start3A_101 = tpu.memref_slice %arg8[%dma_start3A_99, %dma_start3A_100] : memref<10x128xf32, #tpu.memory_space<vmem_shared>> -> memref<10x128xf32, #tpu.memory_space<vmem_shared>>
    tpu.enqueue_indirect_dma source(%dma_start3A_101 : memref<10x128xf32, #tpu.memory_space<vmem_shared>>) target(%dma_start3A_96 : memref<128x128xf32, #tpu.memory_space<vmem>>) offsets(%dma_start3A_98 : memref<128xi32, #tpu.memory_space<vmem>>) semaphore(%arg14 : memref<!tpu.dma_semaphore, #tpu.memory_space<semaphore_mem>>)
    %dma_wait3A_102 = arith.constant 0 : i32
    %dma_wait3A_103 = arith.constant 0 : i32
    %dma_wait3A_104 = arith.constant 0 : i32
    %dma_wait3A_105 = tpu.memref_slice %arg9[%dma_wait3A_102, %dma_wait3A_103, %dma_wait3A_104] : memref<2x128x128xf32, #tpu.memory_space<vmem>> -> memref<1x128x128xf32, #tpu.memory_space<vmem>>
    %dma_wait3A_106 = tpu.memref_squeeze %dma_wait3A_105 : memref<1x128x128xf32, #tpu.memory_space<vmem>> -> memref<128x128xf32, #tpu.memory_space<vmem>>
    %dma_wait3A_107 = arith.constant 256 : i32
    %dma_wait3A_108 = tpu.memref_slice %arg5[%dma_wait3A_107] : memref<512xi32, #tpu.memory_space<vmem>> -> memref<128xi32, #tpu.memory_space<vmem>>
    %dma_wait3A_109 = arith.constant 0 : i32
    %dma_wait3A_110 = arith.constant 0 : i32
    %dma_wait3A_111 = tpu.memref_slice %arg8[%dma_wait3A_109, %dma_wait3A_110] : memref<10x128xf32, #tpu.memory_space<vmem_shared>> -> memref<10x128xf32, #tpu.memory_space<vmem_shared>>
    tpu.wait_indirect_dma semaphore(%arg13 : memref<!tpu.dma_semaphore, #tpu.memory_space<semaphore_mem>>) src(%dma_wait3A_111 : memref<10x128xf32, #tpu.memory_space<vmem_shared>>) dst(%dma_wait3A_106 : memref<128x128xf32, #tpu.memory_space<vmem>>)
    %scan3A_112 = arith.constant 0 : i32
    %scan3A_113 = arith.constant 0 : i32
    %scan3A_114 = arith.constant 8 : i32
    %scan3A_115 = arith.addi %scan3A_113, %scan3A_114 : i32
    %scan3A_116 = arith.constant 1 : i32
    scf.for %scan3A_198 = %scan3A_113 to %scan3A_115 step %scan3A_116  : i32 {
      %mul3A_199 = arith.constant 16 : i32
      %mul3A_200 = arith.muli %scan3A_198, %mul3A_199 : i32
      %add3A_201 = arith.constant 0 : i32
      %add3A_202 = arith.addi %mul3A_200, %add3A_201 : i32
      %get3A = arith.constant 0 : i32
      %get3A_203 = arith.index_cast %get3A : i32 to index
      %get3A_204 = arith.index_cast %add3A_202 : i32 to index
      %get3A_205 = arith.constant 0 : index
      %get3A_206 = tpu.vector_load %arg9[%get3A_203, %get3A_204, %get3A_205] {strides = array<i32>} : memref<2x128x128xf32, #tpu.memory_space<vmem>>, vector<16xf32>,
      %add3A_207 = arith.constant 256 : i32
      %add3A_208 = arith.addi %add3A_207, %add3A_202 : i32
      %swap3A = arith.index_cast %add3A_208 : i32 to index
      %swap3A_209 = arith.constant 0 : index
      %swap3A_210 = tpu.vector_load %arg10[%swap3A, %swap3A_209] {strides = array<i32>} : memref<512x32xf32, #tpu.memory_space<vmem>>, vector<16xf32>,
      tpu.vector_store %arg10[%swap3A, %swap3A_209], %get3A_206 {strides = array<i32>} : memref<512x32xf32, #tpu.memory_space<vmem>>, vector<16xf32>,
      %get3A_211 = arith.constant 0 : i32
      %get3A_212 = arith.index_cast %get3A_211 : i32 to index
      %get3A_213 = arith.index_cast %add3A_202 : i32 to index
      %get3A_214 = arith.constant 16 : index
      %get3A_215 = tpu.vector_load %arg9[%get3A_212, %get3A_213, %get3A_214] {strides = array<i32>} : memref<2x128x128xf32, #tpu.memory_space<vmem>>, vector<16xf32>,
      %add3A_216 = arith.constant 256 : i32
      %add3A_217 = arith.addi %add3A_216, %add3A_202 : i32
      %swap3A_218 = arith.index_cast %add3A_217 : i32 to index
      %swap3A_219 = arith.constant 16 : index
      %swap3A_220 = tpu.vector_load %arg10[%swap3A_218, %swap3A_219] {strides = array<i32>} : memref<512x32xf32, #tpu.memory_space<vmem>>, vector<16xf32>,
      tpu.vector_store %arg10[%swap3A_218, %swap3A_219], %get3A_215 {strides = array<i32>} : memref<512x32xf32, #tpu.memory_space<vmem>>, vector<16xf32>,
      %add3A_221 = arith.constant 1 : i32
      %add3A_222 = arith.addi %mul3A_200, %add3A_221 : i32
      %get3A_223 = arith.constant 0 : i32
      %get3A_224 = arith.index_cast %get3A_223 : i32 to index
      %get3A_225 = arith.index_cast %add3A_222 : i32 to index
      %get3A_226 = arith.constant 0 : index
      %get3A_227 = tpu.vector_load %arg9[%get3A_224, %get3A_225, %get3A_226] {strides = array<i32>} : memref<2x128x128xf32, #tpu.memory_space<vmem>>, vector<16xf32>,
      %add3A_228 = arith.constant 256 : i32
      %add3A_229 = arith.addi %add3A_228, %add3A_222 : i32
      %swap3A_230 = arith.index_cast %add3A_229 : i32 to index
      %swap3A_231 = arith.constant 0 : index
      %swap3A_232 = tpu.vector_load %arg10[%swap3A_230, %swap3A_231] {strides = array<i32>} : memref<512x32xf32, #tpu.memory_space<vmem>>, vector<16xf32>,
      tpu.vector_store %arg10[%swap3A_230, %swap3A_231], %get3A_227 {strides = array<i32>} : memref<512x32xf32, #tpu.memory_space<vmem>>, vector<16xf32>,
      %get3A_233 = arith.constant 0 : i32
      %get3A_234 = arith.index_cast %get3A_233 : i32 to index
      %get3A_235 = arith.index_cast %add3A_222 : i32 to index
      %get3A_236 = arith.constant 16 : index
      %get3A_237 = tpu.vector_load %arg9[%get3A_234, %get3A_235, %get3A_236] {strides = array<i32>} : memref<2x128x128xf32, #tpu.memory_space<vmem>>, vector<16xf32>,
      %add3A_238 = arith.constant 256 : i32
      %add3A_239 = arith.addi %add3A_238, %add3A_222 : i32
      %swap3A_240 = arith.index_cast %add3A_239 : i32 to index
      %swap3A_241 = arith.constant 16 : index
      %swap3A_242 = tpu.vector_load %arg10[%swap3A_240, %swap3A_241] {strides = array<i32>} : memref<512x32xf32, #tpu.memory_space<vmem>>, vector<16xf32>,
      tpu.vector_store %arg10[%swap3A_240, %swap3A_241], %get3A_237 {strides = array<i32>} : memref<512x32xf32, #tpu.memory_space<vmem>>, vector<16xf32>,
      %add3A_243 = arith.constant 2 : i32
      %add3A_244 = arith.addi %mul3A_200, %add3A_243 : i32
      %get3A_245 = arith.constant 0 : i32
      %get3A_246 = arith.index_cast %get3A_245 : i32 to index
      %get3A_247 = arith.index_cast %add3A_244 : i32 to index
      %get3A_248 = arith.constant 0 : index
      %get3A_249 = tpu.vector_load %arg9[%get3A_246, %get3A_247, %get3A_248] {strides = array<i32>} : memref<2x128x128xf32, #tpu.memory_space<vmem>>, vector<16xf32>,
      %add3A_250 = arith.constant 256 : i32
      %add3A_251 = arith.addi %add3A_250, %add3A_244 : i32
      %swap3A_252 = arith.index_cast %add3A_251 : i32 to index
      %swap3A_253 = arith.constant 0 : index
      %swap3A_254 = tpu.vector_load %arg10[%swap3A_252, %swap3A_253] {strides = array<i32>} : memref<512x32xf32, #tpu.memory_space<vmem>>, vector<16xf32>,
      tpu.vector_store %arg10[%swap3A_252, %swap3A_253], %get3A_249 {strides = array<i32>} : memref<512x32xf32, #tpu.memory_space<vmem>>, vector<16xf32>,
      %get3A_255 = arith.constant 0 : i32
      %get3A_256 = arith.index_cast %get3A_255 : i32 to index
      %get3A_257 = arith.index_cast %add3A_244 : i32 to index
      %get3A_258 = arith.constant 16 : index
      %get3A_259 = tpu.vector_load %arg9[%get3A_256, %get3A_257, %get3A_258] {strides = array<i32>} : memref<2x128x128xf32, #tpu.memory_space<vmem>>, vector<16xf32>,
      %add3A_260 = arith.constant 256 : i32
      %add3A_261 = arith.addi %add3A_260, %add3A_244 : i32
      %swap3A_262 = arith.index_cast %add3A_261 : i32 to index
      %swap3A_263 = arith.constant 16 : index
      %swap3A_264 = tpu.vector_load %arg10[%swap3A_262, %swap3A_263] {strides = array<i32>} : memref<512x32xf32, #tpu.memory_space<vmem>>, vector<16xf32>,
      tpu.vector_store %arg10[%swap3A_262, %swap3A_263], %get3A_259 {strides = array<i32>} : memref<512x32xf32, #tpu.memory_space<vmem>>, vector<16xf32>,
      %add3A_265 = arith.constant 3 : i32
      %add3A_266 = arith.addi %mul3A_200, %add3A_265 : i32
      %get3A_267 = arith.constant 0 : i32
      %get3A_268 = arith.index_cast %get3A_267 : i32 to index
      %get3A_269 = arith.index_cast %add3A_266 : i32 to index
      %get3A_270 = arith.constant 0 : index
      %get3A_271 = tpu.vector_load %arg9[%get3A_268, %get3A_269, %get3A_270] {strides = array<i32>} : memref<2x128x128xf32, #tpu.memory_space<vmem>>, vector<16xf32>,
      %add3A_272 = arith.constant 256 : i32
      %add3A_273 = arith.addi %add3A_272, %add3A_266 : i32
      %swap3A_274 = arith.index_cast %add3A_273 : i32 to index
      %swap3A_275 = arith.constant 0 : index
      %swap3A_276 = tpu.vector_load %arg10[%swap3A_274, %swap3A_275] {strides = array<i32>} : memref<512x32xf32, #tpu.memory_space<vmem>>, vector<16xf32>,
      tpu.vector_store %arg10[%swap3A_274, %swap3A_275], %get3A_271 {strides = array<i32>} : memref<512x32xf32, #tpu.memory_space<vmem>>, vector<16xf32>,
      %get3A_277 = arith.constant 0 : i32
      %get3A_278 = arith.index_cast %get3A_277 : i32 to index
      %get3A_279 = arith.index_cast %add3A_266 : i32 to index
      %get3A_280 = arith.constant 16 : index
      %get3A_281 = tpu.vector_load %arg9[%get3A_278, %get3A_279, %get3A_280] {strides = array<i32>} : memref<2x128x128xf32, #tpu.memory_space<vmem>>, vector<16xf32>,
      %add3A_282 = arith.constant 256 : i32
      %add3A_283 = arith.addi %add3A_282, %add3A_266 : i32
      %swap3A_284 = arith.index_cast %add3A_283 : i32 to index
      %swap3A_285 = arith.constant 16 : index
      %swap3A_286 = tpu.vector_load %arg10[%swap3A_284, %swap3A_285] {strides = array<i32>} : memref<512x32xf32, #tpu.memory_space<vmem>>, vector<16xf32>,
      tpu.vector_store %arg10[%swap3A_284, %swap3A_285], %get3A_281 {strides = array<i32>} : memref<512x32xf32, #tpu.memory_space<vmem>>, vector<16xf32>,
      %add3A_287 = arith.constant 4 : i32
      %add3A_288 = arith.addi %mul3A_200, %add3A_287 : i32
      %get3A_289 = arith.constant 0 : i32
      %get3A_290 = arith.index_cast %get3A_289 : i32 to index
      %get3A_291 = arith.index_cast %add3A_288 : i32 to index
      %get3A_292 = arith.constant 0 : index
      %get3A_293 = tpu.vector_load %arg9[%get3A_290, %get3A_291, %get3A_292] {strides = array<i32>} : memref<2x128x128xf32, #tpu.memory_space<vmem>>, vector<16xf32>,
      %add3A_294 = arith.constant 256 : i32
      %add3A_295 = arith.addi %add3A_294, %add3A_288 : i32
      %swap3A_296 = arith.index_cast %add3A_295 : i32 to index
      %swap3A_297 = arith.constant 0 : index
      %swap3A_298 = tpu.vector_load %arg10[%swap3A_296, %swap3A_297] {strides = array<i32>} : memref<512x32xf32, #tpu.memory_space<vmem>>, vector<16xf32>,
      tpu.vector_store %arg10[%swap3A_296, %swap3A_297], %get3A_293 {strides = array<i32>} : memref<512x32xf32, #tpu.memory_space<vmem>>, vector<16xf32>,
      %get3A_299 = arith.constant 0 : i32
      %get3A_300 = arith.index_cast %get3A_299 : i32 to index
      %get3A_301 = arith.index_cast %add3A_288 : i32 to index
      %get3A_302 = arith.constant 16 : index
      %get3A_303 = tpu.vector_load %arg9[%get3A_300, %get3A_301, %get3A_302] {strides = array<i32>} : memref<2x128x128xf32, #tpu.memory_space<vmem>>, vector<16xf32>,
      %add3A_304 = arith.constant 256 : i32
      %add3A_305 = arith.addi %add3A_304, %add3A_288 : i32
      %swap3A_306 = arith.index_cast %add3A_305 : i32 to index
      %swap3A_307 = arith.constant 16 : index
      %swap3A_308 = tpu.vector_load %arg10[%swap3A_306, %swap3A_307] {strides = array<i32>} : memref<512x32xf32, #tpu.memory_space<vmem>>, vector<16xf32>,
      tpu.vector_store %arg10[%swap3A_306, %swap3A_307], %get3A_303 {strides = array<i32>} : memref<512x32xf32, #tpu.memory_space<vmem>>, vector<16xf32>,
      %add3A_309 = arith.constant 5 : i32
      %add3A_310 = arith.addi %mul3A_200, %add3A_309 : i32
      %get3A_311 = arith.constant 0 : i32
      %get3A_312 = arith.index_cast %get3A_311 : i32 to index
      %get3A_313 = arith.index_cast %add3A_310 : i32 to index
      %get3A_314 = arith.constant 0 : index
      %get3A_315 = tpu.vector_load %arg9[%get3A_312, %get3A_313, %get3A_314] {strides = array<i32>} : memref<2x128x128xf32, #tpu.memory_space<vmem>>, vector<16xf32>,
      %add3A_316 = arith.constant 256 : i32
      %add3A_317 = arith.addi %add3A_316, %add3A_310 : i32
      %swap3A_318 = arith.index_cast %add3A_317 : i32 to index
      %swap3A_319 = arith.constant 0 : index
      %swap3A_320 = tpu.vector_load %arg10[%swap3A_318, %swap3A_319] {strides = array<i32>} : memref<512x32xf32, #tpu.memory_space<vmem>>, vector<16xf32>,
      tpu.vector_store %arg10[%swap3A_318, %swap3A_319], %get3A_315 {strides = array<i32>} : memref<512x32xf32, #tpu.memory_space<vmem>>, vector<16xf32>,
      %get3A_321 = arith.constant 0 : i32
      %get3A_322 = arith.index_cast %get3A_321 : i32 to index
      %get3A_323 = arith.index_cast %add3A_310 : i32 to index
      %get3A_324 = arith.constant 16 : index
      %get3A_325 = tpu.vector_load %arg9[%get3A_322, %get3A_323, %get3A_324] {strides = array<i32>} : memref<2x128x128xf32, #tpu.memory_space<vmem>>, vector<16xf32>,
      %add3A_326 = arith.constant 256 : i32
      %add3A_327 = arith.addi %add3A_326, %add3A_310 : i32
      %swap3A_328 = arith.index_cast %add3A_327 : i32 to index
      %swap3A_329 = arith.constant 16 : index
      %swap3A_330 = tpu.vector_load %arg10[%swap3A_328, %swap3A_329] {strides = array<i32>} : memref<512x32xf32, #tpu.memory_space<vmem>>, vector<16xf32>,
      tpu.vector_store %arg10[%swap3A_328, %swap3A_329], %get3A_325 {strides = array<i32>} : memref<512x32xf32, #tpu.memory_space<vmem>>, vector<16xf32>,
      %add3A_331 = arith.constant 6 : i32
      %add3A_332 = arith.addi %mul3A_200, %add3A_331 : i32
      %get3A_333 = arith.constant 0 : i32
      %get3A_334 = arith.index_cast %get3A_333 : i32 to index
      %get3A_335 = arith.index_cast %add3A_332 : i32 to index
      %get3A_336 = arith.constant 0 : index
      %get3A_337 = tpu.vector_load %arg9[%get3A_334, %get3A_335, %get3A_336] {strides = array<i32>} : memref<2x128x128xf32, #tpu.memory_space<vmem>>, vector<16xf32>,
      %add3A_338 = arith.constant 256 : i32
      %add3A_339 = arith.addi %add3A_338, %add3A_332 : i32
      %swap3A_340 = arith.index_cast %add3A_339 : i32 to index
      %swap3A_341 = arith.constant 0 : index
      %swap3A_342 = tpu.vector_load %arg10[%swap3A_340, %swap3A_341] {strides = array<i32>} : memref<512x32xf32, #tpu.memory_space<vmem>>, vector<16xf32>,
      tpu.vector_store %arg10[%swap3A_340, %swap3A_341], %get3A_337 {strides = array<i32>} : memref<512x32xf32, #tpu.memory_space<vmem>>, vector<16xf32>,
      %get3A_343 = arith.constant 0 : i32
      %get3A_344 = arith.index_cast %get3A_343 : i32 to index
      %get3A_345 = arith.index_cast %add3A_332 : i32 to index
      %get3A_346 = arith.constant 16 : index
      %get3A_347 = tpu.vector_load %arg9[%get3A_344, %get3A_345, %get3A_346] {strides = array<i32>} : memref<2x128x128xf32, #tpu.memory_space<vmem>>, vector<16xf32>,
      %add3A_348 = arith.constant 256 : i32
      %add3A_349 = arith.addi %add3A_348, %add3A_332 : i32
      %swap3A_350 = arith.index_cast %add3A_349 : i32 to index
      %swap3A_351 = arith.constant 16 : index
      %swap3A_352 = tpu.vector_load %arg10[%swap3A_350, %swap3A_351] {strides = array<i32>} : memref<512x32xf32, #tpu.memory_space<vmem>>, vector<16xf32>,
      tpu.vector_store %arg10[%swap3A_350, %swap3A_351], %get3A_347 {strides = array<i32>} : memref<512x32xf32, #tpu.memory_space<vmem>>, vector<16xf32>,
      %add3A_353 = arith.constant 7 : i32
      %add3A_354 = arith.addi %mul3A_200, %add3A_353 : i32
      %get3A_355 = arith.constant 0 : i32
      %get3A_356 = arith.index_cast %get3A_355 : i32 to index
      %get3A_357 = arith.index_cast %add3A_354 : i32 to index
      %get3A_358 = arith.constant 0 : index
      %get3A_359 = tpu.vector_load %arg9[%get3A_356, %get3A_357, %get3A_358] {strides = array<i32>} : memref<2x128x128xf32, #tpu.memory_space<vmem>>, vector<16xf32>,
      %add3A_360 = arith.constant 256 : i32
      %add3A_361 = arith.addi %add3A_360, %add3A_354 : i32
      %swap3A_362 = arith.index_cast %add3A_361 : i32 to index
      %swap3A_363 = arith.constant 0 : index
      %swap3A_364 = tpu.vector_load %arg10[%swap3A_362, %swap3A_363] {strides = array<i32>} : memref<512x32xf32, #tpu.memory_space<vmem>>, vector<16xf32>,
      tpu.vector_store %arg10[%swap3A_362, %swap3A_363], %get3A_359 {strides = array<i32>} : memref<512x32xf32, #tpu.memory_space<vmem>>, vector<16xf32>,
      %get3A_365 = arith.constant 0 : i32
      %get3A_366 = arith.index_cast %get3A_365 : i32 to index
      %get3A_367 = arith.index_cast %add3A_354 : i32 to index
      %get3A_368 = arith.constant 16 : index
      %get3A_369 = tpu.vector_load %arg9[%get3A_366, %get3A_367, %get3A_368] {strides = array<i32>} : memref<2x128x128xf32, #tpu.memory_space<vmem>>, vector<16xf32>,
      %add3A_370 = arith.constant 256 : i32
      %add3A_371 = arith.addi %add3A_370, %add3A_354 : i32
      %swap3A_372 = arith.index_cast %add3A_371 : i32 to index
      %swap3A_373 = arith.constant 16 : index
      %swap3A_374 = tpu.vector_load %arg10[%swap3A_372, %swap3A_373] {strides = array<i32>} : memref<512x32xf32, #tpu.memory_space<vmem>>, vector<16xf32>,
      tpu.vector_store %arg10[%swap3A_372, %swap3A_373], %get3A_369 {strides = array<i32>} : memref<512x32xf32, #tpu.memory_space<vmem>>, vector<16xf32>,
      %add3A_375 = arith.constant 8 : i32
      %add3A_376 = arith.addi %mul3A_200, %add3A_375 : i32
      %get3A_377 = arith.constant 0 : i32
      %get3A_378 = arith.index_cast %get3A_377 : i32 to index
      %get3A_379 = arith.index_cast %add3A_376 : i32 to index
      %get3A_380 = arith.constant 0 : index
      %get3A_381 = tpu.vector_load %arg9[%get3A_378, %get3A_379, %get3A_380] {strides = array<i32>} : memref<2x128x128xf32, #tpu.memory_space<vmem>>, vector<16xf32>,
      %add3A_382 = arith.constant 256 : i32
      %add3A_383 = arith.addi %add3A_382, %add3A_376 : i32
      %swap3A_384 = arith.index_cast %add3A_383 : i32 to index
      %swap3A_385 = arith.constant 0 : index
      %swap3A_386 = tpu.vector_load %arg10[%swap3A_384, %swap3A_385] {strides = array<i32>} : memref<512x32xf32, #tpu.memory_space<vmem>>, vector<16xf32>,
      tpu.vector_store %arg10[%swap3A_384, %swap3A_385], %get3A_381 {strides = array<i32>} : memref<512x32xf32, #tpu.memory_space<vmem>>, vector<16xf32>,
      %get3A_387 = arith.constant 0 : i32
      %get3A_388 = arith.index_cast %get3A_387 : i32 to index
      %get3A_389 = arith.index_cast %add3A_376 : i32 to index
      %get3A_390 = arith.constant 16 : index
      %get3A_391 = tpu.vector_load %arg9[%get3A_388, %get3A_389, %get3A_390] {strides = array<i32>} : memref<2x128x128xf32, #tpu.memory_space<vmem>>, vector<16xf32>,
      %add3A_392 = arith.constant 256 : i32
      %add3A_393 = arith.addi %add3A_392, %add3A_376 : i32
      %swap3A_394 = arith.index_cast %add3A_393 : i32 to index
      %swap3A_395 = arith.constant 16 : index
      %swap3A_396 = tpu.vector_load %arg10[%swap3A_394, %swap3A_395] {strides = array<i32>} : memref<512x32xf32, #tpu.memory_space<vmem>>, vector<16xf32>,
      tpu.vector_store %arg10[%swap3A_394, %swap3A_395], %get3A_391 {strides = array<i32>} : memref<512x32xf32, #tpu.memory_space<vmem>>, vector<16xf32>,
      %add3A_397 = arith.constant 9 : i32
      %add3A_398 = arith.addi %mul3A_200, %add3A_397 : i32
      %get3A_399 = arith.constant 0 : i32
      %get3A_400 = arith.index_cast %get3A_399 : i32 to index
      %get3A_401 = arith.index_cast %add3A_398 : i32 to index
      %get3A_402 = arith.constant 0 : index
      %get3A_403 = tpu.vector_load %arg9[%get3A_400, %get3A_401, %get3A_402] {strides = array<i32>} : memref<2x128x128xf32, #tpu.memory_space<vmem>>, vector<16xf32>,
      %add3A_404 = arith.constant 256 : i32
      %add3A_405 = arith.addi %add3A_404, %add3A_398 : i32
      %swap3A_406 = arith.index_cast %add3A_405 : i32 to index
      %swap3A_407 = arith.constant 0 : index
      %swap3A_408 = tpu.vector_load %arg10[%swap3A_406, %swap3A_407] {strides = array<i32>} : memref<512x32xf32, #tpu.memory_space<vmem>>, vector<16xf32>,
      tpu.vector_store %arg10[%swap3A_406, %swap3A_407], %get3A_403 {strides = array<i32>} : memref<512x32xf32, #tpu.memory_space<vmem>>, vector<16xf32>,
      %get3A_409 = arith.constant 0 : i32
      %get3A_410 = arith.index_cast %get3A_409 : i32 to index
      %get3A_411 = arith.index_cast %add3A_398 : i32 to index
      %get3A_412 = arith.constant 16 : index
      %get3A_413 = tpu.vector_load %arg9[%get3A_410, %get3A_411, %get3A_412] {strides = array<i32>} : memref<2x128x128xf32, #tpu.memory_space<vmem>>, vector<16xf32>,
      %add3A_414 = arith.constant 256 : i32
      %add3A_415 = arith.addi %add3A_414, %add3A_398 : i32
      %swap3A_416 = arith.index_cast %add3A_415 : i32 to index
      %swap3A_417 = arith.constant 16 : index
      %swap3A_418 = tpu.vector_load %arg10[%swap3A_416, %swap3A_417] {strides = array<i32>} : memref<512x32xf32, #tpu.memory_space<vmem>>, vector<16xf32>,
      tpu.vector_store %arg10[%swap3A_416, %swap3A_417], %get3A_413 {strides = array<i32>} : memref<512x32xf32, #tpu.memory_space<vmem>>, vector<16xf32>,
      %add3A_419 = arith.constant 10 : i32
      %add3A_420 = arith.addi %mul3A_200, %add3A_419 : i32
      %get3A_421 = arith.constant 0 : i32
      %get3A_422 = arith.index_cast %get3A_421 : i32 to index
      %get3A_423 = arith.index_cast %add3A_420 : i32 to index
      %get3A_424 = arith.constant 0 : index
      %get3A_425 = tpu.vector_load %arg9[%get3A_422, %get3A_423, %get3A_424] {strides = array<i32>} : memref<2x128x128xf32, #tpu.memory_space<vmem>>, vector<16xf32>,
      %add3A_426 = arith.constant 256 : i32
      %add3A_427 = arith.addi %add3A_426, %add3A_420 : i32
      %swap3A_428 = arith.index_cast %add3A_427 : i32 to index
      %swap3A_429 = arith.constant 0 : index
      %swap3A_430 = tpu.vector_load %arg10[%swap3A_428, %swap3A_429] {strides = array<i32>} : memref<512x32xf32, #tpu.memory_space<vmem>>, vector<16xf32>,
      tpu.vector_store %arg10[%swap3A_428, %swap3A_429], %get3A_425 {strides = array<i32>} : memref<512x32xf32, #tpu.memory_space<vmem>>, vector<16xf32>,
      %get3A_431 = arith.constant 0 : i32
      %get3A_432 = arith.index_cast %get3A_431 : i32 to index
      %get3A_433 = arith.index_cast %add3A_420 : i32 to index
      %get3A_434 = arith.constant 16 : index
      %get3A_435 = tpu.vector_load %arg9[%get3A_432, %get3A_433, %get3A_434] {strides = array<i32>} : memref<2x128x128xf32, #tpu.memory_space<vmem>>, vector<16xf32>,
      %add3A_436 = arith.constant 256 : i32
      %add3A_437 = arith.addi %add3A_436, %add3A_420 : i32
      %swap3A_438 = arith.index_cast %add3A_437 : i32 to index
      %swap3A_439 = arith.constant 16 : index
      %swap3A_440 = tpu.vector_load %arg10[%swap3A_438, %swap3A_439] {strides = array<i32>} : memref<512x32xf32, #tpu.memory_space<vmem>>, vector<16xf32>,
      tpu.vector_store %arg10[%swap3A_438, %swap3A_439], %get3A_435 {strides = array<i32>} : memref<512x32xf32, #tpu.memory_space<vmem>>, vector<16xf32>,
      %add3A_441 = arith.constant 11 : i32
      %add3A_442 = arith.addi %mul3A_200, %add3A_441 : i32
      %get3A_443 = arith.constant 0 : i32
      %get3A_444 = arith.index_cast %get3A_443 : i32 to index
      %get3A_445 = arith.index_cast %add3A_442 : i32 to index
      %get3A_446 = arith.constant 0 : index
      %get3A_447 = tpu.vector_load %arg9[%get3A_444, %get3A_445, %get3A_446] {strides = array<i32>} : memref<2x128x128xf32, #tpu.memory_space<vmem>>, vector<16xf32>,
      %add3A_448 = arith.constant 256 : i32
      %add3A_449 = arith.addi %add3A_448, %add3A_442 : i32
      %swap3A_450 = arith.index_cast %add3A_449 : i32 to index
      %swap3A_451 = arith.constant 0 : index
      %swap3A_452 = tpu.vector_load %arg10[%swap3A_450, %swap3A_451] {strides = array<i32>} : memref<512x32xf32, #tpu.memory_space<vmem>>, vector<16xf32>,
      tpu.vector_store %arg10[%swap3A_450, %swap3A_451], %get3A_447 {strides = array<i32>} : memref<512x32xf32, #tpu.memory_space<vmem>>, vector<16xf32>,
      %get3A_453 = arith.constant 0 : i32
      %get3A_454 = arith.index_cast %get3A_453 : i32 to index
      %get3A_455 = arith.index_cast %add3A_442 : i32 to index
      %get3A_456 = arith.constant 16 : index
      %get3A_457 = tpu.vector_load %arg9[%get3A_454, %get3A_455, %get3A_456] {strides = array<i32>} : memref<2x128x128xf32, #tpu.memory_space<vmem>>, vector<16xf32>,
      %add3A_458 = arith.constant 256 : i32
      %add3A_459 = arith.addi %add3A_458, %add3A_442 : i32
      %swap3A_460 = arith.index_cast %add3A_459 : i32 to index
      %swap3A_461 = arith.constant 16 : index
      %swap3A_462 = tpu.vector_load %arg10[%swap3A_460, %swap3A_461] {strides = array<i32>} : memref<512x32xf32, #tpu.memory_space<vmem>>, vector<16xf32>,
      tpu.vector_store %arg10[%swap3A_460, %swap3A_461], %get3A_457 {strides = array<i32>} : memref<512x32xf32, #tpu.memory_space<vmem>>, vector<16xf32>,
      %add3A_463 = arith.constant 12 : i32
      %add3A_464 = arith.addi %mul3A_200, %add3A_463 : i32
      %get3A_465 = arith.constant 0 : i32
      %get3A_466 = arith.index_cast %get3A_465 : i32 to index
      %get3A_467 = arith.index_cast %add3A_464 : i32 to index
      %get3A_468 = arith.constant 0 : index
      %get3A_469 = tpu.vector_load %arg9[%get3A_466, %get3A_467, %get3A_468] {strides = array<i32>} : memref<2x128x128xf32, #tpu.memory_space<vmem>>, vector<16xf32>,
      %add3A_470 = arith.constant 256 : i32
      %add3A_471 = arith.addi %add3A_470, %add3A_464 : i32
      %swap3A_472 = arith.index_cast %add3A_471 : i32 to index
      %swap3A_473 = arith.constant 0 : index
      %swap3A_474 = tpu.vector_load %arg10[%swap3A_472, %swap3A_473] {strides = array<i32>} : memref<512x32xf32, #tpu.memory_space<vmem>>, vector<16xf32>,
      tpu.vector_store %arg10[%swap3A_472, %swap3A_473], %get3A_469 {strides = array<i32>} : memref<512x32xf32, #tpu.memory_space<vmem>>, vector<16xf32>,
      %get3A_475 = arith.constant 0 : i32
      %get3A_476 = arith.index_cast %get3A_475 : i32 to index
      %get3A_477 = arith.index_cast %add3A_464 : i32 to index
      %get3A_478 = arith.constant 16 : index
      %get3A_479 = tpu.vector_load %arg9[%get3A_476, %get3A_477, %get3A_478] {strides = array<i32>} : memref<2x128x128xf32, #tpu.memory_space<vmem>>, vector<16xf32>,
      %add3A_480 = arith.constant 256 : i32
      %add3A_481 = arith.addi %add3A_480, %add3A_464 : i32
      %swap3A_482 = arith.index_cast %add3A_481 : i32 to index
      %swap3A_483 = arith.constant 16 : index
      %swap3A_484 = tpu.vector_load %arg10[%swap3A_482, %swap3A_483] {strides = array<i32>} : memref<512x32xf32, #tpu.memory_space<vmem>>, vector<16xf32>,
      tpu.vector_store %arg10[%swap3A_482, %swap3A_483], %get3A_479 {strides = array<i32>} : memref<512x32xf32, #tpu.memory_space<vmem>>, vector<16xf32>,
      %add3A_485 = arith.constant 13 : i32
      %add3A_486 = arith.addi %mul3A_200, %add3A_485 : i32
      %get3A_487 = arith.constant 0 : i32
      %get3A_488 = arith.index_cast %get3A_487 : i32 to index
      %get3A_489 = arith.index_cast %add3A_486 : i32 to index
      %get3A_490 = arith.constant 0 : index
      %get3A_491 = tpu.vector_load %arg9[%get3A_488, %get3A_489, %get3A_490] {strides = array<i32>} : memref<2x128x128xf32, #tpu.memory_space<vmem>>, vector<16xf32>,
      %add3A_492 = arith.constant 256 : i32
      %add3A_493 = arith.addi %add3A_492, %add3A_486 : i32
      %swap3A_494 = arith.index_cast %add3A_493 : i32 to index
      %swap3A_495 = arith.constant 0 : index
      %swap3A_496 = tpu.vector_load %arg10[%swap3A_494, %swap3A_495] {strides = array<i32>} : memref<512x32xf32, #tpu.memory_space<vmem>>, vector<16xf32>,
      tpu.vector_store %arg10[%swap3A_494, %swap3A_495], %get3A_491 {strides = array<i32>} : memref<512x32xf32, #tpu.memory_space<vmem>>, vector<16xf32>,
      %get3A_497 = arith.constant 0 : i32
      %get3A_498 = arith.index_cast %get3A_497 : i32 to index
      %get3A_499 = arith.index_cast %add3A_486 : i32 to index
      %get3A_500 = arith.constant 16 : index
      %get3A_501 = tpu.vector_load %arg9[%get3A_498, %get3A_499, %get3A_500] {strides = array<i32>} : memref<2x128x128xf32, #tpu.memory_space<vmem>>, vector<16xf32>,
      %add3A_502 = arith.constant 256 : i32
      %add3A_503 = arith.addi %add3A_502, %add3A_486 : i32
      %swap3A_504 = arith.index_cast %add3A_503 : i32 to index
      %swap3A_505 = arith.constant 16 : index
      %swap3A_506 = tpu.vector_load %arg10[%swap3A_504, %swap3A_505] {strides = array<i32>} : memref<512x32xf32, #tpu.memory_space<vmem>>, vector<16xf32>,
      tpu.vector_store %arg10[%swap3A_504, %swap3A_505], %get3A_501 {strides = array<i32>} : memref<512x32xf32, #tpu.memory_space<vmem>>, vector<16xf32>,
      %add3A_507 = arith.constant 14 : i32
      %add3A_508 = arith.addi %mul3A_200, %add3A_507 : i32
      %get3A_509 = arith.constant 0 : i32
      %get3A_510 = arith.index_cast %get3A_509 : i32 to index
      %get3A_511 = arith.index_cast %add3A_508 : i32 to index
      %get3A_512 = arith.constant 0 : index
      %get3A_513 = tpu.vector_load %arg9[%get3A_510, %get3A_511, %get3A_512] {strides = array<i32>} : memref<2x128x128xf32, #tpu.memory_space<vmem>>, vector<16xf32>,
      %add3A_514 = arith.constant 256 : i32
      %add3A_515 = arith.addi %add3A_514, %add3A_508 : i32
      %swap3A_516 = arith.index_cast %add3A_515 : i32 to index
      %swap3A_517 = arith.constant 0 : index
      %swap3A_518 = tpu.vector_load %arg10[%swap3A_516, %swap3A_517] {strides = array<i32>} : memref<512x32xf32, #tpu.memory_space<vmem>>, vector<16xf32>,
      tpu.vector_store %arg10[%swap3A_516, %swap3A_517], %get3A_513 {strides = array<i32>} : memref<512x32xf32, #tpu.memory_space<vmem>>, vector<16xf32>,
      %get3A_519 = arith.constant 0 : i32
      %get3A_520 = arith.index_cast %get3A_519 : i32 to index
      %get3A_521 = arith.index_cast %add3A_508 : i32 to index
      %get3A_522 = arith.constant 16 : index
      %get3A_523 = tpu.vector_load %arg9[%get3A_520, %get3A_521, %get3A_522] {strides = array<i32>} : memref<2x128x128xf32, #tpu.memory_space<vmem>>, vector<16xf32>,
      %add3A_524 = arith.constant 256 : i32
      %add3A_525 = arith.addi %add3A_524, %add3A_508 : i32
      %swap3A_526 = arith.index_cast %add3A_525 : i32 to index
      %swap3A_527 = arith.constant 16 : index
      %swap3A_528 = tpu.vector_load %arg10[%swap3A_526, %swap3A_527] {strides = array<i32>} : memref<512x32xf32, #tpu.memory_space<vmem>>, vector<16xf32>,
      tpu.vector_store %arg10[%swap3A_526, %swap3A_527], %get3A_523 {strides = array<i32>} : memref<512x32xf32, #tpu.memory_space<vmem>>, vector<16xf32>,
      %add3A_529 = arith.constant 15 : i32
      %add3A_530 = arith.addi %mul3A_200, %add3A_529 : i32
      %get3A_531 = arith.constant 0 : i32
      %get3A_532 = arith.index_cast %get3A_531 : i32 to index
      %get3A_533 = arith.index_cast %add3A_530 : i32 to index
      %get3A_534 = arith.constant 0 : index
      %get3A_535 = tpu.vector_load %arg9[%get3A_532, %get3A_533, %get3A_534] {strides = array<i32>} : memref<2x128x128xf32, #tpu.memory_space<vmem>>, vector<16xf32>,
      %add3A_536 = arith.constant 256 : i32
      %add3A_537 = arith.addi %add3A_536, %add3A_530 : i32
      %swap3A_538 = arith.index_cast %add3A_537 : i32 to index
      %swap3A_539 = arith.constant 0 : index
      %swap3A_540 = tpu.vector_load %arg10[%swap3A_538, %swap3A_539] {strides = array<i32>} : memref<512x32xf32, #tpu.memory_space<vmem>>, vector<16xf32>,
      tpu.vector_store %arg10[%swap3A_538, %swap3A_539], %get3A_535 {strides = array<i32>} : memref<512x32xf32, #tpu.memory_space<vmem>>, vector<16xf32>,
      %get3A_541 = arith.constant 0 : i32
      %get3A_542 = arith.index_cast %get3A_541 : i32 to index
      %get3A_543 = arith.index_cast %add3A_530 : i32 to index
      %get3A_544 = arith.constant 16 : index
      %get3A_545 = tpu.vector_load %arg9[%get3A_542, %get3A_543, %get3A_544] {strides = array<i32>} : memref<2x128x128xf32, #tpu.memory_space<vmem>>, vector<16xf32>,
      %add3A_546 = arith.constant 256 : i32
      %add3A_547 = arith.addi %add3A_546, %add3A_530 : i32
      %swap3A_548 = arith.index_cast %add3A_547 : i32 to index
      %swap3A_549 = arith.constant 16 : index
      %swap3A_550 = tpu.vector_load %arg10[%swap3A_548, %swap3A_549] {strides = array<i32>} : memref<512x32xf32, #tpu.memory_space<vmem>>, vector<16xf32>,
      tpu.vector_store %arg10[%swap3A_548, %swap3A_549], %get3A_545 {strides = array<i32>} : memref<512x32xf32, #tpu.memory_space<vmem>>, vector<16xf32>,
    }
    %scan3A_117 = arith.constant 8 : i32
    %add3A_118 = arith.constant 256 : i32
    %add3A_119 = arith.addi %mul3A_2, %add3A_118 : i32
    %dma_start3A_120 = arith.constant 256 : i32
    %dma_start3A_121 = arith.constant 0 : i32
    %dma_start3A_122 = tpu.memref_slice %arg10[%dma_start3A_120, %dma_start3A_121] : memref<512x32xf32, #tpu.memory_space<vmem>> -> memref<128x32xf32, #tpu.memory_space<vmem>>
    %dma_start3A_123 = arith.constant 0 : i32
    %dma_start3A_124 = tpu.memref_slice %arg4[%add3A_119, %dma_start3A_123] : memref<16384x32xf32, #tpu.memory_space<hbm>> -> memref<128x32xf32, #tpu.memory_space<hbm>>
    %dma_start3A_125 = arith.constant 0 : i32
    %dma_start3A_126 = tpu.memref_slice %arg4[%add3A_119, %dma_start3A_125] : memref<16384x32xf32, #tpu.memory_space<hbm>> -> memref<128x32xf32, #tpu.memory_space<hbm>>
    %dma_start3A_127 = arith.constant 256 : i32
    %dma_start3A_128 = arith.constant 0 : i32
    %dma_start3A_129 = tpu.memref_slice %arg10[%dma_start3A_127, %dma_start3A_128] : memref<512x32xf32, #tpu.memory_space<vmem>> -> memref<128x32xf32, #tpu.memory_space<vmem>>
    tpu.enqueue_dma source(%dma_start3A_129 : memref<128x32xf32, #tpu.memory_space<vmem>>) target(%dma_start3A_126 : memref<128x32xf32, #tpu.memory_space<hbm>>) target_semaphore(%arg15 : memref<!tpu.dma_semaphore, #tpu.memory_space<semaphore_mem>>)
    %dma_wait3A_130 = arith.constant 1 : i32
    %dma_wait3A_131 = arith.constant 0 : i32
    %dma_wait3A_132 = arith.constant 0 : i32
    %dma_wait3A_133 = tpu.memref_slice %arg9[%dma_wait3A_130, %dma_wait3A_131, %dma_wait3A_132] : memref<2x128x128xf32, #tpu.memory_space<vmem>> -> memref<1x128x128xf32, #tpu.memory_space<vmem>>
    %dma_wait3A_134 = tpu.memref_squeeze %dma_wait3A_133 : memref<1x128x128xf32, #tpu.memory_space<vmem>> -> memref<128x128xf32, #tpu.memory_space<vmem>>
    %dma_wait3A_135 = arith.constant 384 : i32
    %dma_wait3A_136 = tpu.memref_slice %arg5[%dma_wait3A_135] : memref<512xi32, #tpu.memory_space<vmem>> -> memref<128xi32, #tpu.memory_space<vmem>>
    %dma_wait3A_137 = arith.constant 0 : i32
    %dma_wait3A_138 = arith.constant 0 : i32
    %dma_wait3A_139 = tpu.memref_slice %arg8[%dma_wait3A_137, %dma_wait3A_138] : memref<10x128xf32, #tpu.memory_space<vmem_shared>> -> memref<10x128xf32, #tpu.memory_space<vmem_shared>>
    tpu.wait_indirect_dma semaphore(%arg14 : memref<!tpu.dma_semaphore, #tpu.memory_space<semaphore_mem>>) src(%dma_wait3A_139 : memref<10x128xf32, #tpu.memory_space<vmem_shared>>) dst(%dma_wait3A_134 : memref<128x128xf32, #tpu.memory_space<vmem>>)
    %scan3A_140 = arith.constant 0 : i32
    %scan3A_141 = arith.constant 0 : i32
    %scan3A_142 = arith.constant 8 : i32
    %scan3A_143 = arith.addi %scan3A_141, %scan3A_142 : i32
    %scan3A_144 = arith.constant 1 : i32
    scf.for %scan3A_198 = %scan3A_141 to %scan3A_143 step %scan3A_144  : i32 {
      %mul3A_199 = arith.constant 16 : i32
      %mul3A_200 = arith.muli %scan3A_198, %mul3A_199 : i32
      %add3A_201 = arith.constant 0 : i32
      %add3A_202 = arith.addi %mul3A_200, %add3A_201 : i32
      %get3A = arith.constant 1 : i32
      %get3A_203 = arith.index_cast %get3A : i32 to index
      %get3A_204 = arith.index_cast %add3A_202 : i32 to index
      %get3A_205 = arith.constant 0 : index
      %get3A_206 = tpu.vector_load %arg9[%get3A_203, %get3A_204, %get3A_205] {strides = array<i32>} : memref<2x128x128xf32, #tpu.memory_space<vmem>>, vector<16xf32>,
      %add3A_207 = arith.constant 384 : i32
      %add3A_208 = arith.addi %add3A_207, %add3A_202 : i32
      %swap3A = arith.index_cast %add3A_208 : i32 to index
      %swap3A_209 = arith.constant 0 : index
      %swap3A_210 = tpu.vector_load %arg10[%swap3A, %swap3A_209] {strides = array<i32>} : memref<512x32xf32, #tpu.memory_space<vmem>>, vector<16xf32>,
      tpu.vector_store %arg10[%swap3A, %swap3A_209], %get3A_206 {strides = array<i32>} : memref<512x32xf32, #tpu.memory_space<vmem>>, vector<16xf32>,
      %get3A_211 = arith.constant 1 : i32
      %get3A_212 = arith.index_cast %get3A_211 : i32 to index
      %get3A_213 = arith.index_cast %add3A_202 : i32 to index
      %get3A_214 = arith.constant 16 : index
      %get3A_215 = tpu.vector_load %arg9[%get3A_212, %get3A_213, %get3A_214] {strides = array<i32>} : memref<2x128x128xf32, #tpu.memory_space<vmem>>, vector<16xf32>,
      %add3A_216 = arith.constant 384 : i32
      %add3A_217 = arith.addi %add3A_216, %add3A_202 : i32
      %swap3A_218 = arith.index_cast %add3A_217 : i32 to index
      %swap3A_219 = arith.constant 16 : index
      %swap3A_220 = tpu.vector_load %arg10[%swap3A_218, %swap3A_219] {strides = array<i32>} : memref<512x32xf32, #tpu.memory_space<vmem>>, vector<16xf32>,
      tpu.vector_store %arg10[%swap3A_218, %swap3A_219], %get3A_215 {strides = array<i32>} : memref<512x32xf32, #tpu.memory_space<vmem>>, vector<16xf32>,
      %add3A_221 = arith.constant 1 : i32
      %add3A_222 = arith.addi %mul3A_200, %add3A_221 : i32
      %get3A_223 = arith.constant 1 : i32
      %get3A_224 = arith.index_cast %get3A_223 : i32 to index
      %get3A_225 = arith.index_cast %add3A_222 : i32 to index
      %get3A_226 = arith.constant 0 : index
      %get3A_227 = tpu.vector_load %arg9[%get3A_224, %get3A_225, %get3A_226] {strides = array<i32>} : memref<2x128x128xf32, #tpu.memory_space<vmem>>, vector<16xf32>,
      %add3A_228 = arith.constant 384 : i32
      %add3A_229 = arith.addi %add3A_228, %add3A_222 : i32
      %swap3A_230 = arith.index_cast %add3A_229 : i32 to index
      %swap3A_231 = arith.constant 0 : index
      %swap3A_232 = tpu.vector_load %arg10[%swap3A_230, %swap3A_231] {strides = array<i32>} : memref<512x32xf32, #tpu.memory_space<vmem>>, vector<16xf32>,
      tpu.vector_store %arg10[%swap3A_230, %swap3A_231], %get3A_227 {strides = array<i32>} : memref<512x32xf32, #tpu.memory_space<vmem>>, vector<16xf32>,
      %get3A_233 = arith.constant 1 : i32
      %get3A_234 = arith.index_cast %get3A_233 : i32 to index
      %get3A_235 = arith.index_cast %add3A_222 : i32 to index
      %get3A_236 = arith.constant 16 : index
      %get3A_237 = tpu.vector_load %arg9[%get3A_234, %get3A_235, %get3A_236] {strides = array<i32>} : memref<2x128x128xf32, #tpu.memory_space<vmem>>, vector<16xf32>,
      %add3A_238 = arith.constant 384 : i32
      %add3A_239 = arith.addi %add3A_238, %add3A_222 : i32
      %swap3A_240 = arith.index_cast %add3A_239 : i32 to index
      %swap3A_241 = arith.constant 16 : index
      %swap3A_242 = tpu.vector_load %arg10[%swap3A_240, %swap3A_241] {strides = array<i32>} : memref<512x32xf32, #tpu.memory_space<vmem>>, vector<16xf32>,
      tpu.vector_store %arg10[%swap3A_240, %swap3A_241], %get3A_237 {strides = array<i32>} : memref<512x32xf32, #tpu.memory_space<vmem>>, vector<16xf32>,
      %add3A_243 = arith.constant 2 : i32
      %add3A_244 = arith.addi %mul3A_200, %add3A_243 : i32
      %get3A_245 = arith.constant 1 : i32
      %get3A_246 = arith.index_cast %get3A_245 : i32 to index
      %get3A_247 = arith.index_cast %add3A_244 : i32 to index
      %get3A_248 = arith.constant 0 : index
      %get3A_249 = tpu.vector_load %arg9[%get3A_246, %get3A_247, %get3A_248] {strides = array<i32>} : memref<2x128x128xf32, #tpu.memory_space<vmem>>, vector<16xf32>,
      %add3A_250 = arith.constant 384 : i32
      %add3A_251 = arith.addi %add3A_250, %add3A_244 : i32
      %swap3A_252 = arith.index_cast %add3A_251 : i32 to index
      %swap3A_253 = arith.constant 0 : index
      %swap3A_254 = tpu.vector_load %arg10[%swap3A_252, %swap3A_253] {strides = array<i32>} : memref<512x32xf32, #tpu.memory_space<vmem>>, vector<16xf32>,
      tpu.vector_store %arg10[%swap3A_252, %swap3A_253], %get3A_249 {strides = array<i32>} : memref<512x32xf32, #tpu.memory_space<vmem>>, vector<16xf32>,
      %get3A_255 = arith.constant 1 : i32
      %get3A_256 = arith.index_cast %get3A_255 : i32 to index
      %get3A_257 = arith.index_cast %add3A_244 : i32 to index
      %get3A_258 = arith.constant 16 : index
      %get3A_259 = tpu.vector_load %arg9[%get3A_256, %get3A_257, %get3A_258] {strides = array<i32>} : memref<2x128x128xf32, #tpu.memory_space<vmem>>, vector<16xf32>,
      %add3A_260 = arith.constant 384 : i32
      %add3A_261 = arith.addi %add3A_260, %add3A_244 : i32
      %swap3A_262 = arith.index_cast %add3A_261 : i32 to index
      %swap3A_263 = arith.constant 16 : index
      %swap3A_264 = tpu.vector_load %arg10[%swap3A_262, %swap3A_263] {strides = array<i32>} : memref<512x32xf32, #tpu.memory_space<vmem>>, vector<16xf32>,
      tpu.vector_store %arg10[%swap3A_262, %swap3A_263], %get3A_259 {strides = array<i32>} : memref<512x32xf32, #tpu.memory_space<vmem>>, vector<16xf32>,
      %add3A_265 = arith.constant 3 : i32
      %add3A_266 = arith.addi %mul3A_200, %add3A_265 : i32
      %get3A_267 = arith.constant 1 : i32
      %get3A_268 = arith.index_cast %get3A_267 : i32 to index
      %get3A_269 = arith.index_cast %add3A_266 : i32 to index
      %get3A_270 = arith.constant 0 : index
      %get3A_271 = tpu.vector_load %arg9[%get3A_268, %get3A_269, %get3A_270] {strides = array<i32>} : memref<2x128x128xf32, #tpu.memory_space<vmem>>, vector<16xf32>,
      %add3A_272 = arith.constant 384 : i32
      %add3A_273 = arith.addi %add3A_272, %add3A_266 : i32
      %swap3A_274 = arith.index_cast %add3A_273 : i32 to index
      %swap3A_275 = arith.constant 0 : index
      %swap3A_276 = tpu.vector_load %arg10[%swap3A_274, %swap3A_275] {strides = array<i32>} : memref<512x32xf32, #tpu.memory_space<vmem>>, vector<16xf32>,
      tpu.vector_store %arg10[%swap3A_274, %swap3A_275], %get3A_271 {strides = array<i32>} : memref<512x32xf32, #tpu.memory_space<vmem>>, vector<16xf32>,
      %get3A_277 = arith.constant 1 : i32
      %get3A_278 = arith.index_cast %get3A_277 : i32 to index
      %get3A_279 = arith.index_cast %add3A_266 : i32 to index
      %get3A_280 = arith.constant 16 : index
      %get3A_281 = tpu.vector_load %arg9[%get3A_278, %get3A_279, %get3A_280] {strides = array<i32>} : memref<2x128x128xf32, #tpu.memory_space<vmem>>, vector<16xf32>,
      %add3A_282 = arith.constant 384 : i32
      %add3A_283 = arith.addi %add3A_282, %add3A_266 : i32
      %swap3A_284 = arith.index_cast %add3A_283 : i32 to index
      %swap3A_285 = arith.constant 16 : index
      %swap3A_286 = tpu.vector_load %arg10[%swap3A_284, %swap3A_285] {strides = array<i32>} : memref<512x32xf32, #tpu.memory_space<vmem>>, vector<16xf32>,
      tpu.vector_store %arg10[%swap3A_284, %swap3A_285], %get3A_281 {strides = array<i32>} : memref<512x32xf32, #tpu.memory_space<vmem>>, vector<16xf32>,
      %add3A_287 = arith.constant 4 : i32
      %add3A_288 = arith.addi %mul3A_200, %add3A_287 : i32
      %get3A_289 = arith.constant 1 : i32
      %get3A_290 = arith.index_cast %get3A_289 : i32 to index
      %get3A_291 = arith.index_cast %add3A_288 : i32 to index
      %get3A_292 = arith.constant 0 : index
      %get3A_293 = tpu.vector_load %arg9[%get3A_290, %get3A_291, %get3A_292] {strides = array<i32>} : memref<2x128x128xf32, #tpu.memory_space<vmem>>, vector<16xf32>,
      %add3A_294 = arith.constant 384 : i32
      %add3A_295 = arith.addi %add3A_294, %add3A_288 : i32
      %swap3A_296 = arith.index_cast %add3A_295 : i32 to index
      %swap3A_297 = arith.constant 0 : index
      %swap3A_298 = tpu.vector_load %arg10[%swap3A_296, %swap3A_297] {strides = array<i32>} : memref<512x32xf32, #tpu.memory_space<vmem>>, vector<16xf32>,
      tpu.vector_store %arg10[%swap3A_296, %swap3A_297], %get3A_293 {strides = array<i32>} : memref<512x32xf32, #tpu.memory_space<vmem>>, vector<16xf32>,
      %get3A_299 = arith.constant 1 : i32
      %get3A_300 = arith.index_cast %get3A_299 : i32 to index
      %get3A_301 = arith.index_cast %add3A_288 : i32 to index
      %get3A_302 = arith.constant 16 : index
      %get3A_303 = tpu.vector_load %arg9[%get3A_300, %get3A_301, %get3A_302] {strides = array<i32>} : memref<2x128x128xf32, #tpu.memory_space<vmem>>, vector<16xf32>,
      %add3A_304 = arith.constant 384 : i32
      %add3A_305 = arith.addi %add3A_304, %add3A_288 : i32
      %swap3A_306 = arith.index_cast %add3A_305 : i32 to index
      %swap3A_307 = arith.constant 16 : index
      %swap3A_308 = tpu.vector_load %arg10[%swap3A_306, %swap3A_307] {strides = array<i32>} : memref<512x32xf32, #tpu.memory_space<vmem>>, vector<16xf32>,
      tpu.vector_store %arg10[%swap3A_306, %swap3A_307], %get3A_303 {strides = array<i32>} : memref<512x32xf32, #tpu.memory_space<vmem>>, vector<16xf32>,
      %add3A_309 = arith.constant 5 : i32
      %add3A_310 = arith.addi %mul3A_200, %add3A_309 : i32
      %get3A_311 = arith.constant 1 : i32
      %get3A_312 = arith.index_cast %get3A_311 : i32 to index
      %get3A_313 = arith.index_cast %add3A_310 : i32 to index
      %get3A_314 = arith.constant 0 : index
      %get3A_315 = tpu.vector_load %arg9[%get3A_312, %get3A_313, %get3A_314] {strides = array<i32>} : memref<2x128x128xf32, #tpu.memory_space<vmem>>, vector<16xf32>,
      %add3A_316 = arith.constant 384 : i32
      %add3A_317 = arith.addi %add3A_316, %add3A_310 : i32
      %swap3A_318 = arith.index_cast %add3A_317 : i32 to index
      %swap3A_319 = arith.constant 0 : index
      %swap3A_320 = tpu.vector_load %arg10[%swap3A_318, %swap3A_319] {strides = array<i32>} : memref<512x32xf32, #tpu.memory_space<vmem>>, vector<16xf32>,
      tpu.vector_store %arg10[%swap3A_318, %swap3A_319], %get3A_315 {strides = array<i32>} : memref<512x32xf32, #tpu.memory_space<vmem>>, vector<16xf32>,
      %get3A_321 = arith.constant 1 : i32
      %get3A_322 = arith.index_cast %get3A_321 : i32 to index
      %get3A_323 = arith.index_cast %add3A_310 : i32 to index
      %get3A_324 = arith.constant 16 : index
      %get3A_325 = tpu.vector_load %arg9[%get3A_322, %get3A_323, %get3A_324] {strides = array<i32>} : memref<2x128x128xf32, #tpu.memory_space<vmem>>, vector<16xf32>,
      %add3A_326 = arith.constant 384 : i32
      %add3A_327 = arith.addi %add3A_326, %add3A_310 : i32
      %swap3A_328 = arith.index_cast %add3A_327 : i32 to index
      %swap3A_329 = arith.constant 16 : index
      %swap3A_330 = tpu.vector_load %arg10[%swap3A_328, %swap3A_329] {strides = array<i32>} : memref<512x32xf32, #tpu.memory_space<vmem>>, vector<16xf32>,
      tpu.vector_store %arg10[%swap3A_328, %swap3A_329], %get3A_325 {strides = array<i32>} : memref<512x32xf32, #tpu.memory_space<vmem>>, vector<16xf32>,
      %add3A_331 = arith.constant 6 : i32
      %add3A_332 = arith.addi %mul3A_200, %add3A_331 : i32
      %get3A_333 = arith.constant 1 : i32
      %get3A_334 = arith.index_cast %get3A_333 : i32 to index
      %get3A_335 = arith.index_cast %add3A_332 : i32 to index
      %get3A_336 = arith.constant 0 : index
      %get3A_337 = tpu.vector_load %arg9[%get3A_334, %get3A_335, %get3A_336] {strides = array<i32>} : memref<2x128x128xf32, #tpu.memory_space<vmem>>, vector<16xf32>,
      %add3A_338 = arith.constant 384 : i32
      %add3A_339 = arith.addi %add3A_338, %add3A_332 : i32
      %swap3A_340 = arith.index_cast %add3A_339 : i32 to index
      %swap3A_341 = arith.constant 0 : index
      %swap3A_342 = tpu.vector_load %arg10[%swap3A_340, %swap3A_341] {strides = array<i32>} : memref<512x32xf32, #tpu.memory_space<vmem>>, vector<16xf32>,
      tpu.vector_store %arg10[%swap3A_340, %swap3A_341], %get3A_337 {strides = array<i32>} : memref<512x32xf32, #tpu.memory_space<vmem>>, vector<16xf32>,
      %get3A_343 = arith.constant 1 : i32
      %get3A_344 = arith.index_cast %get3A_343 : i32 to index
      %get3A_345 = arith.index_cast %add3A_332 : i32 to index
      %get3A_346 = arith.constant 16 : index
      %get3A_347 = tpu.vector_load %arg9[%get3A_344, %get3A_345, %get3A_346] {strides = array<i32>} : memref<2x128x128xf32, #tpu.memory_space<vmem>>, vector<16xf32>,
      %add3A_348 = arith.constant 384 : i32
      %add3A_349 = arith.addi %add3A_348, %add3A_332 : i32
      %swap3A_350 = arith.index_cast %add3A_349 : i32 to index
      %swap3A_351 = arith.constant 16 : index
      %swap3A_352 = tpu.vector_load %arg10[%swap3A_350, %swap3A_351] {strides = array<i32>} : memref<512x32xf32, #tpu.memory_space<vmem>>, vector<16xf32>,
      tpu.vector_store %arg10[%swap3A_350, %swap3A_351], %get3A_347 {strides = array<i32>} : memref<512x32xf32, #tpu.memory_space<vmem>>, vector<16xf32>,
      %add3A_353 = arith.constant 7 : i32
      %add3A_354 = arith.addi %mul3A_200, %add3A_353 : i32
      %get3A_355 = arith.constant 1 : i32
      %get3A_356 = arith.index_cast %get3A_355 : i32 to index
      %get3A_357 = arith.index_cast %add3A_354 : i32 to index
      %get3A_358 = arith.constant 0 : index
      %get3A_359 = tpu.vector_load %arg9[%get3A_356, %get3A_357, %get3A_358] {strides = array<i32>} : memref<2x128x128xf32, #tpu.memory_space<vmem>>, vector<16xf32>,
      %add3A_360 = arith.constant 384 : i32
      %add3A_361 = arith.addi %add3A_360, %add3A_354 : i32
      %swap3A_362 = arith.index_cast %add3A_361 : i32 to index
      %swap3A_363 = arith.constant 0 : index
      %swap3A_364 = tpu.vector_load %arg10[%swap3A_362, %swap3A_363] {strides = array<i32>} : memref<512x32xf32, #tpu.memory_space<vmem>>, vector<16xf32>,
      tpu.vector_store %arg10[%swap3A_362, %swap3A_363], %get3A_359 {strides = array<i32>} : memref<512x32xf32, #tpu.memory_space<vmem>>, vector<16xf32>,
      %get3A_365 = arith.constant 1 : i32
      %get3A_366 = arith.index_cast %get3A_365 : i32 to index
      %get3A_367 = arith.index_cast %add3A_354 : i32 to index
      %get3A_368 = arith.constant 16 : index
      %get3A_369 = tpu.vector_load %arg9[%get3A_366, %get3A_367, %get3A_368] {strides = array<i32>} : memref<2x128x128xf32, #tpu.memory_space<vmem>>, vector<16xf32>,
      %add3A_370 = arith.constant 384 : i32
      %add3A_371 = arith.addi %add3A_370, %add3A_354 : i32
      %swap3A_372 = arith.index_cast %add3A_371 : i32 to index
      %swap3A_373 = arith.constant 16 : index
      %swap3A_374 = tpu.vector_load %arg10[%swap3A_372, %swap3A_373] {strides = array<i32>} : memref<512x32xf32, #tpu.memory_space<vmem>>, vector<16xf32>,
      tpu.vector_store %arg10[%swap3A_372, %swap3A_373], %get3A_369 {strides = array<i32>} : memref<512x32xf32, #tpu.memory_space<vmem>>, vector<16xf32>,
      %add3A_375 = arith.constant 8 : i32
      %add3A_376 = arith.addi %mul3A_200, %add3A_375 : i32
      %get3A_377 = arith.constant 1 : i32
      %get3A_378 = arith.index_cast %get3A_377 : i32 to index
      %get3A_379 = arith.index_cast %add3A_376 : i32 to index
      %get3A_380 = arith.constant 0 : index
      %get3A_381 = tpu.vector_load %arg9[%get3A_378, %get3A_379, %get3A_380] {strides = array<i32>} : memref<2x128x128xf32, #tpu.memory_space<vmem>>, vector<16xf32>,
      %add3A_382 = arith.constant 384 : i32
      %add3A_383 = arith.addi %add3A_382, %add3A_376 : i32
      %swap3A_384 = arith.index_cast %add3A_383 : i32 to index
      %swap3A_385 = arith.constant 0 : index
      %swap3A_386 = tpu.vector_load %arg10[%swap3A_384, %swap3A_385] {strides = array<i32>} : memref<512x32xf32, #tpu.memory_space<vmem>>, vector<16xf32>,
      tpu.vector_store %arg10[%swap3A_384, %swap3A_385], %get3A_381 {strides = array<i32>} : memref<512x32xf32, #tpu.memory_space<vmem>>, vector<16xf32>,
      %get3A_387 = arith.constant 1 : i32
      %get3A_388 = arith.index_cast %get3A_387 : i32 to index
      %get3A_389 = arith.index_cast %add3A_376 : i32 to index
      %get3A_390 = arith.constant 16 : index
      %get3A_391 = tpu.vector_load %arg9[%get3A_388, %get3A_389, %get3A_390] {strides = array<i32>} : memref<2x128x128xf32, #tpu.memory_space<vmem>>, vector<16xf32>,
      %add3A_392 = arith.constant 384 : i32
      %add3A_393 = arith.addi %add3A_392, %add3A_376 : i32
      %swap3A_394 = arith.index_cast %add3A_393 : i32 to index
      %swap3A_395 = arith.constant 16 : index
      %swap3A_396 = tpu.vector_load %arg10[%swap3A_394, %swap3A_395] {strides = array<i32>} : memref<512x32xf32, #tpu.memory_space<vmem>>, vector<16xf32>,
      tpu.vector_store %arg10[%swap3A_394, %swap3A_395], %get3A_391 {strides = array<i32>} : memref<512x32xf32, #tpu.memory_space<vmem>>, vector<16xf32>,
      %add3A_397 = arith.constant 9 : i32
      %add3A_398 = arith.addi %mul3A_200, %add3A_397 : i32
      %get3A_399 = arith.constant 1 : i32
      %get3A_400 = arith.index_cast %get3A_399 : i32 to index
      %get3A_401 = arith.index_cast %add3A_398 : i32 to index
      %get3A_402 = arith.constant 0 : index
      %get3A_403 = tpu.vector_load %arg9[%get3A_400, %get3A_401, %get3A_402] {strides = array<i32>} : memref<2x128x128xf32, #tpu.memory_space<vmem>>, vector<16xf32>,
      %add3A_404 = arith.constant 384 : i32
      %add3A_405 = arith.addi %add3A_404, %add3A_398 : i32
      %swap3A_406 = arith.index_cast %add3A_405 : i32 to index
      %swap3A_407 = arith.constant 0 : index
      %swap3A_408 = tpu.vector_load %arg10[%swap3A_406, %swap3A_407] {strides = array<i32>} : memref<512x32xf32, #tpu.memory_space<vmem>>, vector<16xf32>,
      tpu.vector_store %arg10[%swap3A_406, %swap3A_407], %get3A_403 {strides = array<i32>} : memref<512x32xf32, #tpu.memory_space<vmem>>, vector<16xf32>,
      %get3A_409 = arith.constant 1 : i32
      %get3A_410 = arith.index_cast %get3A_409 : i32 to index
      %get3A_411 = arith.index_cast %add3A_398 : i32 to index
      %get3A_412 = arith.constant 16 : index
      %get3A_413 = tpu.vector_load %arg9[%get3A_410, %get3A_411, %get3A_412] {strides = array<i32>} : memref<2x128x128xf32, #tpu.memory_space<vmem>>, vector<16xf32>,
      %add3A_414 = arith.constant 384 : i32
      %add3A_415 = arith.addi %add3A_414, %add3A_398 : i32
      %swap3A_416 = arith.index_cast %add3A_415 : i32 to index
      %swap3A_417 = arith.constant 16 : index
      %swap3A_418 = tpu.vector_load %arg10[%swap3A_416, %swap3A_417] {strides = array<i32>} : memref<512x32xf32, #tpu.memory_space<vmem>>, vector<16xf32>,
      tpu.vector_store %arg10[%swap3A_416, %swap3A_417], %get3A_413 {strides = array<i32>} : memref<512x32xf32, #tpu.memory_space<vmem>>, vector<16xf32>,
      %add3A_419 = arith.constant 10 : i32
      %add3A_420 = arith.addi %mul3A_200, %add3A_419 : i32
      %get3A_421 = arith.constant 1 : i32
      %get3A_422 = arith.index_cast %get3A_421 : i32 to index
      %get3A_423 = arith.index_cast %add3A_420 : i32 to index
      %get3A_424 = arith.constant 0 : index
      %get3A_425 = tpu.vector_load %arg9[%get3A_422, %get3A_423, %get3A_424] {strides = array<i32>} : memref<2x128x128xf32, #tpu.memory_space<vmem>>, vector<16xf32>,
      %add3A_426 = arith.constant 384 : i32
      %add3A_427 = arith.addi %add3A_426, %add3A_420 : i32
      %swap3A_428 = arith.index_cast %add3A_427 : i32 to index
      %swap3A_429 = arith.constant 0 : index
      %swap3A_430 = tpu.vector_load %arg10[%swap3A_428, %swap3A_429] {strides = array<i32>} : memref<512x32xf32, #tpu.memory_space<vmem>>, vector<16xf32>,
      tpu.vector_store %arg10[%swap3A_428, %swap3A_429], %get3A_425 {strides = array<i32>} : memref<512x32xf32, #tpu.memory_space<vmem>>, vector<16xf32>,
      %get3A_431 = arith.constant 1 : i32
      %get3A_432 = arith.index_cast %get3A_431 : i32 to index
      %get3A_433 = arith.index_cast %add3A_420 : i32 to index
      %get3A_434 = arith.constant 16 : index
      %get3A_435 = tpu.vector_load %arg9[%get3A_432, %get3A_433, %get3A_434] {strides = array<i32>} : memref<2x128x128xf32, #tpu.memory_space<vmem>>, vector<16xf32>,
      %add3A_436 = arith.constant 384 : i32
      %add3A_437 = arith.addi %add3A_436, %add3A_420 : i32
      %swap3A_438 = arith.index_cast %add3A_437 : i32 to index
      %swap3A_439 = arith.constant 16 : index
      %swap3A_440 = tpu.vector_load %arg10[%swap3A_438, %swap3A_439] {strides = array<i32>} : memref<512x32xf32, #tpu.memory_space<vmem>>, vector<16xf32>,
      tpu.vector_store %arg10[%swap3A_438, %swap3A_439], %get3A_435 {strides = array<i32>} : memref<512x32xf32, #tpu.memory_space<vmem>>, vector<16xf32>,
      %add3A_441 = arith.constant 11 : i32
      %add3A_442 = arith.addi %mul3A_200, %add3A_441 : i32
      %get3A_443 = arith.constant 1 : i32
      %get3A_444 = arith.index_cast %get3A_443 : i32 to index
      %get3A_445 = arith.index_cast %add3A_442 : i32 to index
      %get3A_446 = arith.constant 0 : index
      %get3A_447 = tpu.vector_load %arg9[%get3A_444, %get3A_445, %get3A_446] {strides = array<i32>} : memref<2x128x128xf32, #tpu.memory_space<vmem>>, vector<16xf32>,
      %add3A_448 = arith.constant 384 : i32
      %add3A_449 = arith.addi %add3A_448, %add3A_442 : i32
      %swap3A_450 = arith.index_cast %add3A_449 : i32 to index
      %swap3A_451 = arith.constant 0 : index
      %swap3A_452 = tpu.vector_load %arg10[%swap3A_450, %swap3A_451] {strides = array<i32>} : memref<512x32xf32, #tpu.memory_space<vmem>>, vector<16xf32>,
      tpu.vector_store %arg10[%swap3A_450, %swap3A_451], %get3A_447 {strides = array<i32>} : memref<512x32xf32, #tpu.memory_space<vmem>>, vector<16xf32>,
      %get3A_453 = arith.constant 1 : i32
      %get3A_454 = arith.index_cast %get3A_453 : i32 to index
      %get3A_455 = arith.index_cast %add3A_442 : i32 to index
      %get3A_456 = arith.constant 16 : index
      %get3A_457 = tpu.vector_load %arg9[%get3A_454, %get3A_455, %get3A_456] {strides = array<i32>} : memref<2x128x128xf32, #tpu.memory_space<vmem>>, vector<16xf32>,
      %add3A_458 = arith.constant 384 : i32
      %add3A_459 = arith.addi %add3A_458, %add3A_442 : i32
      %swap3A_460 = arith.index_cast %add3A_459 : i32 to index
      %swap3A_461 = arith.constant 16 : index
      %swap3A_462 = tpu.vector_load %arg10[%swap3A_460, %swap3A_461] {strides = array<i32>} : memref<512x32xf32, #tpu.memory_space<vmem>>, vector<16xf32>,
      tpu.vector_store %arg10[%swap3A_460, %swap3A_461], %get3A_457 {strides = array<i32>} : memref<512x32xf32, #tpu.memory_space<vmem>>, vector<16xf32>,
      %add3A_463 = arith.constant 12 : i32
      %add3A_464 = arith.addi %mul3A_200, %add3A_463 : i32
      %get3A_465 = arith.constant 1 : i32
      %get3A_466 = arith.index_cast %get3A_465 : i32 to index
      %get3A_467 = arith.index_cast %add3A_464 : i32 to index
      %get3A_468 = arith.constant 0 : index
      %get3A_469 = tpu.vector_load %arg9[%get3A_466, %get3A_467, %get3A_468] {strides = array<i32>} : memref<2x128x128xf32, #tpu.memory_space<vmem>>, vector<16xf32>,
      %add3A_470 = arith.constant 384 : i32
      %add3A_471 = arith.addi %add3A_470, %add3A_464 : i32
      %swap3A_472 = arith.index_cast %add3A_471 : i32 to index
      %swap3A_473 = arith.constant 0 : index
      %swap3A_474 = tpu.vector_load %arg10[%swap3A_472, %swap3A_473] {strides = array<i32>} : memref<512x32xf32, #tpu.memory_space<vmem>>, vector<16xf32>,
      tpu.vector_store %arg10[%swap3A_472, %swap3A_473], %get3A_469 {strides = array<i32>} : memref<512x32xf32, #tpu.memory_space<vmem>>, vector<16xf32>,
      %get3A_475 = arith.constant 1 : i32
      %get3A_476 = arith.index_cast %get3A_475 : i32 to index
      %get3A_477 = arith.index_cast %add3A_464 : i32 to index
      %get3A_478 = arith.constant 16 : index
      %get3A_479 = tpu.vector_load %arg9[%get3A_476, %get3A_477, %get3A_478] {strides = array<i32>} : memref<2x128x128xf32, #tpu.memory_space<vmem>>, vector<16xf32>,
      %add3A_480 = arith.constant 384 : i32
      %add3A_481 = arith.addi %add3A_480, %add3A_464 : i32
      %swap3A_482 = arith.index_cast %add3A_481 : i32 to index
      %swap3A_483 = arith.constant 16 : index
      %swap3A_484 = tpu.vector_load %arg10[%swap3A_482, %swap3A_483] {strides = array<i32>} : memref<512x32xf32, #tpu.memory_space<vmem>>, vector<16xf32>,
      tpu.vector_store %arg10[%swap3A_482, %swap3A_483], %get3A_479 {strides = array<i32>} : memref<512x32xf32, #tpu.memory_space<vmem>>, vector<16xf32>,
      %add3A_485 = arith.constant 13 : i32
      %add3A_486 = arith.addi %mul3A_200, %add3A_485 : i32
      %get3A_487 = arith.constant 1 : i32
      %get3A_488 = arith.index_cast %get3A_487 : i32 to index
      %get3A_489 = arith.index_cast %add3A_486 : i32 to index
      %get3A_490 = arith.constant 0 : index
      %get3A_491 = tpu.vector_load %arg9[%get3A_488, %get3A_489, %get3A_490] {strides = array<i32>} : memref<2x128x128xf32, #tpu.memory_space<vmem>>, vector<16xf32>,
      %add3A_492 = arith.constant 384 : i32
      %add3A_493 = arith.addi %add3A_492, %add3A_486 : i32
      %swap3A_494 = arith.index_cast %add3A_493 : i32 to index
      %swap3A_495 = arith.constant 0 : index
      %swap3A_496 = tpu.vector_load %arg10[%swap3A_494, %swap3A_495] {strides = array<i32>} : memref<512x32xf32, #tpu.memory_space<vmem>>, vector<16xf32>,
      tpu.vector_store %arg10[%swap3A_494, %swap3A_495], %get3A_491 {strides = array<i32>} : memref<512x32xf32, #tpu.memory_space<vmem>>, vector<16xf32>,
      %get3A_497 = arith.constant 1 : i32
      %get3A_498 = arith.index_cast %get3A_497 : i32 to index
      %get3A_499 = arith.index_cast %add3A_486 : i32 to index
      %get3A_500 = arith.constant 16 : index
      %get3A_501 = tpu.vector_load %arg9[%get3A_498, %get3A_499, %get3A_500] {strides = array<i32>} : memref<2x128x128xf32, #tpu.memory_space<vmem>>, vector<16xf32>,
      %add3A_502 = arith.constant 384 : i32
      %add3A_503 = arith.addi %add3A_502, %add3A_486 : i32
      %swap3A_504 = arith.index_cast %add3A_503 : i32 to index
      %swap3A_505 = arith.constant 16 : index
      %swap3A_506 = tpu.vector_load %arg10[%swap3A_504, %swap3A_505] {strides = array<i32>} : memref<512x32xf32, #tpu.memory_space<vmem>>, vector<16xf32>,
      tpu.vector_store %arg10[%swap3A_504, %swap3A_505], %get3A_501 {strides = array<i32>} : memref<512x32xf32, #tpu.memory_space<vmem>>, vector<16xf32>,
      %add3A_507 = arith.constant 14 : i32
      %add3A_508 = arith.addi %mul3A_200, %add3A_507 : i32
      %get3A_509 = arith.constant 1 : i32
      %get3A_510 = arith.index_cast %get3A_509 : i32 to index
      %get3A_511 = arith.index_cast %add3A_508 : i32 to index
      %get3A_512 = arith.constant 0 : index
      %get3A_513 = tpu.vector_load %arg9[%get3A_510, %get3A_511, %get3A_512] {strides = array<i32>} : memref<2x128x128xf32, #tpu.memory_space<vmem>>, vector<16xf32>,
      %add3A_514 = arith.constant 384 : i32
      %add3A_515 = arith.addi %add3A_514, %add3A_508 : i32
      %swap3A_516 = arith.index_cast %add3A_515 : i32 to index
      %swap3A_517 = arith.constant 0 : index
      %swap3A_518 = tpu.vector_load %arg10[%swap3A_516, %swap3A_517] {strides = array<i32>} : memref<512x32xf32, #tpu.memory_space<vmem>>, vector<16xf32>,
      tpu.vector_store %arg10[%swap3A_516, %swap3A_517], %get3A_513 {strides = array<i32>} : memref<512x32xf32, #tpu.memory_space<vmem>>, vector<16xf32>,
      %get3A_519 = arith.constant 1 : i32
      %get3A_520 = arith.index_cast %get3A_519 : i32 to index
      %get3A_521 = arith.index_cast %add3A_508 : i32 to index
      %get3A_522 = arith.constant 16 : index
      %get3A_523 = tpu.vector_load %arg9[%get3A_520, %get3A_521, %get3A_522] {strides = array<i32>} : memref<2x128x128xf32, #tpu.memory_space<vmem>>, vector<16xf32>,
      %add3A_524 = arith.constant 384 : i32
      %add3A_525 = arith.addi %add3A_524, %add3A_508 : i32
      %swap3A_526 = arith.index_cast %add3A_525 : i32 to index
      %swap3A_527 = arith.constant 16 : index
      %swap3A_528 = tpu.vector_load %arg10[%swap3A_526, %swap3A_527] {strides = array<i32>} : memref<512x32xf32, #tpu.memory_space<vmem>>, vector<16xf32>,
      tpu.vector_store %arg10[%swap3A_526, %swap3A_527], %get3A_523 {strides = array<i32>} : memref<512x32xf32, #tpu.memory_space<vmem>>, vector<16xf32>,
      %add3A_529 = arith.constant 15 : i32
      %add3A_530 = arith.addi %mul3A_200, %add3A_529 : i32
      %get3A_531 = arith.constant 1 : i32
      %get3A_532 = arith.index_cast %get3A_531 : i32 to index
      %get3A_533 = arith.index_cast %add3A_530 : i32 to index
      %get3A_534 = arith.constant 0 : index
      %get3A_535 = tpu.vector_load %arg9[%get3A_532, %get3A_533, %get3A_534] {strides = array<i32>} : memref<2x128x128xf32, #tpu.memory_space<vmem>>, vector<16xf32>,
      %add3A_536 = arith.constant 384 : i32
      %add3A_537 = arith.addi %add3A_536, %add3A_530 : i32
      %swap3A_538 = arith.index_cast %add3A_537 : i32 to index
      %swap3A_539 = arith.constant 0 : index
      %swap3A_540 = tpu.vector_load %arg10[%swap3A_538, %swap3A_539] {strides = array<i32>} : memref<512x32xf32, #tpu.memory_space<vmem>>, vector<16xf32>,
      tpu.vector_store %arg10[%swap3A_538, %swap3A_539], %get3A_535 {strides = array<i32>} : memref<512x32xf32, #tpu.memory_space<vmem>>, vector<16xf32>,
      %get3A_541 = arith.constant 1 : i32
      %get3A_542 = arith.index_cast %get3A_541 : i32 to index
      %get3A_543 = arith.index_cast %add3A_530 : i32 to index
      %get3A_544 = arith.constant 16 : index
      %get3A_545 = tpu.vector_load %arg9[%get3A_542, %get3A_543, %get3A_544] {strides = array<i32>} : memref<2x128x128xf32, #tpu.memory_space<vmem>>, vector<16xf32>,
      %add3A_546 = arith.constant 384 : i32
      %add3A_547 = arith.addi %add3A_546, %add3A_530 : i32
      %swap3A_548 = arith.index_cast %add3A_547 : i32 to index
      %swap3A_549 = arith.constant 16 : index
      %swap3A_550 = tpu.vector_load %arg10[%swap3A_548, %swap3A_549] {strides = array<i32>} : memref<512x32xf32, #tpu.memory_space<vmem>>, vector<16xf32>,
      tpu.vector_store %arg10[%swap3A_548, %swap3A_549], %get3A_545 {strides = array<i32>} : memref<512x32xf32, #tpu.memory_space<vmem>>, vector<16xf32>,
    }
    %scan3A_145 = arith.constant 8 : i32
    %add3A_146 = arith.constant 384 : i32
    %add3A_147 = arith.addi %mul3A_2, %add3A_146 : i32
    %dma_start3A_148 = arith.constant 384 : i32
    %dma_start3A_149 = arith.constant 0 : i32
    %dma_start3A_150 = tpu.memref_slice %arg10[%dma_start3A_148, %dma_start3A_149] : memref<512x32xf32, #tpu.memory_space<vmem>> -> memref<128x32xf32, #tpu.memory_space<vmem>>
    %dma_start3A_151 = arith.constant 0 : i32
    %dma_start3A_152 = tpu.memref_slice %arg4[%add3A_147, %dma_start3A_151] : memref<16384x32xf32, #tpu.memory_space<hbm>> -> memref<128x32xf32, #tpu.memory_space<hbm>>
    %dma_start3A_153 = arith.constant 0 : i32
    %dma_start3A_154 = tpu.memref_slice %arg4[%add3A_147, %dma_start3A_153] : memref<16384x32xf32, #tpu.memory_space<hbm>> -> memref<128x32xf32, #tpu.memory_space<hbm>>
    %dma_start3A_155 = arith.constant 384 : i32
    %dma_start3A_156 = arith.constant 0 : i32
    %dma_start3A_157 = tpu.memref_slice %arg10[%dma_start3A_155, %dma_start3A_156] : memref<512x32xf32, #tpu.memory_space<vmem>> -> memref<128x32xf32, #tpu.memory_space<vmem>>
    tpu.enqueue_dma source(%dma_start3A_157 : memref<128x32xf32, #tpu.memory_space<vmem>>) target(%dma_start3A_154 : memref<128x32xf32, #tpu.memory_space<hbm>>) target_semaphore(%arg15 : memref<!tpu.dma_semaphore, #tpu.memory_space<semaphore_mem>>)
    %dma_wait3A_158 = arith.constant 0 : i32
    %dma_wait3A_159 = arith.constant 0 : i32
    %dma_wait3A_160 = tpu.memref_slice %arg10[%dma_wait3A_158, %dma_wait3A_159] : memref<512x32xf32, #tpu.memory_space<vmem>> -> memref<128x32xf32, #tpu.memory_space<vmem>>
    %dma_wait3A_161 = arith.constant 0 : i32
    %dma_wait3A_162 = tpu.memref_slice %arg4[%add3A_43, %dma_wait3A_161] : memref<16384x32xf32, #tpu.memory_space<hbm>> -> memref<128x32xf32, #tpu.memory_space<hbm>>
    %dma_wait3A_163 = arith.constant 0 : i32
    %dma_wait3A_164 = tpu.memref_slice %arg4[%add3A_43, %dma_wait3A_163] : memref<16384x32xf32, #tpu.memory_space<hbm>> -> memref<128x32xf32, #tpu.memory_space<hbm>>
    %dma_wait3A_165 = arith.constant 0 : i32
    %dma_wait3A_166 = arith.constant 0 : i32
    %dma_wait3A_167 = tpu.memref_slice %arg10[%dma_wait3A_165, %dma_wait3A_166] : memref<512x32xf32, #tpu.memory_space<vmem>> -> memref<128x32xf32, #tpu.memory_space<vmem>>
    tpu.wait_dma2 semaphore(%arg15 : memref<!tpu.dma_semaphore, #tpu.memory_space<semaphore_mem>>) src(%dma_wait3A_167 : memref<128x32xf32, #tpu.memory_space<vmem>>) dst(%dma_wait3A_164 : memref<128x32xf32, #tpu.memory_space<hbm>>)
    %dma_wait3A_168 = arith.constant 128 : i32
    %dma_wait3A_169 = arith.constant 0 : i32
    %dma_wait3A_170 = tpu.memref_slice %arg10[%dma_wait3A_168, %dma_wait3A_169] : memref<512x32xf32, #tpu.memory_space<vmem>> -> memref<128x32xf32, #tpu.memory_space<vmem>>
    %dma_wait3A_171 = arith.constant 0 : i32
    %dma_wait3A_172 = tpu.memref_slice %arg4[%add3A_81, %dma_wait3A_171] : memref<16384x32xf32, #tpu.memory_space<hbm>> -> memref<128x32xf32, #tpu.memory_space<hbm>>
    %dma_wait3A_173 = arith.constant 0 : i32
    %dma_wait3A_174 = tpu.memref_slice %arg4[%add3A_81, %dma_wait3A_173] : memref<16384x32xf32, #tpu.memory_space<hbm>> -> memref<128x32xf32, #tpu.memory_space<hbm>>
    %dma_wait3A_175 = arith.constant 128 : i32
    %dma_wait3A_176 = arith.constant 0 : i32
    %dma_wait3A_177 = tpu.memref_slice %arg10[%dma_wait3A_175, %dma_wait3A_176] : memref<512x32xf32, #tpu.memory_space<vmem>> -> memref<128x32xf32, #tpu.memory_space<vmem>>
    tpu.wait_dma2 semaphore(%arg15 : memref<!tpu.dma_semaphore, #tpu.memory_space<semaphore_mem>>) src(%dma_wait3A_177 : memref<128x32xf32, #tpu.memory_space<vmem>>) dst(%dma_wait3A_174 : memref<128x32xf32, #tpu.memory_space<hbm>>)
    %dma_wait3A_178 = arith.constant 256 : i32
    %dma_wait3A_179 = arith.constant 0 : i32
    %dma_wait3A_180 = tpu.memref_slice %arg10[%dma_wait3A_178, %dma_wait3A_179] : memref<512x32xf32, #tpu.memory_space<vmem>> -> memref<128x32xf32, #tpu.memory_space<vmem>>
    %dma_wait3A_181 = arith.constant 0 : i32
    %dma_wait3A_182 = tpu.memref_slice %arg4[%add3A_119, %dma_wait3A_181] : memref<16384x32xf32, #tpu.memory_space<hbm>> -> memref<128x32xf32, #tpu.memory_space<hbm>>
    %dma_wait3A_183 = arith.constant 0 : i32
    %dma_wait3A_184 = tpu.memref_slice %arg4[%add3A_119, %dma_wait3A_183] : memref<16384x32xf32, #tpu.memory_space<hbm>> -> memref<128x32xf32, #tpu.memory_space<hbm>>
    %dma_wait3A_185 = arith.constant 256 : i32
    %dma_wait3A_186 = arith.constant 0 : i32
    %dma_wait3A_187 = tpu.memref_slice %arg10[%dma_wait3A_185, %dma_wait3A_186] : memref<512x32xf32, #tpu.memory_space<vmem>> -> memref<128x32xf32, #tpu.memory_space<vmem>>
    tpu.wait_dma2 semaphore(%arg15 : memref<!tpu.dma_semaphore, #tpu.memory_space<semaphore_mem>>) src(%dma_wait3A_187 : memref<128x32xf32, #tpu.memory_space<vmem>>) dst(%dma_wait3A_184 : memref<128x32xf32, #tpu.memory_space<hbm>>)
    %dma_wait3A_188 = arith.constant 384 : i32
    %dma_wait3A_189 = arith.constant 0 : i32
    %dma_wait3A_190 = tpu.memref_slice %arg10[%dma_wait3A_188, %dma_wait3A_189] : memref<512x32xf32, #tpu.memory_space<vmem>> -> memref<128x32xf32, #tpu.memory_space<vmem>>
    %dma_wait3A_191 = arith.constant 0 : i32
    %dma_wait3A_192 = tpu.memref_slice %arg4[%add3A_147, %dma_wait3A_191] : memref<16384x32xf32, #tpu.memory_space<hbm>> -> memref<128x32xf32, #tpu.memory_space<hbm>>
    %dma_wait3A_193 = arith.constant 0 : i32
    %dma_wait3A_194 = tpu.memref_slice %arg4[%add3A_147, %dma_wait3A_193] : memref<16384x32xf32, #tpu.memory_space<hbm>> -> memref<128x32xf32, #tpu.memory_space<hbm>>
    %dma_wait3A_195 = arith.constant 384 : i32
    %dma_wait3A_196 = arith.constant 0 : i32
    %dma_wait3A_197 = tpu.memref_slice %arg10[%dma_wait3A_195, %dma_wait3A_196] : memref<512x32xf32, #tpu.memory_space<vmem>> -> memref<128x32xf32, #tpu.memory_space<vmem>>
    tpu.wait_dma2 semaphore(%arg15 : memref<!tpu.dma_semaphore, #tpu.memory_space<semaphore_mem>>) src(%dma_wait3A_197 : memref<128x32xf32, #tpu.memory_space<vmem>>) dst(%dma_wait3A_194 : memref<128x32xf32, #tpu.memory_space<hbm>>)
    return
  }
}

</mosaic_0001>

<sc_bundles>
// kernel: kernel.3.cloned.1.call-start
scs
__scs_entry_jumppad:
0x0: {  	(pc) =	sbr.rel $0x88, $3  }
0x1: {  	(tag) =	ssettag $0x0;
	lr =	simm.s32 $0x1  }
0x2: {  	[smem:$0x3F9F] =	sst lr;
	_ =	strace $0xD0000000  }
0x3: {  	_ = 	snop  }
0x4: {  	_ = 	snop  }
0x5: {  	_ = 	snop  }
0x6: {  	_ = 	snop  }
0x7: {  	_ = 	snop  }
__scs_overlays_trampoline_lowered:
0x8: {  	[smem:$0x3FAE] =	sst s0  }
0x9: {  	[smem:$0x3FAF] =	sst s1  }
0xa: {  	[smem:$0x3FB0] =	sst s2  }
0xb: {  	[smem:$0x3FB1] =	sst s3  }
0xc: {  	[smem:$0x3FB2] =	sst s4  }
0xd: {  	[smem:$0x3FB3] =	sst s5  }
0xe: {  	[smem:$0x3FB4] =	sst s6  }
0xf: {  	[smem:$0x3FB5] =	sst s7  }
0x10: {  	[smem:$0x3FB6] =	sst s8  }
0x11: {  	[smem:$0x3FB7] =	sst s9;
	s0 =	simm.s32 @!p0 $0x0  }
0x12: {  	s1 =	sld [smem:$0x3F9D];
	s0 =	simm.s32 @p0 $0x1  }
0x13: {  	[smem:$0x3FB8] =	sst s0;
	s0 =	simm.s32 @!p1 $0x0  }
0x14: {  	s2 =	sld [smem:$0x3F9C];
	s0 =	simm.s32 @p1 $0x1  }
0x15: {  	[smem:$0x3FB9] =	sst s0;
	s0 =	simm.s32 @!p2 $0x0  }
0x16: {  	s3 =	sld [smem:$0x3FDB];
	s0 =	simm.s32 @p2 $0x1  }
0x17: {  	s4 =	simm.s32 $0x1BF5;
	[smem:$0x3FBB] =	sst s0  }
0x18: {  	s0 =	sld [smem:$0x3F9E];
	_ =	swait.ge [sflag:s4], $0x0  }
0x19: {  	s7 =	sld [smem:$0x3F9F]  }
0x1a: {  	s8 =	sadd.s32 $0xFFFFE003, lr  }
0x1b: {  	s9 =	sadd.s32 $0xFFFFFEF7, lr;
	s5 =	simm.s32 $0xFFFFFFFF;
	p2 =	slt.u32 s8, $0xFFFFF086  }
0x1c: {  	p1 =	slt.u32 s9, $0xF7A;
	s5 =	simm.s32 @!p2 $0x0  }
0x1d: {  	s5 =	simm.s32 @p1 $0x1;
	p0 =	seq.s32 s7, s2  }
0x1e: {  	s7 =	smul.u32 @!p0 $0xF7A, s2;
	p2 =	seq.s32 @!p0 s5, $0x0  }
0x1f: {  	s9 =	smul.u32 $0xF7A, s1;
	s8 =	simm.s32 @!p0 $0x1BF5;
	p2 =	por !p2, p0  }
0x20: {  	[sflag:s8] =	ssyncset.s32 @!p0 $0xFFFFF086;
	s6 =	sadd.s32 @!p0 s3, s7;
	s7 =	simm.s32 @!p0 $0x108  }
0x21: {  	s3 =	sadd.s32 s3, s9;
	s6 =	sadd.s32 @!p0 $0x88, s6;
	s7 =	simm.s32 @p2 $0x1082  }
0x22: {  	[simem:s7], [sflag:s8] =	dma.local @!p0 [hbm:s6], $0xF7A  }
0x23: {  	s9 =	sor.u32 $0xD0000000, s2;
	s6 =	simm.s32 $0x108;
	_ =	swait.ge @!p0 [sflag:s8], $0x0  }
0x24: {  	s3 =	sadd.s32 $0x88, s3;
	s6 =	simm.s32 @!p1 $0x1082;
	[sflag:s4] =	ssyncset.s32 $0xFFFFF086  }
0x25: {  	[simem:s6], [sflag:s4] =	dma.local [hbm:s3], $0xF7A  }
0x26: {  	[smem:$0x3F9F] =	sst s1;
	(tag) =	ssettag s2;
	_ =	strace s9  }
0x27: {  	s1 =	sld [smem:$0x3FAF]  }
0x28: {  	s2 =	sld [smem:$0x3FB0]  }
0x29: {  	s4 =	sld [smem:$0x3FB2]  }
0x2a: {  	p0 =	seq.s32 s5, $0x0;
	s5 =	sld [smem:$0x3FB3]  }
0x2b: {  	s6 =	sld [smem:$0x3FB4]  }
0x2c: {  	s7 =	sld [smem:$0x3FB5]  }
0x2d: {  	s3 =	simm.s32 $0x108;
	s8 =	sld [smem:$0x3FB6]  }
0x2e: {  	s3 =	simm.s32 @!p0 $0x1082;
	s9 =	sld [smem:$0x3FB7]  }
0x2f: {  	lr =	sadd.s32 s0, s3;
	s0 =	sld [smem:$0x3FAE]  }
0x30: {  	s3 =	sld [smem:$0x3FB1]  }
0x31: {  	[smem:$0x3FBA] =	sst s10  }
0x32: {  	s10 =	sld [smem:$0x3FB8];
	_ =	sdelay $0x3  }
0x33: {  	p0 =	seq.s32 s10, $0x1;
	s10 =	sld [smem:$0x3FBA];
	_ =	sdelay $0x3  }
0x34: {  	[smem:$0x3FBA] =	sst s10  }
0x35: {  	s10 =	sld [smem:$0x3FB9];
	_ =	sdelay $0x3  }
0x36: {  	p1 =	seq.s32 s10, $0x1;
	s10 =	sld [smem:$0x3FBA];
	_ =	sdelay $0x3  }
0x37: {  	[smem:$0x3FBA] =	sst s10  }
0x38: {  	s10 =	sld [smem:$0x3FBB]  }
0x39: {  	_ = 	snop;
	(pc) =	sbr.ind lr, $3  }
0x3a: {  	_ = 	snop  }
0x3b: {  	_ = 	snop  }
0x3c: {  	p2 =	seq.s32 s10, $0x1;
	s10 =	sld [smem:$0x3FBA]  }
0x3d: {  	_ =	shalt  }
0x3e: {  	_ =	shalt  }
0x3f: {  	_ =	shalt  }
0x40: {  	_ =	shalt  }
0x41: {  	_ =	shalt  }
0x42: {  	_ =	shalt  }
0x43: {  	_ =	shalt  }
0x44: {  	_ =	shalt  }
0x45: {  	_ =	shalt  }
0x46: {  	_ =	shalt  }
0x47: {  	_ =	shalt  }
0x48: {  	_ =	shalt  }
0x49: {  	_ =	shalt  }
0x4a: {  	_ =	shalt  }
0x4b: {  	_ =	shalt  }
0x4c: {  	_ =	shalt  }
0x4d: {  	_ =	shalt  }
0x4e: {  	_ =	shalt  }
0x4f: {  	_ =	shalt  }
0x50: {  	_ =	shalt  }
0x51: {  	_ =	shalt  }
0x52: {  	_ =	shalt  }
0x53: {  	_ =	shalt  }
0x54: {  	_ =	shalt  }
0x55: {  	_ =	shalt  }
0x56: {  	_ =	shalt  }
0x57: {  	_ =	shalt  }
0x58: {  	_ =	shalt  }
0x59: {  	_ =	shalt  }
0x5a: {  	_ =	shalt  }
0x5b: {  	_ =	shalt  }
0x5c: {  	_ =	shalt  }
0x5d: {  	_ =	shalt  }
0x5e: {  	_ =	shalt  }
0x5f: {  	_ =	shalt  }
0x60: {  	_ =	shalt  }
0x61: {  	_ =	shalt  }
0x62: {  	_ =	shalt  }
0x63: {  	_ =	shalt  }
0x64: {  	_ =	shalt  }
0x65: {  	_ =	shalt  }
0x66: {  	_ =	shalt  }
0x67: {  	_ =	shalt  }
0x68: {  	_ =	shalt  }
0x69: {  	_ =	shalt  }
0x6a: {  	_ =	shalt  }
0x6b: {  	_ =	shalt  }
0x6c: {  	_ =	shalt  }
0x6d: {  	_ =	shalt  }
0x6e: {  	_ =	shalt  }
0x6f: {  	_ =	shalt  }
0x70: {  	_ =	shalt  }
0x71: {  	_ =	shalt  }
0x72: {  	_ =	shalt  }
0x73: {  	_ =	shalt  }
0x74: {  	_ =	shalt  }
0x75: {  	_ =	shalt  }
0x76: {  	_ =	shalt  }
0x77: {  	_ =	shalt  }
0x78: {  	_ =	shalt  }
0x79: {  	_ =	shalt  }
0x7a: {  	_ =	shalt  }
0x7b: {  	_ =	shalt  }
0x7c: {  	_ =	shalt  }
0x7d: {  	_ =	shalt  }
0x7e: {  	_ =	shalt  }
0x7f: {  	_ =	shalt  }
0x80: {  	_ =	shalt  }
0x81: {  	_ =	shalt  }
0x82: {  	_ =	shalt  }
0x83: {  	_ =	shalt  }
0x84: {  	_ =	shalt  }
0x85: {  	_ =	shalt  }
0x86: {  	_ =	shalt  }
0x87: {  	_ =	shalt  }
.Lfunc_end0:
.L_simem_size_0:
called_computation_lowered:
.L_overlay_start_0:
0x88: {  	s2 =	sld [smem:$0x3FD9]  }
0x89: {  	s3 =	sld [smem:$0x3FFE];
	_ =	sdelay $0x1  }
0x8a: {  	s1 =	srdreg.scid  }
0x8b: {  	s0 =	sand.u32 $0x1, s1  }
0x8c: {  	s17 =	sshll.u32 s0, $0xA;
	s2 =	sadd.s32 s3, s2  }
0x8d: {  	s2 =	sadd.s32 s2, s17  }
0x8e: {  	[smem:$0x3FC6] =	sst s2  }
0x8f: {  	_ = 	snop  }
0x90: {  	s2 =	sld [smem:$0x3FC9]  }
0x91: {  	s18 =	sld [smem:$0x3FC8];
	(tm) =	ssettm $0x1  }
0x92: {  	s4 =	sld [smem:$0x3FFB];
	_ =	sdelay $0x3  }
0x93: {  	_ =	strace s4  }
0x94: {  	s4 =	sld [smem:$0x3FFC];
	_ =	sdelay $0x3  }
0x95: {  	_ =	strace s4  }
0x96: {  	s4 =	sld [smem:$0x3FFD];
	_ =	sdelay $0x3  }
0x97: {  	_ =	strace s4  }
0x98: {  	_ =	strace $0x8FFFFFFF  }
0x99: {  	s19 =	sld [smem:$0x3FDB];
	_ =	sdelay $0x1  }
0x9a: {  	s5 =	simm.s32 $_scs_section_size  }
0x9b: {  	s6 =	simm.s32 $_size__tile_overlayer_lowered;
	s7 =	simm.s32 $_tile_overlayer_lowered  }
0x9c: {  	s22 =	simm.s32 $0x1BFF;
	s21 =	sshll.u32 s7, $0x1;
	s4 =	sadd.s32 s5, s19  }
0x9d: {  	s8 =	simm.s32 $0x0;
	s20 =	sshll.u32 s6, $0x1;
	s6 =	sadd.s32 s21, s4  }
0x9e: {  	[timem:s8], [sflag:s22] =	dma.local [hbm:s6], s20  }
0x9f: {  	_ =	swait.ge [sflag:s22], s20  }
0xa0: {  	s5 =	ssub.s32 $0x0, s20;
	[sflag:s22] =	ssyncset.done $0x0  }
0xa1: {  	[sflag:s22] =	ssyncadd.s32 s5;
	_ =	sdelay $0x1  }
0xa2: {  	s23 =	simm.s32 $0x1B8B  }
0xa3: {  	_ =	swait.ge [sflag:s23], $0x1  }
0xa4: {  	[sflag:s23] =	ssyncset.done $0x0  }
0xa5: {  	s25 =	simm.s32 $0x1B8E;
	s24 =	sld [smem:$0x3FFE];
	[sflag:s23] =	ssyncadd.s32 $0xFFFFFFFF  }
0xa6: {  	s26 =	simm.s32 $execute0_lowered;
	[smem:$0x3FD2] =	sst s25  }
0xa7: {  	s6 =	sshll.u32 s26, $0x1;
	_ =	strace $0x80000046;
	[dreg:$0x1] =	wrdreg $0xFFFFFFFF  }
0xa8: {  	s28 =	simm.s32 $_size_execute0_lowered;
	s4 =	sadd.s32 s4, s6;
	[dreg:$0x0] =	wrdreg $0x0  }
0xa9: {  	s6 =	sshll.u32 s28, $0x1;
	[dreg:$0x2] =	wrdreg s4  }
0xaa: {  	[dreg:$0x3] =	wrdreg s6  }
0xab: {  	[dreg:$0x4] =	wrdreg $0xC0  }
0xac: {  	_ =	task [dreg:s8], $0x5FFFF  }
0xad: {  	[dreg:$0x1] =	wrdreg $0xFFFFFFFF  }
0xae: {  	[dreg:$0x0] =	wrdreg $0x60  }
0xaf: {  	[dreg:$0x2] =	wrdreg s2  }
0xb0: {  	[dreg:$0x3] =	wrdreg s18  }
0xb1: {  	[dreg:$0x4] =	wrdreg s24  }
0xb2: {  	[dreg:$0x5] =	wrdreg $0x12000  }
0xb3: {  	[dreg:$0x6] =	wrdreg $0x9  }
0xb4: {  	_ =	task.clear_ibuf [dreg:s8], $0x7FFFF;
	_ =	strace $0x90000046  }
0xb5: {  	s29 =	simm.s32 $0x9;
	_ =	strace $0x80000048  }
0xb6: {  	_ =	swait.ge [sflag:s29], $0x1  }
0xb7: {  	[sflag:s29] =	ssyncadd.s32 $0xFFFFFFFF  }
0xb8: {  	_ =	strace $0x90000048  }
0xb9: {  	_ =	sfence  }
0xba: {  	s30 =	sld [smem:$0x0];
	_ =	sdelay $0x2  }
0xbb: {  	s31 =	sshll.u32 s1, $0xD;
	s1 =	sshrl.u32 s1, $0x2  }
0xbc: {  	s3 =	sand.u32 $0x4000, s31;
	s1 =	sadd.s32 s1, s30  }
0xbd: {  	s0 =	sor.u32 s3, s0;
	s1 =	sshll.u32 s1, $0x11  }
0xbe: {  	s0 =	sor.u32 s1, s0  }
0xbf: {  	s0 =	sadd.s32 $0x8F2B, s0  }
0xc0: {  	[sflag:s0] =	ssyncadd.remote.s32 $0x1  }
0xc1: {  	_ =	sfence.sel $0xFFFF  }
0xc2: {  	[dreg:$0x0] =	wrdreg $0xFFFFFFFF;
	(pc) =	sbr.abs _section_cstart, $3  }
0xc3: {  	[dreg:$0x1] =	wrdreg $0xFFFFFFFF  }
0xc4: {  	_ =	task.clear_ibuf [dreg:s8], $0x2FFFF;
	_ =	strace $0x9FFFFFFF  }
0xc5: {  	(tm) =	ssettm $0x7FFFFFFF  }
tec
execute0_lowered:
.L_overlay_start_1:
0x0: {  	(tag) =	ssettag $0x1  }
0x1: {  	s4 =	rddreg [dreg:$0x0]  }
0x2: {  	s1 =	rddreg [dreg:$0x1]  }
0x3: {  	s5 =	rddreg [dreg:$0x2]  }
0x4: {  	s2 =	rddreg [dreg:$0x3];
	s3 =	srdreg.scid  }
0x5: {  	s0 =	rddreg [dreg:$0x4];
	s10 =	stileid.u32;
	s11 =	simm.s32 $0x80  }
0x6: {  	s12 =	simm.s32 $0x1250;
	s13 =	simm.s32 $0x5250;
	s14 =	simm.s32 $0x2  }
0x7: {  	s15 =	simm.s32 $0x9250;
	s16 =	simm.s32 $0x100;
	s17 =	simm.s32 $0x3  }
0x8: {  	s18 =	simm.s32 $0xD250;
	s19 =	simm.s32 $0x180;
	s20 =	simm.s32 $0x11250  }
0x9: {  	s21 =	simm.s32 $0x15250;
	s22 =	simm.s32 $0x4;
	s23 =	simm.s32 $0x0  }
0xa: {  	s6 =	sand.u32 $0x1, s3;
	s3 =	simm.s32 $0x0;
	s7 =	sshll.u32 s10, $0xA  }
0xb: {  	p0 =	sne.s32 s10, $0x0;
	s10 =	simm.s32 $0x1;
	s8 =	sshll.u32 s6, $0x9  }
0xc: {  	[smem:$0x7FF] =	sst s3;
	s6 =	ssub.s32 $0x2, s6;
	s7 =	sor.u32 s8, s7  }
0xd: {  	_ =	strace $0x80000047;
	s9 =	sshrl.u32 s6, $0x1;
	s8 =	sshll.u32 s7, $0x4  }
0xe: {  	s9 =	ssub.s32 s6, s9;
	s31 =	sshrl.u32 s7, $0x3;
	s8 =	sadd.s32 s8, s5  }
0xf: {  	s4 =	sadd.s32 s4, s31;
	s9 =	smax.u32 s9, $0x1;
	s5 =	sadd.s32 $0x400, s8  }
0x10: {  	s6 =	sadd.s32 $0xC00, s8;
	s7 =	sadd.s32 $0x1400, s8;
	s8 =	sadd.s32 $0x1C00, s8  }
.LBB2_1:
0x11: {  	[tilespmem:s3], [sflag:$0x1] =	stream.linear.gather [hbm4b:s4+s3], $0x200, $0x38;
	[tilespmem:$0x19250] =	vst v63  }
0x12: {  	s24 =	simm.s32 @!p0 $0x0;
	s25 =	simm.s32 @!p0 $0x200  }
0x13: {  	[tilespmem:s25], [sflag:$0x5] =	stream.linear.gather @!p0 [hbm4b:s1+s24], $0x500, $0x38;
	[tilespmem:$0x19250] =	vst v63  }
0x14: {  	s24 =	simm.s32 @!p0 $0x5  }
0x15: {  	_ =	swait.ge @!p0 [sflag:s24], $0x500  }
0x16: {  	[sflag:s24] =	ssyncset.done @!p0 $0x0  }
0x17: {  	[sflag:s24] =	ssyncadd.s32 @!p0 $0xFFFFFB00  }
0x18: {  	v0 =	vld @!p0 [tilespmem:$0x200]  }
0x19: {  	v1 =	vld @!p0 [tilespmem:$0x210]  }
0x1a: {  	v2 =	vld @!p0 [tilespmem:$0x280]  }
0x1b: {  	v3 =	vld @!p0 [tilespmem:$0x290]  }
0x1c: {  	v4 =	vld @!p0 [tilespmem:$0x300]  }
0x1d: {  	[tilespmem:$0xA00] =	vst @!p0 v0;
	v0 =	vld @!p0 [tilespmem:$0x310]  }
0x1e: {  	[tilespmem:$0xA10] =	vst @!p0 v1;
	v1 =	vld @!p0 [tilespmem:$0x380]  }
0x1f: {  	[tilespmem:$0xA80] =	vst @!p0 v2;
	v2 =	vld @!p0 [tilespmem:$0x390]  }
0x20: {  	[tilespmem:$0xA90] =	vst @!p0 v3;
	v3 =	vld @!p0 [tilespmem:$0x400]  }
0x21: {  	[tilespmem:$0xB00] =	vst @!p0 v4;
	v4 =	vld @!p0 [tilespmem:$0x410]  }
0x22: {  	[tilespmem:$0xB10] =	vst @!p0 v0;
	v0 =	vld @!p0 [tilespmem:$0x480]  }
0x23: {  	[tilespmem:$0xB80] =	vst @!p0 v1;
	v1 =	vld @!p0 [tilespmem:$0x490]  }
0x24: {  	[tilespmem:$0xB90] =	vst @!p0 v2;
	v2 =	vld @!p0 [tilespmem:$0x500]  }
0x25: {  	[tilespmem:$0xC00] =	vst @!p0 v3;
	v3 =	vld @!p0 [tilespmem:$0x510]  }
0x26: {  	[tilespmem:$0xC10] =	vst @!p0 v4;
	v4 =	vld @!p0 [tilespmem:$0x580]  }
0x27: {  	[tilespmem:$0xC80] =	vst @!p0 v0;
	v0 =	vld @!p0 [tilespmem:$0x590]  }
0x28: {  	[tilespmem:$0xC90] =	vst @!p0 v1;
	v1 =	vld @!p0 [tilespmem:$0x600]  }
0x29: {  	[tilespmem:$0xD00] =	vst @!p0 v2;
	v2 =	vld @!p0 [tilespmem:$0x610]  }
0x2a: {  	[tilespmem:$0xD10] =	vst @!p0 v3;
	v3 =	vld @!p0 [tilespmem:$0x680]  }
0x2b: {  	[tilespmem:$0xD80] =	vst @!p0 v4;
	v4 =	vld @!p0 [tilespmem:$0x690]  }
0x2c: {  	[tilespmem:$0xD90] =	vst @!p0 v0  }
0x2d: {  	[tilespmem:$0xE00] =	vst @!p0 v1  }
0x2e: {  	[tilespmem:$0xE10] =	vst @!p0 v2  }
0x2f: {  	[tilespmem:$0xE80] =	vst @!p0 v3  }
0x30: {  	s25 =	simm.s32 @!p0 $0xA00;
	[tilespmem:$0xE90] =	vst @!p0 v4  }
0x31: {  	[spmem:s2] =	stream.linear.scatter @!p0 [tilespmem:s25], [sflag:$0x5], $0x500, $0x38;
	[tilespmem:$0x19250] =	vst v63  }
0x32: {  	_ =	swait.ge @!p0 [sflag:s24], $0x500  }
0x33: {  	[sflag:s24] =	ssyncset.done @!p0 $0x0  }
0x34: {  	[sflag:s24] =	ssyncadd.s32 @!p0 $0xFFFFFB00  }
0x35: {  	[bflag:$0x0] =	sbarrier.arrive $0xFFFF  }
0x36: {  	_ =	swait.ge [sflag:s10], $0x200  }
0x37: {  	[sflag:s10] =	ssyncset.done $0x0  }
0x38: {  	[sflag:s10] =	ssyncadd.s32 $0xFFFFFE00  }
0x39: {  	[tilespmem:s12], [sflag:$0x2] =	stream.indirect.gather [spmem:s2], $0x80, s3, s11, $0xb8;
	[tilespmem:$0x19250] =	vst v63  }
0x3a: {  	_ = 	snop  }
0x3b: {  	[tilespmem:s13], [sflag:$0x3] =	stream.indirect.gather [spmem:s2], $0x80, s11, s11, $0xb8;
	[tilespmem:$0x19250] =	vst v63  }
0x3c: {  	_ =	swait.ge [sflag:s14], $0x4000  }
0x3d: {  	[sflag:s14] =	ssyncset.done $0x0  }
0x3e: {  	s24 =	simm.s32 $0x0;
	[sflag:s14] =	ssyncadd.s32 $0xFFFFC000  }
0x3f: {  	v0 =	vld [tilespmem:s24+$0x19E0]  }
0x40: {  	v1 =	vld [tilespmem:s24+$0x1250]  }
0x41: {  	v2 =	vld [tilespmem:s24+$0x1260]  }
0x42: {  	v3 =	vld [tilespmem:s24+$0x12D0]  }
0x43: {  	v4 =	vld [tilespmem:s24+$0x12E0]  }
0x44: {  	v5 =	vld [tilespmem:s24+$0x1350];
	[tilespmem:s24+$0x99E0] =	vst v0  }
0x45: {  	[tilespmem:s24+$0x9250] =	vst v1;
	v0 =	vld [tilespmem:s24+$0x1360]  }
0x46: {  	[tilespmem:s24+$0x9260] =	vst v2;
	v1 =	vld [tilespmem:s24+$0x13D0]  }
0x47: {  	[tilespmem:s24+$0x92D0] =	vst v3;
	v2 =	vld [tilespmem:s24+$0x13E0]  }
0x48: {  	[tilespmem:s24+$0x92E0] =	vst v4;
	v3 =	vld [tilespmem:s24+$0x1450]  }
0x49: {  	[tilespmem:s24+$0x9350] =	vst v5;
	v4 =	vld [tilespmem:s24+$0x1460]  }
0x4a: {  	v5 =	vld [tilespmem:s24+$0x1860];
	[tilespmem:s24+$0x9360] =	vst v0  }
0x4b: {  	v0 =	vld [tilespmem:s24+$0x14D0];
	[tilespmem:s24+$0x93D0] =	vst v1  }
0x4c: {  	v1 =	vld [tilespmem:s24+$0x14E0];
	[tilespmem:s24+$0x93E0] =	vst v2  }
0x4d: {  	v2 =	vld [tilespmem:s24+$0x1550];
	[tilespmem:s24+$0x9450] =	vst v3  }
0x4e: {  	v3 =	vld [tilespmem:s24+$0x1560];
	[tilespmem:s24+$0x9460] =	vst v4  }
0x4f: {  	v4 =	vld [tilespmem:s24+$0x15D0];
	[tilespmem:s24+$0x9860] =	vst v5  }
0x50: {  	[tilespmem:s24+$0x94D0] =	vst v0;
	v0 =	vld [tilespmem:s24+$0x15E0]  }
0x51: {  	[tilespmem:s24+$0x94E0] =	vst v1;
	v1 =	vld [tilespmem:s24+$0x1650]  }
0x52: {  	[tilespmem:s24+$0x9550] =	vst v2;
	v2 =	vld [tilespmem:s24+$0x1660]  }
0x53: {  	[tilespmem:s24+$0x9560] =	vst v3;
	v3 =	vld [tilespmem:s24+$0x16D0]  }
0x54: {  	[tilespmem:s24+$0x95D0] =	vst v4;
	v4 =	vld [tilespmem:s24+$0x16E0]  }
0x55: {  	[tilespmem:s24+$0x95E0] =	vst v0;
	v0 =	vld [tilespmem:s24+$0x1750]  }
0x56: {  	[tilespmem:s24+$0x9650] =	vst v1;
	v1 =	vld [tilespmem:s24+$0x1760]  }
0x57: {  	[tilespmem:s24+$0x9660] =	vst v2;
	v2 =	vld [tilespmem:s24+$0x17D0]  }
0x58: {  	[tilespmem:s24+$0x96D0] =	vst v3;
	v3 =	vld [tilespmem:s24+$0x17E0]  }
0x59: {  	[tilespmem:s24+$0x96E0] =	vst v4;
	v4 =	vld [tilespmem:s24+$0x1850]  }
0x5a: {  	[tilespmem:s24+$0x9750] =	vst v0;
	v0 =	vld [tilespmem:s24+$0x18D0]  }
0x5b: {  	[tilespmem:s24+$0x9760] =	vst v1;
	v1 =	vld [tilespmem:s24+$0x18E0]  }
0x5c: {  	[tilespmem:s24+$0x97D0] =	vst v2;
	v2 =	vld [tilespmem:s24+$0x1950]  }
0x5d: {  	[tilespmem:s24+$0x97E0] =	vst v3;
	v3 =	vld [tilespmem:s24+$0x1960]  }
0x5e: {  	s26 =	simm.s32 $0x800;
	s25 =	simm.s32 $0x4000;
	[tilespmem:s24+$0x9850] =	vst v4;
	v4 =	vld [tilespmem:s24+$0x19D0]  }
.LBB2_2:
0x5f: {  	p1 =	sne.s32 s25, $0xE000;
	v5 =	vld [tilespmem:s26+$0x19E0];
	[tilespmem:s24+$0x98D0] =	vst v0  }
0x60: {  	v0 =	vld [tilespmem:s26+$0x1250];
	[tilespmem:s24+$0x98E0] =	vst v1  }
0x61: {  	v1 =	vld [tilespmem:s26+$0x1260];
	[tilespmem:s24+$0x9950] =	vst v2  }
0x62: {  	v2 =	vld [tilespmem:s26+$0x12D0];
	[tilespmem:s24+$0x9960] =	vst v3  }
0x63: {  	v3 =	vld [tilespmem:s26+$0x12E0];
	[tilespmem:s24+$0x99D0] =	vst v4;
	s24 =	smov.u32 s26  }
0x64: {  	v4 =	vld [tilespmem:s24+$0x1350];
	[tilespmem:s24+$0x99E0] =	vst v5  }
0x65: {  	[tilespmem:s24+$0x9250] =	vst v0;
	v0 =	vld [tilespmem:s24+$0x1360]  }
0x66: {  	[tilespmem:s24+$0x9260] =	vst v1;
	v1 =	vld [tilespmem:s24+$0x13D0]  }
0x67: {  	[tilespmem:s24+$0x92D0] =	vst v2;
	v2 =	vld [tilespmem:s24+$0x13E0]  }
0x68: {  	[tilespmem:s24+$0x92E0] =	vst v3;
	v3 =	vld [tilespmem:s24+$0x1450]  }
0x69: {  	[tilespmem:s24+$0x9350] =	vst v4;
	v4 =	vld [tilespmem:s24+$0x1460]  }
0x6a: {  	[tilespmem:s24+$0x9360] =	vst v0;
	v0 =	vld [tilespmem:s24+$0x14D0]  }
0x6b: {  	[tilespmem:s24+$0x93D0] =	vst v1;
	v1 =	vld [tilespmem:s24+$0x14E0]  }
0x6c: {  	[tilespmem:s24+$0x93E0] =	vst v2;
	v2 =	vld [tilespmem:s24+$0x1550]  }
0x6d: {  	[tilespmem:s24+$0x9450] =	vst v3;
	v3 =	vld [tilespmem:s24+$0x1560]  }
0x6e: {  	[tilespmem:s24+$0x9460] =	vst v4;
	v4 =	vld [tilespmem:s24+$0x15D0]  }
0x6f: {  	[tilespmem:s24+$0x94D0] =	vst v0;
	v0 =	vld [tilespmem:s24+$0x15E0]  }
0x70: {  	[tilespmem:s24+$0x94E0] =	vst v1;
	v1 =	vld [tilespmem:s24+$0x1650]  }
0x71: {  	[tilespmem:s24+$0x9550] =	vst v2;
	v2 =	vld [tilespmem:s24+$0x1660]  }
0x72: {  	[tilespmem:s24+$0x9560] =	vst v3;
	v3 =	vld [tilespmem:s24+$0x16D0]  }
0x73: {  	[tilespmem:s24+$0x95D0] =	vst v4;
	v4 =	vld [tilespmem:s24+$0x16E0]  }
0x74: {  	[tilespmem:s24+$0x95E0] =	vst v0;
	v0 =	vld [tilespmem:s24+$0x1750]  }
0x75: {  	[tilespmem:s24+$0x9650] =	vst v1;
	v1 =	vld [tilespmem:s24+$0x1760]  }
0x76: {  	[tilespmem:s24+$0x9660] =	vst v2;
	v2 =	vld [tilespmem:s24+$0x17D0]  }
0x77: {  	[tilespmem:s24+$0x96D0] =	vst v3;
	v3 =	vld [tilespmem:s24+$0x17E0]  }
0x78: {  	[tilespmem:s24+$0x96E0] =	vst v4;
	v4 =	vld [tilespmem:s24+$0x1850]  }
0x79: {  	[tilespmem:s24+$0x9750] =	vst v0;
	v5 =	vld [tilespmem:s24+$0x1860]  }
.Ltmp0:
0x7a: {  	[tilespmem:s24+$0x9760] =	vst v1;
	v0 =	vld [tilespmem:s24+$0x18D0];
	(pc) =	sbr.rel @p1 .LBB2_2-.Ltmp0, $4  }
0x7b: {  	[tilespmem:s24+$0x97D0] =	vst v2;
	v1 =	vld [tilespmem:s24+$0x18E0]  }
0x7c: {  	[tilespmem:s24+$0x97E0] =	vst v3;
	v2 =	vld [tilespmem:s24+$0x1950]  }
0x7d: {  	[tilespmem:s24+$0x9850] =	vst v4;
	v3 =	vld [tilespmem:s24+$0x1960]  }
0x7e: {  	s26 =	sshra.s32 s25, $0x2;
	s25 =	sadd.s32 $0x2000, s25;
	[tilespmem:s24+$0x9860] =	vst v5;
	v4 =	vld [tilespmem:s24+$0x19D0]  }
0x7f: {  	v5 =	vld [tilespmem:s26+$0x19E0];
	[tilespmem:s24+$0x98D0] =	vst v0  }
0x80: {  	v0 =	vld [tilespmem:s26+$0x1250];
	[tilespmem:s24+$0x98E0] =	vst v1  }
0x81: {  	v1 =	vld [tilespmem:s26+$0x1260];
	[tilespmem:s24+$0x9950] =	vst v2  }
0x82: {  	v2 =	vld [tilespmem:s26+$0x12D0];
	[tilespmem:s24+$0x9960] =	vst v3  }
0x83: {  	v3 =	vld [tilespmem:s26+$0x12E0];
	[tilespmem:s24+$0x99D0] =	vst v4  }
0x84: {  	v4 =	vld [tilespmem:s26+$0x1350];
	[tilespmem:s26+$0x99E0] =	vst v5  }
0x85: {  	[tilespmem:s26+$0x9250] =	vst v0;
	v0 =	vld [tilespmem:s26+$0x1360]  }
0x86: {  	[tilespmem:s26+$0x9260] =	vst v1;
	v1 =	vld [tilespmem:s26+$0x13D0]  }
0x87: {  	[tilespmem:s26+$0x92D0] =	vst v2;
	v2 =	vld [tilespmem:s26+$0x13E0]  }
0x88: {  	[tilespmem:s26+$0x92E0] =	vst v3;
	v3 =	vld [tilespmem:s26+$0x1450]  }
0x89: {  	[tilespmem:s26+$0x9350] =	vst v4;
	v4 =	vld [tilespmem:s26+$0x1460]  }
0x8a: {  	[tilespmem:s26+$0x9360] =	vst v0;
	v0 =	vld [tilespmem:s26+$0x14D0]  }
0x8b: {  	[tilespmem:s26+$0x93D0] =	vst v1;
	v1 =	vld [tilespmem:s26+$0x14E0]  }
0x8c: {  	[tilespmem:s26+$0x93E0] =	vst v2;
	v2 =	vld [tilespmem:s26+$0x1550]  }
0x8d: {  	[tilespmem:s26+$0x9450] =	vst v3;
	v3 =	vld [tilespmem:s26+$0x1560]  }
0x8e: {  	[tilespmem:s26+$0x9460] =	vst v4;
	v4 =	vld [tilespmem:s26+$0x15D0]  }
0x8f: {  	[tilespmem:s26+$0x94D0] =	vst v0;
	v0 =	vld [tilespmem:s26+$0x15E0]  }
0x90: {  	[tilespmem:s26+$0x94E0] =	vst v1;
	v1 =	vld [tilespmem:s26+$0x1650]  }
0x91: {  	[tilespmem:s26+$0x9550] =	vst v2;
	v2 =	vld [tilespmem:s26+$0x1660]  }
0x92: {  	[tilespmem:s26+$0x9560] =	vst v3;
	v3 =	vld [tilespmem:s26+$0x16D0]  }
0x93: {  	[tilespmem:s26+$0x95D0] =	vst v4;
	v4 =	vld [tilespmem:s26+$0x16E0]  }
0x94: {  	[tilespmem:s26+$0x95E0] =	vst v0;
	v0 =	vld [tilespmem:s26+$0x1750]  }
0x95: {  	[tilespmem:s26+$0x9650] =	vst v1;
	v1 =	vld [tilespmem:s26+$0x1760]  }
0x96: {  	[tilespmem:s26+$0x9660] =	vst v2;
	v2 =	vld [tilespmem:s26+$0x17D0]  }
0x97: {  	[tilespmem:s26+$0x96D0] =	vst v3;
	v3 =	vld [tilespmem:s26+$0x17E0]  }
0x98: {  	[tilespmem:s26+$0x96E0] =	vst v4;
	v4 =	vld [tilespmem:s26+$0x1850]  }
0x99: {  	[tilespmem:s26+$0x9750] =	vst v0;
	v0 =	vld [tilespmem:s26+$0x1860]  }
0x9a: {  	[tilespmem:s26+$0x9760] =	vst v1;
	v1 =	vld [tilespmem:s26+$0x18D0]  }
0x9b: {  	[tilespmem:s26+$0x97D0] =	vst v2;
	v2 =	vld [tilespmem:s26+$0x18E0]  }
0x9c: {  	[tilespmem:s26+$0x97E0] =	vst v3;
	v3 =	vld [tilespmem:s26+$0x1950]  }
0x9d: {  	[tilespmem:s26+$0x9850] =	vst v4;
	v4 =	vld [tilespmem:s26+$0x1960]  }
0x9e: {  	[tilespmem:s26+$0x9860] =	vst v0;
	v0 =	vld [tilespmem:s26+$0x19D0]  }
0x9f: {  	[tilespmem:s26+$0x98D0] =	vst v1  }
0xa0: {  	[tilespmem:s26+$0x98E0] =	vst v2  }
0xa1: {  	[tilespmem:s26+$0x9950] =	vst v3  }
0xa2: {  	[tilespmem:s26+$0x9960] =	vst v4  }
0xa3: {  	s31 =	simm.s32 $0x0;
	[tilespmem:s26+$0x99D0] =	vst v0  }
0xa4: {  	[hbm4b:s5+s31] =	stream.linear.scatter [tilespmem:s15], [sflag:$0x4], $0x4000, $0x38;
	[tilespmem:$0x19250] =	vst v63  }
0xa5: {  	_ = 	snop  }
0xa6: {  	[tilespmem:s12], [sflag:$0x2] =	stream.indirect.gather [spmem:s2], $0x80, s16, s11, $0xb8;
	[tilespmem:$0x19250] =	vst v63  }
0xa7: {  	_ =	swait.ge [sflag:s17], $0x4000  }
0xa8: {  	[sflag:s17] =	ssyncset.done $0x0  }
0xa9: {  	s24 =	simm.s32 $0x0;
	[sflag:s17] =	ssyncadd.s32 $0xFFFFC000  }
0xaa: {  	v0 =	vld [tilespmem:s24+$0x59E0]  }
0xab: {  	v1 =	vld [tilespmem:s24+$0x5250]  }
0xac: {  	v2 =	vld [tilespmem:s24+$0x5260]  }
0xad: {  	v3 =	vld [tilespmem:s24+$0x52D0]  }
0xae: {  	v4 =	vld [tilespmem:s24+$0x52E0]  }
0xaf: {  	v5 =	vld [tilespmem:s24+$0x5350];
	[tilespmem:s24+$0xD9E0] =	vst v0  }
0xb0: {  	[tilespmem:s24+$0xD250] =	vst v1;
	v0 =	vld [tilespmem:s24+$0x5360]  }
0xb1: {  	[tilespmem:s24+$0xD260] =	vst v2;
	v1 =	vld [tilespmem:s24+$0x53D0]  }
0xb2: {  	[tilespmem:s24+$0xD2D0] =	vst v3;
	v2 =	vld [tilespmem:s24+$0x53E0]  }
0xb3: {  	[tilespmem:s24+$0xD2E0] =	vst v4;
	v3 =	vld [tilespmem:s24+$0x5450]  }
0xb4: {  	[tilespmem:s24+$0xD350] =	vst v5;
	v4 =	vld [tilespmem:s24+$0x5460]  }
0xb5: {  	v5 =	vld [tilespmem:s24+$0x5860];
	[tilespmem:s24+$0xD360] =	vst v0  }
0xb6: {  	v0 =	vld [tilespmem:s24+$0x54D0];
	[tilespmem:s24+$0xD3D0] =	vst v1  }
0xb7: {  	v1 =	vld [tilespmem:s24+$0x54E0];
	[tilespmem:s24+$0xD3E0] =	vst v2  }
0xb8: {  	v2 =	vld [tilespmem:s24+$0x5550];
	[tilespmem:s24+$0xD450] =	vst v3  }
0xb9: {  	v3 =	vld [tilespmem:s24+$0x5560];
	[tilespmem:s24+$0xD460] =	vst v4  }
0xba: {  	v4 =	vld [tilespmem:s24+$0x55D0];
	[tilespmem:s24+$0xD860] =	vst v5  }
0xbb: {  	[tilespmem:s24+$0xD4D0] =	vst v0;
	v0 =	vld [tilespmem:s24+$0x55E0]  }
0xbc: {  	[tilespmem:s24+$0xD4E0] =	vst v1;
	v1 =	vld [tilespmem:s24+$0x5650]  }
0xbd: {  	[tilespmem:s24+$0xD550] =	vst v2;
	v2 =	vld [tilespmem:s24+$0x5660]  }
0xbe: {  	[tilespmem:s24+$0xD560] =	vst v3;
	v3 =	vld [tilespmem:s24+$0x56D0]  }
0xbf: {  	[tilespmem:s24+$0xD5D0] =	vst v4;
	v4 =	vld [tilespmem:s24+$0x56E0]  }
0xc0: {  	[tilespmem:s24+$0xD5E0] =	vst v0;
	v0 =	vld [tilespmem:s24+$0x5750]  }
0xc1: {  	[tilespmem:s24+$0xD650] =	vst v1;
	v1 =	vld [tilespmem:s24+$0x5760]  }
0xc2: {  	[tilespmem:s24+$0xD660] =	vst v2;
	v2 =	vld [tilespmem:s24+$0x57D0]  }
0xc3: {  	[tilespmem:s24+$0xD6D0] =	vst v3;
	v3 =	vld [tilespmem:s24+$0x57E0]  }
0xc4: {  	[tilespmem:s24+$0xD6E0] =	vst v4;
	v4 =	vld [tilespmem:s24+$0x5850]  }
0xc5: {  	[tilespmem:s24+$0xD750] =	vst v0;
	v0 =	vld [tilespmem:s24+$0x58D0]  }
0xc6: {  	[tilespmem:s24+$0xD760] =	vst v1;
	v1 =	vld [tilespmem:s24+$0x58E0]  }
0xc7: {  	[tilespmem:s24+$0xD7D0] =	vst v2;
	v2 =	vld [tilespmem:s24+$0x5950]  }
0xc8: {  	[tilespmem:s24+$0xD7E0] =	vst v3;
	v3 =	vld [tilespmem:s24+$0x5960]  }
0xc9: {  	s25 =	simm.s32 $0x4000;
	s26 =	simm.s32 $0x800;
	[tilespmem:s24+$0xD850] =	vst v4;
	v4 =	vld [tilespmem:s24+$0x59D0]  }
.LBB2_4:
0xca: {  	p1 =	sne.s32 s25, $0xE000;
	v5 =	vld [tilespmem:s26+$0x59E0];
	[tilespmem:s24+$0xD8D0] =	vst v0  }
0xcb: {  	v0 =	vld [tilespmem:s26+$0x5250];
	[tilespmem:s24+$0xD8E0] =	vst v1  }
0xcc: {  	v1 =	vld [tilespmem:s26+$0x5260];
	[tilespmem:s24+$0xD950] =	vst v2  }
0xcd: {  	v2 =	vld [tilespmem:s26+$0x52D0];
	[tilespmem:s24+$0xD960] =	vst v3  }
0xce: {  	v3 =	vld [tilespmem:s26+$0x52E0];
	[tilespmem:s24+$0xD9D0] =	vst v4;
	s24 =	smov.u32 s26  }
0xcf: {  	v4 =	vld [tilespmem:s24+$0x5350];
	[tilespmem:s24+$0xD9E0] =	vst v5  }
0xd0: {  	[tilespmem:s24+$0xD250] =	vst v0;
	v0 =	vld [tilespmem:s24+$0x5360]  }
0xd1: {  	[tilespmem:s24+$0xD260] =	vst v1;
	v1 =	vld [tilespmem:s24+$0x53D0]  }
0xd2: {  	[tilespmem:s24+$0xD2D0] =	vst v2;
	v2 =	vld [tilespmem:s24+$0x53E0]  }
0xd3: {  	[tilespmem:s24+$0xD2E0] =	vst v3;
	v3 =	vld [tilespmem:s24+$0x5450]  }
0xd4: {  	[tilespmem:s24+$0xD350] =	vst v4;
	v4 =	vld [tilespmem:s24+$0x5460]  }
0xd5: {  	[tilespmem:s24+$0xD360] =	vst v0;
	v0 =	vld [tilespmem:s24+$0x54D0]  }
0xd6: {  	[tilespmem:s24+$0xD3D0] =	vst v1;
	v1 =	vld [tilespmem:s24+$0x54E0]  }
0xd7: {  	[tilespmem:s24+$0xD3E0] =	vst v2;
	v2 =	vld [tilespmem:s24+$0x5550]  }
0xd8: {  	[tilespmem:s24+$0xD450] =	vst v3;
	v3 =	vld [tilespmem:s24+$0x5560]  }
0xd9: {  	[tilespmem:s24+$0xD460] =	vst v4;
	v4 =	vld [tilespmem:s24+$0x55D0]  }
0xda: {  	[tilespmem:s24+$0xD4D0] =	vst v0;
	v0 =	vld [tilespmem:s24+$0x55E0]  }
0xdb: {  	[tilespmem:s24+$0xD4E0] =	vst v1;
	v1 =	vld [tilespmem:s24+$0x5650]  }
0xdc: {  	[tilespmem:s24+$0xD550] =	vst v2;
	v2 =	vld [tilespmem:s24+$0x5660]  }
0xdd: {  	[tilespmem:s24+$0xD560] =	vst v3;
	v3 =	vld [tilespmem:s24+$0x56D0]  }
0xde: {  	[tilespmem:s24+$0xD5D0] =	vst v4;
	v4 =	vld [tilespmem:s24+$0x56E0]  }
0xdf: {  	[tilespmem:s24+$0xD5E0] =	vst v0;
	v0 =	vld [tilespmem:s24+$0x5750]  }
0xe0: {  	[tilespmem:s24+$0xD650] =	vst v1;
	v1 =	vld [tilespmem:s24+$0x5760]  }
0xe1: {  	[tilespmem:s24+$0xD660] =	vst v2;
	v2 =	vld [tilespmem:s24+$0x57D0]  }
0xe2: {  	[tilespmem:s24+$0xD6D0] =	vst v3;
	v3 =	vld [tilespmem:s24+$0x57E0]  }
0xe3: {  	[tilespmem:s24+$0xD6E0] =	vst v4;
	v4 =	vld [tilespmem:s24+$0x5850]  }
0xe4: {  	[tilespmem:s24+$0xD750] =	vst v0;
	v5 =	vld [tilespmem:s24+$0x5860]  }
.Ltmp1:
0xe5: {  	[tilespmem:s24+$0xD760] =	vst v1;
	v0 =	vld [tilespmem:s24+$0x58D0];
	(pc) =	sbr.rel @p1 .LBB2_4-.Ltmp1, $4  }
0xe6: {  	[tilespmem:s24+$0xD7D0] =	vst v2;
	v1 =	vld [tilespmem:s24+$0x58E0]  }
0xe7: {  	[tilespmem:s24+$0xD7E0] =	vst v3;
	v2 =	vld [tilespmem:s24+$0x5950]  }
0xe8: {  	[tilespmem:s24+$0xD850] =	vst v4;
	v3 =	vld [tilespmem:s24+$0x5960]  }
0xe9: {  	s26 =	sshra.s32 s25, $0x2;
	s25 =	sadd.s32 $0x2000, s25;
	[tilespmem:s24+$0xD860] =	vst v5;
	v4 =	vld [tilespmem:s24+$0x59D0]  }
0xea: {  	v5 =	vld [tilespmem:s26+$0x59E0];
	[tilespmem:s24+$0xD8D0] =	vst v0  }
0xeb: {  	v0 =	vld [tilespmem:s26+$0x5250];
	[tilespmem:s24+$0xD8E0] =	vst v1  }
0xec: {  	v1 =	vld [tilespmem:s26+$0x5260];
	[tilespmem:s24+$0xD950] =	vst v2  }
0xed: {  	v2 =	vld [tilespmem:s26+$0x52D0];
	[tilespmem:s24+$0xD960] =	vst v3  }
0xee: {  	v3 =	vld [tilespmem:s26+$0x52E0];
	[tilespmem:s24+$0xD9D0] =	vst v4  }
0xef: {  	v4 =	vld [tilespmem:s26+$0x5350];
	[tilespmem:s26+$0xD9E0] =	vst v5  }
0xf0: {  	[tilespmem:s26+$0xD250] =	vst v0;
	v0 =	vld [tilespmem:s26+$0x5360]  }
0xf1: {  	[tilespmem:s26+$0xD260] =	vst v1;
	v1 =	vld [tilespmem:s26+$0x53D0]  }
0xf2: {  	[tilespmem:s26+$0xD2D0] =	vst v2;
	v2 =	vld [tilespmem:s26+$0x53E0]  }
0xf3: {  	[tilespmem:s26+$0xD2E0] =	vst v3;
	v3 =	vld [tilespmem:s26+$0x5450]  }
0xf4: {  	[tilespmem:s26+$0xD350] =	vst v4;
	v4 =	vld [tilespmem:s26+$0x5460]  }
0xf5: {  	[tilespmem:s26+$0xD360] =	vst v0;
	v0 =	vld [tilespmem:s26+$0x54D0]  }
0xf6: {  	[tilespmem:s26+$0xD3D0] =	vst v1;
	v1 =	vld [tilespmem:s26+$0x54E0]  }
0xf7: {  	[tilespmem:s26+$0xD3E0] =	vst v2;
	v2 =	vld [tilespmem:s26+$0x5550]  }
0xf8: {  	[tilespmem:s26+$0xD450] =	vst v3;
	v3 =	vld [tilespmem:s26+$0x5560]  }
0xf9: {  	[tilespmem:s26+$0xD460] =	vst v4;
	v4 =	vld [tilespmem:s26+$0x55D0]  }
0xfa: {  	[tilespmem:s26+$0xD4D0] =	vst v0;
	v0 =	vld [tilespmem:s26+$0x55E0]  }
0xfb: {  	[tilespmem:s26+$0xD4E0] =	vst v1;
	v1 =	vld [tilespmem:s26+$0x5650]  }
0xfc: {  	[tilespmem:s26+$0xD550] =	vst v2;
	v2 =	vld [tilespmem:s26+$0x5660]  }
0xfd: {  	[tilespmem:s26+$0xD560] =	vst v3;
	v3 =	vld [tilespmem:s26+$0x56D0]  }
0xfe: {  	[tilespmem:s26+$0xD5D0] =	vst v4;
	v4 =	vld [tilespmem:s26+$0x56E0]  }
0xff: {  	[tilespmem:s26+$0xD5E0] =	vst v0;
	v0 =	vld [tilespmem:s26+$0x5750]  }
0x100: {  	[tilespmem:s26+$0xD650] =	vst v1;
	v1 =	vld [tilespmem:s26+$0x5760]  }
0x101: {  	[tilespmem:s26+$0xD660] =	vst v2;
	v2 =	vld [tilespmem:s26+$0x57D0]  }
0x102: {  	[tilespmem:s26+$0xD6D0] =	vst v3;
	v3 =	vld [tilespmem:s26+$0x57E0]  }
0x103: {  	[tilespmem:s26+$0xD6E0] =	vst v4;
	v4 =	vld [tilespmem:s26+$0x5850]  }
0x104: {  	[tilespmem:s26+$0xD750] =	vst v0;
	v0 =	vld [tilespmem:s26+$0x5860]  }
0x105: {  	[tilespmem:s26+$0xD760] =	vst v1;
	v1 =	vld [tilespmem:s26+$0x58D0]  }
0x106: {  	[tilespmem:s26+$0xD7D0] =	vst v2;
	v2 =	vld [tilespmem:s26+$0x58E0]  }
0x107: {  	[tilespmem:s26+$0xD7E0] =	vst v3;
	v3 =	vld [tilespmem:s26+$0x5950]  }
0x108: {  	[tilespmem:s26+$0xD850] =	vst v4;
	v4 =	vld [tilespmem:s26+$0x5960]  }
0x109: {  	[tilespmem:s26+$0xD860] =	vst v0;
	v0 =	vld [tilespmem:s26+$0x59D0]  }
0x10a: {  	[tilespmem:s26+$0xD8D0] =	vst v1  }
0x10b: {  	[tilespmem:s26+$0xD8E0] =	vst v2  }
0x10c: {  	[tilespmem:s26+$0xD950] =	vst v3  }
0x10d: {  	[tilespmem:s26+$0xD960] =	vst v4  }
0x10e: {  	s31 =	simm.s32 $0x0;
	[tilespmem:s26+$0xD9D0] =	vst v0  }
0x10f: {  	[hbm4b:s6+s31] =	stream.linear.scatter [tilespmem:s18], [sflag:$0x4], $0x4000, $0x38;
	[tilespmem:$0x19250] =	vst v63  }
0x110: {  	_ = 	snop  }
0x111: {  	[tilespmem:s13], [sflag:$0x3] =	stream.indirect.gather [spmem:s2], $0x80, s19, s11, $0xb8;
	[tilespmem:$0x19250] =	vst v63  }
0x112: {  	_ =	swait.ge [sflag:s14], $0x4000  }
0x113: {  	[sflag:s14] =	ssyncset.done $0x0  }
0x114: {  	s24 =	simm.s32 $0x0;
	[sflag:s14] =	ssyncadd.s32 $0xFFFFC000  }
0x115: {  	v0 =	vld [tilespmem:s24+$0x19E0]  }
0x116: {  	v1 =	vld [tilespmem:s24+$0x1250]  }
0x117: {  	v2 =	vld [tilespmem:s24+$0x1260]  }
0x118: {  	v3 =	vld [tilespmem:s24+$0x12D0]  }
0x119: {  	v4 =	vld [tilespmem:s24+$0x12E0]  }
0x11a: {  	v5 =	vld [tilespmem:s24+$0x1350];
	[tilespmem:s24+$0x119E0] =	vst v0  }
0x11b: {  	[tilespmem:s24+$0x11250] =	vst v1;
	v0 =	vld [tilespmem:s24+$0x1360]  }
0x11c: {  	[tilespmem:s24+$0x11260] =	vst v2;
	v1 =	vld [tilespmem:s24+$0x13D0]  }
0x11d: {  	[tilespmem:s24+$0x112D0] =	vst v3;
	v2 =	vld [tilespmem:s24+$0x13E0]  }
0x11e: {  	[tilespmem:s24+$0x112E0] =	vst v4;
	v3 =	vld [tilespmem:s24+$0x1450]  }
0x11f: {  	[tilespmem:s24+$0x11350] =	vst v5;
	v4 =	vld [tilespmem:s24+$0x1460]  }
0x120: {  	v5 =	vld [tilespmem:s24+$0x1860];
	[tilespmem:s24+$0x11360] =	vst v0  }
0x121: {  	v0 =	vld [tilespmem:s24+$0x14D0];
	[tilespmem:s24+$0x113D0] =	vst v1  }
0x122: {  	v1 =	vld [tilespmem:s24+$0x14E0];
	[tilespmem:s24+$0x113E0] =	vst v2  }
0x123: {  	v2 =	vld [tilespmem:s24+$0x1550];
	[tilespmem:s24+$0x11450] =	vst v3  }
0x124: {  	v3 =	vld [tilespmem:s24+$0x1560];
	[tilespmem:s24+$0x11460] =	vst v4  }
0x125: {  	v4 =	vld [tilespmem:s24+$0x15D0];
	[tilespmem:s24+$0x11860] =	vst v5  }
0x126: {  	[tilespmem:s24+$0x114D0] =	vst v0;
	v0 =	vld [tilespmem:s24+$0x15E0]  }
0x127: {  	[tilespmem:s24+$0x114E0] =	vst v1;
	v1 =	vld [tilespmem:s24+$0x1650]  }
0x128: {  	[tilespmem:s24+$0x11550] =	vst v2;
	v2 =	vld [tilespmem:s24+$0x1660]  }
0x129: {  	[tilespmem:s24+$0x11560] =	vst v3;
	v3 =	vld [tilespmem:s24+$0x16D0]  }
0x12a: {  	[tilespmem:s24+$0x115D0] =	vst v4;
	v4 =	vld [tilespmem:s24+$0x16E0]  }
0x12b: {  	[tilespmem:s24+$0x115E0] =	vst v0;
	v0 =	vld [tilespmem:s24+$0x1750]  }
0x12c: {  	[tilespmem:s24+$0x11650] =	vst v1;
	v1 =	vld [tilespmem:s24+$0x1760]  }
0x12d: {  	[tilespmem:s24+$0x11660] =	vst v2;
	v2 =	vld [tilespmem:s24+$0x17D0]  }
0x12e: {  	[tilespmem:s24+$0x116D0] =	vst v3;
	v3 =	vld [tilespmem:s24+$0x17E0]  }
0x12f: {  	[tilespmem:s24+$0x116E0] =	vst v4;
	v4 =	vld [tilespmem:s24+$0x1850]  }
0x130: {  	[tilespmem:s24+$0x11750] =	vst v0;
	v0 =	vld [tilespmem:s24+$0x18D0]  }
0x131: {  	[tilespmem:s24+$0x11760] =	vst v1;
	v1 =	vld [tilespmem:s24+$0x18E0]  }
0x132: {  	[tilespmem:s24+$0x117D0] =	vst v2;
	v2 =	vld [tilespmem:s24+$0x1950]  }
0x133: {  	[tilespmem:s24+$0x117E0] =	vst v3;
	v3 =	vld [tilespmem:s24+$0x1960]  }
0x134: {  	s25 =	simm.s32 $0x4000;
	s26 =	simm.s32 $0x800;
	[tilespmem:s24+$0x11850] =	vst v4;
	v4 =	vld [tilespmem:s24+$0x19D0]  }
.LBB2_6:
0x135: {  	p1 =	sne.s32 s25, $0xE000;
	v5 =	vld [tilespmem:s26+$0x19E0];
	[tilespmem:s24+$0x118D0] =	vst v0  }
0x136: {  	v0 =	vld [tilespmem:s26+$0x1250];
	[tilespmem:s24+$0x118E0] =	vst v1  }
0x137: {  	v1 =	vld [tilespmem:s26+$0x1260];
	[tilespmem:s24+$0x11950] =	vst v2  }
0x138: {  	v2 =	vld [tilespmem:s26+$0x12D0];
	[tilespmem:s24+$0x11960] =	vst v3  }
0x139: {  	v3 =	vld [tilespmem:s26+$0x12E0];
	[tilespmem:s24+$0x119D0] =	vst v4;
	s24 =	smov.u32 s26  }
0x13a: {  	v4 =	vld [tilespmem:s24+$0x1350];
	[tilespmem:s24+$0x119E0] =	vst v5  }
0x13b: {  	[tilespmem:s24+$0x11250] =	vst v0;
	v0 =	vld [tilespmem:s24+$0x1360]  }
0x13c: {  	[tilespmem:s24+$0x11260] =	vst v1;
	v1 =	vld [tilespmem:s24+$0x13D0]  }
0x13d: {  	[tilespmem:s24+$0x112D0] =	vst v2;
	v2 =	vld [tilespmem:s24+$0x13E0]  }
0x13e: {  	[tilespmem:s24+$0x112E0] =	vst v3;
	v3 =	vld [tilespmem:s24+$0x1450]  }
0x13f: {  	[tilespmem:s24+$0x11350] =	vst v4;
	v4 =	vld [tilespmem:s24+$0x1460]  }
0x140: {  	[tilespmem:s24+$0x11360] =	vst v0;
	v0 =	vld [tilespmem:s24+$0x14D0]  }
0x141: {  	[tilespmem:s24+$0x113D0] =	vst v1;
	v1 =	vld [tilespmem:s24+$0x14E0]  }
0x142: {  	[tilespmem:s24+$0x113E0] =	vst v2;
	v2 =	vld [tilespmem:s24+$0x1550]  }
0x143: {  	[tilespmem:s24+$0x11450] =	vst v3;
	v3 =	vld [tilespmem:s24+$0x1560]  }
0x144: {  	[tilespmem:s24+$0x11460] =	vst v4;
	v4 =	vld [tilespmem:s24+$0x15D0]  }
0x145: {  	[tilespmem:s24+$0x114D0] =	vst v0;
	v0 =	vld [tilespmem:s24+$0x15E0]  }
0x146: {  	[tilespmem:s24+$0x114E0] =	vst v1;
	v1 =	vld [tilespmem:s24+$0x1650]  }
0x147: {  	[tilespmem:s24+$0x11550] =	vst v2;
	v2 =	vld [tilespmem:s24+$0x1660]  }
0x148: {  	[tilespmem:s24+$0x11560] =	vst v3;
	v3 =	vld [tilespmem:s24+$0x16D0]  }
0x149: {  	[tilespmem:s24+$0x115D0] =	vst v4;
	v4 =	vld [tilespmem:s24+$0x16E0]  }
0x14a: {  	[tilespmem:s24+$0x115E0] =	vst v0;
	v0 =	vld [tilespmem:s24+$0x1750]  }
0x14b: {  	[tilespmem:s24+$0x11650] =	vst v1;
	v1 =	vld [tilespmem:s24+$0x1760]  }
0x14c: {  	[tilespmem:s24+$0x11660] =	vst v2;
	v2 =	vld [tilespmem:s24+$0x17D0]  }
0x14d: {  	[tilespmem:s24+$0x116D0] =	vst v3;
	v3 =	vld [tilespmem:s24+$0x17E0]  }
0x14e: {  	[tilespmem:s24+$0x116E0] =	vst v4;
	v4 =	vld [tilespmem:s24+$0x1850]  }
0x14f: {  	[tilespmem:s24+$0x11750] =	vst v0;
	v5 =	vld [tilespmem:s24+$0x1860]  }
.Ltmp2:
0x150: {  	[tilespmem:s24+$0x11760] =	vst v1;
	v0 =	vld [tilespmem:s24+$0x18D0];
	(pc) =	sbr.rel @p1 .LBB2_6-.Ltmp2, $4  }
0x151: {  	[tilespmem:s24+$0x117D0] =	vst v2;
	v1 =	vld [tilespmem:s24+$0x18E0]  }
0x152: {  	[tilespmem:s24+$0x117E0] =	vst v3;
	v2 =	vld [tilespmem:s24+$0x1950]  }
0x153: {  	[tilespmem:s24+$0x11850] =	vst v4;
	v3 =	vld [tilespmem:s24+$0x1960]  }
0x154: {  	s26 =	sshra.s32 s25, $0x2;
	s25 =	sadd.s32 $0x2000, s25;
	[tilespmem:s24+$0x11860] =	vst v5;
	v4 =	vld [tilespmem:s24+$0x19D0]  }
0x155: {  	v5 =	vld [tilespmem:s26+$0x19E0];
	[tilespmem:s24+$0x118D0] =	vst v0  }
0x156: {  	v0 =	vld [tilespmem:s26+$0x1250];
	[tilespmem:s24+$0x118E0] =	vst v1  }
0x157: {  	v1 =	vld [tilespmem:s26+$0x1260];
	[tilespmem:s24+$0x11950] =	vst v2  }
0x158: {  	v2 =	vld [tilespmem:s26+$0x12D0];
	[tilespmem:s24+$0x11960] =	vst v3  }
0x159: {  	v3 =	vld [tilespmem:s26+$0x12E0];
	[tilespmem:s24+$0x119D0] =	vst v4  }
0x15a: {  	v4 =	vld [tilespmem:s26+$0x1350];
	[tilespmem:s26+$0x119E0] =	vst v5  }
0x15b: {  	[tilespmem:s26+$0x11250] =	vst v0;
	v0 =	vld [tilespmem:s26+$0x1360]  }
0x15c: {  	[tilespmem:s26+$0x11260] =	vst v1;
	v1 =	vld [tilespmem:s26+$0x13D0]  }
0x15d: {  	[tilespmem:s26+$0x112D0] =	vst v2;
	v2 =	vld [tilespmem:s26+$0x13E0]  }
0x15e: {  	[tilespmem:s26+$0x112E0] =	vst v3;
	v3 =	vld [tilespmem:s26+$0x1450]  }
0x15f: {  	[tilespmem:s26+$0x11350] =	vst v4;
	v4 =	vld [tilespmem:s26+$0x1460]  }
0x160: {  	[tilespmem:s26+$0x11360] =	vst v0;
	v0 =	vld [tilespmem:s26+$0x14D0]  }
0x161: {  	[tilespmem:s26+$0x113D0] =	vst v1;
	v1 =	vld [tilespmem:s26+$0x14E0]  }
0x162: {  	[tilespmem:s26+$0x113E0] =	vst v2;
	v2 =	vld [tilespmem:s26+$0x1550]  }
0x163: {  	[tilespmem:s26+$0x11450] =	vst v3;
	v3 =	vld [tilespmem:s26+$0x1560]  }
0x164: {  	[tilespmem:s26+$0x11460] =	vst v4;
	v4 =	vld [tilespmem:s26+$0x15D0]  }
0x165: {  	[tilespmem:s26+$0x114D0] =	vst v0;
	v0 =	vld [tilespmem:s26+$0x15E0]  }
0x166: {  	[tilespmem:s26+$0x114E0] =	vst v1;
	v1 =	vld [tilespmem:s26+$0x1650]  }
0x167: {  	[tilespmem:s26+$0x11550] =	vst v2;
	v2 =	vld [tilespmem:s26+$0x1660]  }
0x168: {  	[tilespmem:s26+$0x11560] =	vst v3;
	v3 =	vld [tilespmem:s26+$0x16D0]  }
0x169: {  	[tilespmem:s26+$0x115D0] =	vst v4;
	v4 =	vld [tilespmem:s26+$0x16E0]  }
0x16a: {  	[tilespmem:s26+$0x115E0] =	vst v0;
	v0 =	vld [tilespmem:s26+$0x1750]  }
0x16b: {  	[tilespmem:s26+$0x11650] =	vst v1;
	v1 =	vld [tilespmem:s26+$0x1760]  }
0x16c: {  	[tilespmem:s26+$0x11660] =	vst v2;
	v2 =	vld [tilespmem:s26+$0x17D0]  }
0x16d: {  	[tilespmem:s26+$0x116D0] =	vst v3;
	v3 =	vld [tilespmem:s26+$0x17E0]  }
0x16e: {  	[tilespmem:s26+$0x116E0] =	vst v4;
	v4 =	vld [tilespmem:s26+$0x1850]  }
0x16f: {  	[tilespmem:s26+$0x11750] =	vst v0;
	v0 =	vld [tilespmem:s26+$0x1860]  }
0x170: {  	[tilespmem:s26+$0x11760] =	vst v1;
	v1 =	vld [tilespmem:s26+$0x18D0]  }
0x171: {  	[tilespmem:s26+$0x117D0] =	vst v2;
	v2 =	vld [tilespmem:s26+$0x18E0]  }
0x172: {  	[tilespmem:s26+$0x117E0] =	vst v3;
	v3 =	vld [tilespmem:s26+$0x1950]  }
0x173: {  	[tilespmem:s26+$0x11850] =	vst v4;
	v4 =	vld [tilespmem:s26+$0x1960]  }
0x174: {  	[tilespmem:s26+$0x11860] =	vst v0;
	v0 =	vld [tilespmem:s26+$0x19D0]  }
0x175: {  	[tilespmem:s26+$0x118D0] =	vst v1  }
0x176: {  	[tilespmem:s26+$0x118E0] =	vst v2  }
0x177: {  	[tilespmem:s26+$0x11950] =	vst v3  }
0x178: {  	[tilespmem:s26+$0x11960] =	vst v4  }
0x179: {  	s31 =	simm.s32 $0x0;
	[tilespmem:s26+$0x119D0] =	vst v0  }
0x17a: {  	[hbm4b:s7+s31] =	stream.linear.scatter [tilespmem:s20], [sflag:$0x4], $0x4000, $0x38;
	[tilespmem:$0x19250] =	vst v63  }
0x17b: {  	_ =	swait.ge [sflag:s17], $0x4000  }
0x17c: {  	[sflag:s17] =	ssyncset.done $0x0  }
0x17d: {  	s24 =	simm.s32 $0x0;
	[sflag:s17] =	ssyncadd.s32 $0xFFFFC000  }
0x17e: {  	v0 =	vld [tilespmem:s24+$0x59E0]  }
0x17f: {  	v1 =	vld [tilespmem:s24+$0x5250]  }
0x180: {  	v2 =	vld [tilespmem:s24+$0x5260]  }
0x181: {  	v3 =	vld [tilespmem:s24+$0x52D0]  }
0x182: {  	v4 =	vld [tilespmem:s24+$0x52E0]  }
0x183: {  	v5 =	vld [tilespmem:s24+$0x5350];
	[tilespmem:s24+$0x159E0] =	vst v0  }
0x184: {  	[tilespmem:s24+$0x15250] =	vst v1;
	v0 =	vld [tilespmem:s24+$0x5360]  }
0x185: {  	[tilespmem:s24+$0x15260] =	vst v2;
	v1 =	vld [tilespmem:s24+$0x53D0]  }
0x186: {  	[tilespmem:s24+$0x152D0] =	vst v3;
	v2 =	vld [tilespmem:s24+$0x53E0]  }
0x187: {  	[tilespmem:s24+$0x152E0] =	vst v4;
	v3 =	vld [tilespmem:s24+$0x5450]  }
0x188: {  	[tilespmem:s24+$0x15350] =	vst v5;
	v4 =	vld [tilespmem:s24+$0x5460]  }
0x189: {  	v5 =	vld [tilespmem:s24+$0x5860];
	[tilespmem:s24+$0x15360] =	vst v0  }
0x18a: {  	v0 =	vld [tilespmem:s24+$0x54D0];
	[tilespmem:s24+$0x153D0] =	vst v1  }
0x18b: {  	v1 =	vld [tilespmem:s24+$0x54E0];
	[tilespmem:s24+$0x153E0] =	vst v2  }
0x18c: {  	v2 =	vld [tilespmem:s24+$0x5550];
	[tilespmem:s24+$0x15450] =	vst v3  }
0x18d: {  	v3 =	vld [tilespmem:s24+$0x5560];
	[tilespmem:s24+$0x15460] =	vst v4  }
0x18e: {  	v4 =	vld [tilespmem:s24+$0x55D0];
	[tilespmem:s24+$0x15860] =	vst v5  }
0x18f: {  	[tilespmem:s24+$0x154D0] =	vst v0;
	v0 =	vld [tilespmem:s24+$0x55E0]  }
0x190: {  	[tilespmem:s24+$0x154E0] =	vst v1;
	v1 =	vld [tilespmem:s24+$0x5650]  }
0x191: {  	[tilespmem:s24+$0x15550] =	vst v2;
	v2 =	vld [tilespmem:s24+$0x5660]  }
0x192: {  	[tilespmem:s24+$0x15560] =	vst v3;
	v3 =	vld [tilespmem:s24+$0x56D0]  }
0x193: {  	[tilespmem:s24+$0x155D0] =	vst v4;
	v4 =	vld [tilespmem:s24+$0x56E0]  }
0x194: {  	[tilespmem:s24+$0x155E0] =	vst v0;
	v0 =	vld [tilespmem:s24+$0x5750]  }
0x195: {  	[tilespmem:s24+$0x15650] =	vst v1;
	v1 =	vld [tilespmem:s24+$0x5760]  }
0x196: {  	[tilespmem:s24+$0x15660] =	vst v2;
	v2 =	vld [tilespmem:s24+$0x57D0]  }
0x197: {  	[tilespmem:s24+$0x156D0] =	vst v3;
	v3 =	vld [tilespmem:s24+$0x57E0]  }
0x198: {  	[tilespmem:s24+$0x156E0] =	vst v4;
	v4 =	vld [tilespmem:s24+$0x5850]  }
0x199: {  	[tilespmem:s24+$0x15750] =	vst v0;
	v0 =	vld [tilespmem:s24+$0x58D0]  }
0x19a: {  	[tilespmem:s24+$0x15760] =	vst v1;
	v1 =	vld [tilespmem:s24+$0x58E0]  }
0x19b: {  	[tilespmem:s24+$0x157D0] =	vst v2;
	v2 =	vld [tilespmem:s24+$0x5950]  }
0x19c: {  	[tilespmem:s24+$0x157E0] =	vst v3;
	v3 =	vld [tilespmem:s24+$0x5960]  }
0x19d: {  	s25 =	simm.s32 $0x4000;
	s26 =	simm.s32 $0x800;
	[tilespmem:s24+$0x15850] =	vst v4;
	v4 =	vld [tilespmem:s24+$0x59D0]  }
.LBB2_8:
0x19e: {  	p1 =	sne.s32 s25, $0xE000;
	v5 =	vld [tilespmem:s26+$0x59E0];
	[tilespmem:s24+$0x158D0] =	vst v0  }
0x19f: {  	v0 =	vld [tilespmem:s26+$0x5250];
	[tilespmem:s24+$0x158E0] =	vst v1  }
0x1a0: {  	v1 =	vld [tilespmem:s26+$0x5260];
	[tilespmem:s24+$0x15950] =	vst v2  }
0x1a1: {  	v2 =	vld [tilespmem:s26+$0x52D0];
	[tilespmem:s24+$0x15960] =	vst v3  }
0x1a2: {  	v3 =	vld [tilespmem:s26+$0x52E0];
	[tilespmem:s24+$0x159D0] =	vst v4;
	s24 =	smov.u32 s26  }
0x1a3: {  	v4 =	vld [tilespmem:s24+$0x5350];
	[tilespmem:s24+$0x159E0] =	vst v5  }
0x1a4: {  	[tilespmem:s24+$0x15250] =	vst v0;
	v0 =	vld [tilespmem:s24+$0x5360]  }
0x1a5: {  	[tilespmem:s24+$0x15260] =	vst v1;
	v1 =	vld [tilespmem:s24+$0x53D0]  }
0x1a6: {  	[tilespmem:s24+$0x152D0] =	vst v2;
	v2 =	vld [tilespmem:s24+$0x53E0]  }
0x1a7: {  	[tilespmem:s24+$0x152E0] =	vst v3;
	v3 =	vld [tilespmem:s24+$0x5450]  }
0x1a8: {  	[tilespmem:s24+$0x15350] =	vst v4;
	v4 =	vld [tilespmem:s24+$0x5460]  }
0x1a9: {  	[tilespmem:s24+$0x15360] =	vst v0;
	v0 =	vld [tilespmem:s24+$0x54D0]  }
0x1aa: {  	[tilespmem:s24+$0x153D0] =	vst v1;
	v1 =	vld [tilespmem:s24+$0x54E0]  }
0x1ab: {  	[tilespmem:s24+$0x153E0] =	vst v2;
	v2 =	vld [tilespmem:s24+$0x5550]  }
0x1ac: {  	[tilespmem:s24+$0x15450] =	vst v3;
	v3 =	vld [tilespmem:s24+$0x5560]  }
0x1ad: {  	[tilespmem:s24+$0x15460] =	vst v4;
	v4 =	vld [tilespmem:s24+$0x55D0]  }
0x1ae: {  	[tilespmem:s24+$0x154D0] =	vst v0;
	v0 =	vld [tilespmem:s24+$0x55E0]  }
0x1af: {  	[tilespmem:s24+$0x154E0] =	vst v1;
	v1 =	vld [tilespmem:s24+$0x5650]  }
0x1b0: {  	[tilespmem:s24+$0x15550] =	vst v2;
	v2 =	vld [tilespmem:s24+$0x5660]  }
0x1b1: {  	[tilespmem:s24+$0x15560] =	vst v3;
	v3 =	vld [tilespmem:s24+$0x56D0]  }
0x1b2: {  	[tilespmem:s24+$0x155D0] =	vst v4;
	v4 =	vld [tilespmem:s24+$0x56E0]  }
0x1b3: {  	[tilespmem:s24+$0x155E0] =	vst v0;
	v0 =	vld [tilespmem:s24+$0x5750]  }
0x1b4: {  	[tilespmem:s24+$0x15650] =	vst v1;
	v1 =	vld [tilespmem:s24+$0x5760]  }
0x1b5: {  	[tilespmem:s24+$0x15660] =	vst v2;
	v2 =	vld [tilespmem:s24+$0x57D0]  }
0x1b6: {  	[tilespmem:s24+$0x156D0] =	vst v3;
	v3 =	vld [tilespmem:s24+$0x57E0]  }
0x1b7: {  	[tilespmem:s24+$0x156E0] =	vst v4;
	v4 =	vld [tilespmem:s24+$0x5850]  }
0x1b8: {  	[tilespmem:s24+$0x15750] =	vst v0;
	v5 =	vld [tilespmem:s24+$0x5860]  }
.Ltmp3:
0x1b9: {  	[tilespmem:s24+$0x15760] =	vst v1;
	v0 =	vld [tilespmem:s24+$0x58D0];
	(pc) =	sbr.rel @p1 .LBB2_8-.Ltmp3, $4  }
0x1ba: {  	[tilespmem:s24+$0x157D0] =	vst v2;
	v1 =	vld [tilespmem:s24+$0x58E0]  }
0x1bb: {  	[tilespmem:s24+$0x157E0] =	vst v3;
	v2 =	vld [tilespmem:s24+$0x5950]  }
0x1bc: {  	[tilespmem:s24+$0x15850] =	vst v4;
	v3 =	vld [tilespmem:s24+$0x5960]  }
0x1bd: {  	s26 =	sshra.s32 s25, $0x2;
	s25 =	sadd.s32 $0x2000, s25;
	[tilespmem:s24+$0x15860] =	vst v5;
	v4 =	vld [tilespmem:s24+$0x59D0]  }
0x1be: {  	v5 =	vld [tilespmem:s26+$0x59E0];
	[tilespmem:s24+$0x158D0] =	vst v0  }
0x1bf: {  	v0 =	vld [tilespmem:s26+$0x5250];
	[tilespmem:s24+$0x158E0] =	vst v1  }
0x1c0: {  	v1 =	vld [tilespmem:s26+$0x5260];
	[tilespmem:s24+$0x15950] =	vst v2  }
0x1c1: {  	v2 =	vld [tilespmem:s26+$0x52D0];
	[tilespmem:s24+$0x15960] =	vst v3  }
0x1c2: {  	v3 =	vld [tilespmem:s26+$0x52E0];
	[tilespmem:s24+$0x159D0] =	vst v4  }
0x1c3: {  	v4 =	vld [tilespmem:s26+$0x5350];
	[tilespmem:s26+$0x159E0] =	vst v5  }
0x1c4: {  	v38 =	vld [tilespmem:s26+$0x5360];
	[tilespmem:s26+$0x15250] =	vst v0  }
0x1c5: {  	v39 =	vld [tilespmem:s26+$0x53D0];
	[tilespmem:s26+$0x15260] =	vst v1  }
0x1c6: {  	v40 =	vld [tilespmem:s26+$0x53E0];
	[tilespmem:s26+$0x152D0] =	vst v2  }
0x1c7: {  	v41 =	vld [tilespmem:s26+$0x5450];
	[tilespmem:s26+$0x152E0] =	vst v3  }
0x1c8: {  	v42 =	vld [tilespmem:s26+$0x5460];
	[tilespmem:s26+$0x15350] =	vst v4  }
0x1c9: {  	v43 =	vld [tilespmem:s26+$0x54D0];
	[tilespmem:s26+$0x15360] =	vst v38  }
0x1ca: {  	v44 =	vld [tilespmem:s26+$0x54E0];
	[tilespmem:s26+$0x153D0] =	vst v39  }
0x1cb: {  	v45 =	vld [tilespmem:s26+$0x5550];
	[tilespmem:s26+$0x153E0] =	vst v40  }
0x1cc: {  	v46 =	vld [tilespmem:s26+$0x5560];
	[tilespmem:s26+$0x15450] =	vst v41  }
0x1cd: {  	v47 =	vld [tilespmem:s26+$0x55D0];
	[tilespmem:s26+$0x15460] =	vst v42  }
0x1ce: {  	v48 =	vld [tilespmem:s26+$0x55E0];
	[tilespmem:s26+$0x154D0] =	vst v43  }
0x1cf: {  	v49 =	vld [tilespmem:s26+$0x5650];
	[tilespmem:s26+$0x154E0] =	vst v44  }
0x1d0: {  	v50 =	vld [tilespmem:s26+$0x5660];
	[tilespmem:s26+$0x15550] =	vst v45  }
0x1d1: {  	v51 =	vld [tilespmem:s26+$0x56D0];
	[tilespmem:s26+$0x15560] =	vst v46  }
0x1d2: {  	v52 =	vld [tilespmem:s26+$0x56E0];
	[tilespmem:s26+$0x155D0] =	vst v47  }
0x1d3: {  	v53 =	vld [tilespmem:s26+$0x5750];
	[tilespmem:s26+$0x155E0] =	vst v48  }
0x1d4: {  	v54 =	vld [tilespmem:s26+$0x5760];
	[tilespmem:s26+$0x15650] =	vst v49  }
0x1d5: {  	v55 =	vld [tilespmem:s26+$0x57D0];
	[tilespmem:s26+$0x15660] =	vst v50  }
0x1d6: {  	v56 =	vld [tilespmem:s26+$0x57E0];
	[tilespmem:s26+$0x156D0] =	vst v51  }
0x1d7: {  	v57 =	vld [tilespmem:s26+$0x5850];
	[tilespmem:s26+$0x156E0] =	vst v52  }
0x1d8: {  	v58 =	vld [tilespmem:s26+$0x5860];
	[tilespmem:s26+$0x15750] =	vst v53  }
0x1d9: {  	v59 =	vld [tilespmem:s26+$0x58D0];
	[tilespmem:s26+$0x15760] =	vst v54  }
0x1da: {  	v60 =	vld [tilespmem:s26+$0x58E0];
	[tilespmem:s26+$0x157D0] =	vst v55  }
0x1db: {  	v61 =	vld [tilespmem:s26+$0x5950];
	[tilespmem:s26+$0x157E0] =	vst v56  }
0x1dc: {  	v62 =	vld [tilespmem:s26+$0x5960];
	[tilespmem:s26+$0x15850] =	vst v57  }
0x1dd: {  	v63 =	vld [tilespmem:s26+$0x59D0];
	[tilespmem:s26+$0x15860] =	vst v58  }
0x1de: {  	[tilespmem:s26+$0x158D0] =	vst v59  }
0x1df: {  	[tilespmem:s26+$0x158E0] =	vst v60  }
0x1e0: {  	[tilespmem:s26+$0x15950] =	vst v61  }
0x1e1: {  	[tilespmem:s26+$0x15960] =	vst v62  }
0x1e2: {  	[tilespmem:s26+$0x159D0] =	vst v63  }
0x1e3: {  	[hbm4b:s8+s3] =	stream.linear.scatter [tilespmem:s21], [sflag:$0x4], $0x4000, $0x38;
	[tilespmem:$0x19250] =	vst v63  }
0x1e4: {  	_ =	swait.ge [sflag:s22], $0x4000  }
0x1e5: {  	[sflag:s22] =	ssyncset.done $0x0  }
0x1e6: {  	[sflag:s22] =	ssyncadd.s32 $0xFFFFC000  }
0x1e7: {  	_ =	swait.ge [sflag:s22], $0x4000  }
0x1e8: {  	[sflag:s22] =	ssyncset.done $0x0  }
0x1e9: {  	s23 =	sadd.s32 $0x1, s23;
	[sflag:s22] =	ssyncadd.s32 $0xFFFFC000  }
0x1ea: {  	p1 =	sne.s32 s23, s9;
	_ =	swait.ge [sflag:s22], $0x4000  }
.Ltmp4:
0x1eb: {  	[sflag:s22] =	ssyncset.done $0x0;
	(pc) =	sbr.rel @p1 .LBB2_1-.Ltmp4, $4  }
0x1ec: {  	[sflag:s22] =	ssyncadd.s32 $0xFFFFC000  }
0x1ed: {  	_ =	swait.ge [sflag:s22], $0x4000  }
0x1ee: {  	[sflag:s22] =	ssyncset.done $0x0  }
0x1ef: {  	[sflag:s22] =	ssyncadd.s32 $0xFFFFC000  }
0x1f0: {  	_ =	sfence.sel $0x180000  }
0x1f1: {  	[bflag:$0x0] =	sbarrier.arrive $0xFFFF  }
0x1f2: {  	_ =	strace $0x90000047  }
0x1f3: {  	s0 =	sadd.s32 @!p0 $0x100000, s0;
	[bflag:$0x2] =	sbarrier.arrive $0xFFFF  }
0x1f4: {  	[sflag:s0] =	ssyncadd.tile.s32 @!p0 $0x1;
	_ =	shalt  }
.Lfunc_end2:
_tile_overlayer_lowered:
.L_overlay_start_2:
0x1f5: {  	(tag) =	ssettag $0x2  }
0x1f6: {  	s0 =	rddreg [dreg:$0x0];
	s2 =	stileid.u32  }
0x1f7: {  	s1 =	rddreg [dreg:$0x1];
	p0 =	sne.s32 s2, $0x0  }
0x1f8: {  	s3 =	rddreg [dreg:$0x2];
	[bflag:$0x3] =	sbarrier.arrive $0xFFFF;
	s2 =	simm.s32 @!p0 $0x1C05  }
0x1f9: {  	[timem:s3], [sflag:s2] =	dma.local @!p0 [hbm:s0], s1  }
0x1fa: {  	s0 =	simm.s32 @!p0 $0x5  }
0x1fb: {  	_ =	swait.ge @!p0 [sflag:s0], s1  }
0x1fc: {  	s1 =	ssub.s32 @!p0 $0x0, s1;
	[sflag:s0] =	ssyncset.done @!p0 $0x0  }
0x1fd: {  	[sflag:s0] =	ssyncadd.s32 @!p0 s1  }
0x1fe: {  	[bflag:$0x3] =	sbarrier.arrive $0xFFFF  }
0x1ff: {  	_ =	shalt  }

</sc_bundles>
